<compile_context>
chip_gen: v7x
topology: tpu7x:2x2x1
jax: 0.10.2.dev20260603
libtpu: 0.0.44.dev20260713+nightly
codegen_flags: <defaults>
</compile_context>

<pallas_src>
import functools

import jax
import jax.numpy as jnp
from jax import lax
from jax.experimental import pallas as pl
from jax.experimental.pallas import tpu as pltpu
from jax.experimental.pallas import tpu_sc as plsc

N = 10000
E = 640000
F = 128

NC = 2
NS = 16
NW = NC * NS
R = 10240
RPT = R // NS
RPW = 160
EROWS = NW * RPW
EPAD = EROWS * 128
SB = 16
NSB = RPW // SB

_MESH = plsc.VectorSubcoreMesh(core_axis_name="c", subcore_axis_name="s")
_PREC = lax.Precision.DEFAULT


def _sc_deg(dst2d, ones3, zcol):

    @functools.partial(
        pl.kernel,
        out_type=jax.ShapeDtypeStruct((NC, R), jnp.float32),
        mesh=_MESH,
        scratch_types=[
            pltpu.VMEM((RPW, 128), jnp.int32),
            pltpu.VMEM((128,), jnp.float32),
            pltpu.VMEM_SHARED((R,), jnp.float32),
        ],
    )
    def k(d_hbm, ones_hbm, zcol_hbm, out_hbm, d_v, ones_v, deg_sh):
        cid = lax.axis_index("c")
        sid = lax.axis_index("s")
        wid = sid * NC + cid
        pltpu.sync_copy(zcol_hbm.at[pl.ds(sid * RPT, RPT)],
                        deg_sh.at[pl.ds(sid * RPT, RPT)])
        pltpu.sync_copy(d_hbm.at[pl.ds(wid * RPW, RPW)], d_v)
        pltpu.sync_copy(ones_hbm, ones_v)
        plsc.subcore_barrier()

        @pl.loop(0, RPW)
        def _(r):
            pltpu.sync_copy(ones_v, deg_sh.at[d_v.at[r]], add=True)

        plsc.subcore_barrier()
        pltpu.sync_copy(deg_sh.at[pl.ds(sid * RPT, RPT)],
                        out_hbm.at[cid, pl.ds(sid * RPT, RPT)])

    return k(dst2d, ones3, zcol)


def _sc_agg(y, src2d, dst2d, zeros):

    @functools.partial(
        pl.kernel,
        out_type=jax.ShapeDtypeStruct((NC, R, F), jnp.float32),
        mesh=_MESH,
        scratch_types=[
            pltpu.VMEM((2, SB, 128), jnp.int32),
            pltpu.VMEM((2, SB, 128), jnp.int32),
            pltpu.VMEM((2, 128, F), jnp.float32),
            pltpu.VMEM_SHARED((R, F), jnp.float32),
            pltpu.SemaphoreType.DMA,
            pltpu.SemaphoreType.DMA,
            pltpu.SemaphoreType.DMA,
            pltpu.SemaphoreType.DMA,
            pltpu.SemaphoreType.DMA,
            pltpu.SemaphoreType.DMA,
            pltpu.SemaphoreType.DMA,
            pltpu.SemaphoreType.DMA,
        ],
    )
    def k(y_hbm, s_hbm, d_hbm, z_hbm, out_hbm, s_sl, d_sl,
          rows_v, acc_sh, g0, g1, g2a, g2b, sc0, sc1, isem, zsem):
        cid = lax.axis_index("c")
        sid = lax.axis_index("s")
        wid = sid * NC + cid
        gsem2 = (g2a, g2b)
        base = wid * RPW
        zcopy = pltpu.make_async_copy(z_hbm.at[pl.ds(sid * RPT, RPT)],
                                      acc_sh.at[pl.ds(sid * RPT, RPT)], zsem)
        zcopy.start()

        gsem = (g0, g1)
        ssem = (sc0, sc1)

        def fire_slab(b, bs):
            row = base + b * SB
            pltpu.async_copy(s_hbm.at[pl.ds(row, SB)], s_sl.at[bs], isem)
            pltpu.async_copy(d_hbm.at[pl.ds(row, SB)], d_sl.at[bs], isem)

        def wait_slab(bs):
            pltpu.make_async_copy(s_hbm.at[pl.ds(base, SB)], s_sl.at[bs],
                                  isem).wait()
            pltpu.make_async_copy(d_hbm.at[pl.ds(base, SB)], d_sl.at[bs],
                                  isem).wait()

        def fire_gather(bs, j, slot):
            pltpu.make_async_copy(y_hbm.at[s_sl.at[bs, j, pl.ds(0, 64)]],
                                  rows_v.at[slot, pl.ds(0, 64)],
                                  gsem[slot]).start()
            pltpu.make_async_copy(y_hbm.at[s_sl.at[bs, j, pl.ds(64, 64)]],
                                  rows_v.at[slot, pl.ds(64, 64)],
                                  gsem2[slot]).start()

        def wait_scatter(bs, j, slot):
            pltpu.make_async_copy(rows_v.at[slot], acc_sh.at[d_sl.at[bs, j]],
                                  ssem[slot]).wait()

        def gather_to_scatter(bs, j, slot):
            pltpu.make_async_copy(y_hbm.at[s_sl.at[bs, j, pl.ds(0, 64)]],
                                  rows_v.at[slot, pl.ds(0, 64)],
                                  gsem[slot]).wait()
            pltpu.make_async_copy(y_hbm.at[s_sl.at[bs, j, pl.ds(64, 64)]],
                                  rows_v.at[slot, pl.ds(64, 64)],
                                  gsem2[slot]).wait()
            pltpu.async_copy(rows_v.at[slot], acc_sh.at[d_sl.at[bs, j]],
                             ssem[slot], add=True)

        pltpu.sync_copy(s_hbm.at[pl.ds(base, SB)], s_sl.at[0])
        pltpu.sync_copy(d_hbm.at[pl.ds(base, SB)], d_sl.at[0])
        fire_slab(1, 1)
        fire_gather(0, 0, 0)
        zcopy.wait()
        plsc.subcore_barrier()

        @pl.loop(0, NSB)
        def _(b):
            bs = lax.rem(b, 2)
            nbs = 1 - bs

            @pl.loop(0, SB // 2)
            def _(q):
                j = 2 * q
                gather_to_scatter(bs, j, 0)

                @pl.when(q > 0)
                def _():
                    wait_scatter(bs, j - 1, 1)

                fire_gather(bs, j + 1, 1)
                gather_to_scatter(bs, j + 1, 1)
                wait_scatter(bs, j, 0)

                @pl.when(q < SB // 2 - 1)
                def _():
                    fire_gather(bs, j + 2, 0)

            @pl.when(b < NSB - 1)
            def _():
                wait_slab(nbs)
                fire_gather(nbs, 0, 0)
                wait_scatter(bs, SB - 1, 1)

                @pl.when(b < NSB - 2)
                def _():
                    fire_slab(b + 2, bs)

            @pl.when(b == NSB - 1)
            def _():
                wait_scatter(bs, SB - 1, 1)

        plsc.subcore_barrier()
        pltpu.sync_copy(acc_sh.at[pl.ds(sid * RPT, RPT)],
                        out_hbm.at[cid, pl.ds(sid * RPT, RPT)])

    return k(y, src2d, dst2d, zeros)


def _tc_deg_finish(degp, x, W):

    def body(degp_ref, x_ref, w_ref, dinv_ref, y_ref):
        deg = degp_ref[:, 0:1] + degp_ref[:, 1:2] + 1.0
        rows = lax.broadcasted_iota(jnp.int32, (R, 1), 0)
        dinv = jnp.where(rows < N, lax.rsqrt(deg), 0.0)
        dinv_ref[...] = dinv
        y_ref[...] = dinv * jnp.dot(x_ref[...], w_ref[...],
                                    preferred_element_type=jnp.float32,
                                    precision=_PREC)

    return pl.pallas_call(
        body,
        out_shape=(jax.ShapeDtypeStruct((R, 1), jnp.float32),
                   jax.ShapeDtypeStruct((R, F), jnp.float32)))(degp, x, W)


def _tc_combine(p, y, dinv, b, g, be, Wn):

    def body(p_ref, y_ref, dinv_ref, b_ref, g_ref, be_ref, w_ref,
             h_ref, yn_ref):
        dinv = dinv_ref[...]
        z = dinv * (p_ref[0] + p_ref[1] + y_ref[...]) + b_ref[...]
        rows = lax.broadcasted_iota(jnp.int32, (R, 1), 0)
        mask = rows < N
        zm = jnp.where(mask, z, 0.0)
        m = jnp.sum(zm, axis=0, keepdims=True) * (1.0 / N)
        v = jnp.sum(zm * zm, axis=0, keepdims=True) * (1.0 / N) - m * m
        hn = (z - m) * lax.rsqrt(v + 1e-5) * g_ref[...] + be_ref[...]
        h = jnp.where(mask, jnp.maximum(hn, 0.0), 0.0)
        h_ref[...] = h
        yn_ref[...] = dinv * jnp.dot(h, w_ref[...],
                                     preferred_element_type=jnp.float32,
                                     precision=_PREC)

    return pl.pallas_call(
        body,
        out_shape=(jax.ShapeDtypeStruct((R, F), jnp.float32),
                   jax.ShapeDtypeStruct((R, F), jnp.float32)))(
            p, y, dinv, b, g, be, Wn)


def _tc_final(p, y, dinv, b, g, be, h1, h2, Wl1, bl1, Wl2, bl2):

    def body(p_ref, y_ref, dinv_ref, b_ref, g_ref, be_ref, h1_ref, h2_ref,
             wl1_ref, bl1_ref, wl2_ref, bl2_ref, o_ref):
        dinv = dinv_ref[...]
        z = dinv * (p_ref[0] + p_ref[1] + y_ref[...]) + b_ref[...]
        rows = lax.broadcasted_iota(jnp.int32, (R, 1), 0)
        mask = rows < N
        zm = jnp.where(mask, z, 0.0)
        m = jnp.sum(zm, axis=0, keepdims=True) * (1.0 / N)
        v = jnp.sum(zm * zm, axis=0, keepdims=True) * (1.0 / N) - m * m
        hn = (z - m) * lax.rsqrt(v + 1e-5) * g_ref[...] + be_ref[...]
        h3 = jnp.where(mask, jnp.maximum(hn, 0.0), 0.0)
        h = h1_ref[...] + h2_ref[...] + h3
        hh = jnp.maximum(jnp.dot(h, wl1_ref[...],
                                 preferred_element_type=jnp.float32,
                                 precision=_PREC) + bl1_ref[...], 0.0)
        o_ref[...] = jnp.dot(hh, wl2_ref[...],
                             preferred_element_type=jnp.float32,
                             precision=_PREC) + bl2_ref[...]

    return pl.pallas_call(
        body, out_shape=jax.ShapeDtypeStruct((R, 1), jnp.float32))(
            p, y, dinv, b, g, be, h1, h2, Wl1, bl1, Wl2, bl2)


def kernel(x, edge_index, W1, b1, W2, b2, W3, b3, g1, be1, g2, be2, g3, be3,
           Wl1, bl1, Wl2, bl2):
    f32 = jnp.float32
    src = edge_index[0]
    dst = edge_index[1]
    pad = N + (jnp.arange(EPAD - E, dtype=jnp.int32) % (R - N))
    srcp = jnp.concatenate([src, pad]).reshape(EROWS, 128)
    dstp = jnp.concatenate([dst, pad]).reshape(EROWS, 128)
    xp = jnp.pad(x, ((0, R - N), (0, 0)))
    zeros = jnp.zeros((R, F), f32)
    zcol = jnp.zeros((R,), f32)
    ones2 = jnp.ones((128,), f32)

    degp = _sc_deg(dstp, ones2, zcol)
    dinv, y1 = _tc_deg_finish(degp.T, xp, W1)
    p1 = _sc_agg(y1, srcp, dstp, zeros)
    h1, y2 = _tc_combine(p1, y1, dinv, b1.reshape(1, F), g1.reshape(1, F),
                         be1.reshape(1, F), W2)
    p2 = _sc_agg(y2, srcp, dstp, zeros)
    h2, y3 = _tc_combine(p2, y2, dinv, b2.reshape(1, F), g2.reshape(1, F),
                         be2.reshape(1, F), W3)
    p3 = _sc_agg(y3, srcp, dstp, zeros)
    o = _tc_final(p3, y3, dinv, b3.reshape(1, F), g3.reshape(1, F),
                  be3.reshape(1, F), h1, h2, Wl1, bl1.reshape(1, F // 2),
                  Wl2, bl2.reshape(1, 1))
    return o[:N, 0]

# --- scband reference (transcript-rebuilt; emitter-appended) ---
"""Pipeline reference for scband-gnnregressor-17162689315160 (READ-ONLY COPY).

The authoritative reference and input builder live on the scoring server;
editing this copy changes nothing except your own understanding.
"""

import jax, jax.numpy as jnp
import numpy as np

N = 10000
E = 640000
F_IN = 128
H = 128


def setup_inputs(seed: int = 0) -> dict:
    key = jax.random.key(seed)
    ks = jax.random.split(key, 20)
    inp = {}
    inp['x'] = jax.random.normal(ks[0], (N, F_IN), dtype=jnp.float32)
    inp['edge_index'] = jax.random.randint(ks[1], (2, E), 0, N, dtype=jnp.int32)
    s_in = 1.0 / np.sqrt(F_IN)
    s_h = 1.0 / np.sqrt(H)
    inp['W1'] = jax.random.normal(ks[2], (F_IN, H), dtype=jnp.float32) * s_in
    inp['b1'] = jnp.zeros((H,), dtype=jnp.float32)
    inp['W2'] = jax.random.normal(ks[3], (H, H), dtype=jnp.float32) * s_h
    inp['b2'] = jnp.zeros((H,), dtype=jnp.float32)
    inp['W3'] = jax.random.normal(ks[4], (H, H), dtype=jnp.float32) * s_h
    inp['b3'] = jnp.zeros((H,), dtype=jnp.float32)
    inp['g1'] = jnp.ones((H,), dtype=jnp.float32)
    inp['be1'] = jnp.zeros((H,), dtype=jnp.float32)
    inp['g2'] = jnp.ones((H,), dtype=jnp.float32)
    inp['be2'] = jnp.zeros((H,), dtype=jnp.float32)
    inp['g3'] = jnp.ones((H,), dtype=jnp.float32)
    inp['be3'] = jnp.zeros((H,), dtype=jnp.float32)
    inp['Wl1'] = jax.random.normal(ks[5], (H, H // 2), dtype=jnp.float32) * s_h
    inp['bl1'] = jnp.zeros((H // 2,), dtype=jnp.float32)
    inp['Wl2'] = jax.random.normal(ks[6], (H // 2, 1), dtype=jnp.float32) * (1.0 / np.sqrt(H // 2))
    inp['bl2'] = jnp.zeros((1,), dtype=jnp.float32)
    return inp


def gcn_conv(x, src, dst, W, b, n):
    # GCNConv: x W, add self-loops, symmetric normalization D^-1/2 (A+I) D^-1/2, aggregate, + bias
    x = x @ W
    loop = jnp.arange(n, dtype=src.dtype)
    s = jnp.concatenate([src, loop])
    d = jnp.concatenate([dst, loop])
    deg = jnp.zeros((n,), dtype=x.dtype).at[d].add(1.0)
    dinv = jnp.where(deg > 0, jax.lax.rsqrt(deg), 0.0)
    norm = dinv[s] * dinv[d]
    msg = x[s] * norm[:, None]
    out = jax.ops.segment_sum(msg, d, num_segments=n)
    return out + b


def batch_norm(x, g, b, eps=1e-5):
    m = jnp.mean(x, axis=0)
    v = jnp.var(x, axis=0)
    return (x - m) * jax.lax.rsqrt(v + eps) * g + b


def reference(x, edge_index, W1, b1, W2, b2, W3, b3, g1, be1, g2, be2, g3, be3, Wl1, bl1, Wl2, bl2):
    n = x.shape[0]
    src, dst = edge_index[0], edge_index[1]
    x1 = gcn_conv(x, src, dst, W1, b1, n)
    x1 = jax.nn.relu(batch_norm(x1, g1, be1))
    x2 = gcn_conv(x1, src, dst, W2, b2, n)
    x2 = jax.nn.relu(batch_norm(x2, g2, be2))
    x3 = gcn_conv(x2, src, dst, W3, b3, n)
    x3 = jax.nn.relu(batch_norm(x3, g3, be3))
    h = x1 + x2 + x3
    h = jax.nn.relu(h @ Wl1 + bl1)
    out = h @ Wl2 + bl2
    return out.squeeze(-1)

if __name__ == "__main__":
    import jax
    _d = setup_inputs()
    print(jax.jit(kernel)(*tuple(_d.values())))

</pallas_src>

<mosaic_0001>
#map = affine_map<(d0, d1) -> (0, 0)>
#map1 = affine_map<(d0, d1) -> (0, 0, 0)>
module attributes {stable_mosaic.version = 14 : i64} {
  func.func @k(%arg0: i32, %arg1: i32, %arg2: memref<10240x128xf32, #tpu.memory_space<hbm>>, %arg3: memref<5120x128xi32, #tpu.memory_space<hbm>>, %arg4: memref<5120x128xi32, #tpu.memory_space<hbm>>, %arg5: memref<10240x128xf32, #tpu.memory_space<hbm>>, %arg6: memref<2x10240x128xf32, #tpu.memory_space<hbm>>, %arg7: memref<2x16x128xi32, #tpu.memory_space<vmem>>, %arg8: memref<2x16x128xi32, #tpu.memory_space<vmem>>, %arg9: memref<2x128x128xf32, #tpu.memory_space<vmem>>, %arg10: memref<10240x128xf32, #tpu.memory_space<vmem_shared>>, %arg11: memref<!tpu.dma_semaphore, #tpu.memory_space<semaphore_mem>>, %arg12: memref<!tpu.dma_semaphore, #tpu.memory_space<semaphore_mem>>, %arg13: memref<!tpu.dma_semaphore, #tpu.memory_space<semaphore_mem>>, %arg14: memref<!tpu.dma_semaphore, #tpu.memory_space<semaphore_mem>>, %arg15: memref<!tpu.dma_semaphore, #tpu.memory_space<semaphore_mem>>, %arg16: memref<!tpu.dma_semaphore, #tpu.memory_space<semaphore_mem>>, %arg17: memref<!tpu.dma_semaphore, #tpu.memory_space<semaphore_mem>>, %arg18: memref<!tpu.dma_semaphore, #tpu.memory_space<semaphore_mem>>) attributes {dimension_semantics = [#tpu.dimension_semantics<core_parallel>, #tpu.dimension_semantics<subcore_parallel>], iteration_bounds = array<i64: 2, 16>, scalar_prefetch = 0 : i64, scratch_operands = 12 : i64, tpu.core_type = #tpu.core_type<sc_vector_subcore>, window_params = [{transform_indices = #map}, {transform_indices = #map}, {transform_indices = #map}, {transform_indices = #map}, {transform_indices = #map1}]} {
    %mul3A = arith.constant 2 : i32
    %mul3A_0 = arith.muli %arg1, %mul3A : i32
    %add3A = arith.addi %mul3A_0, %arg0 : i32
    %mul3A_1 = arith.constant 160 : i32
    %mul3A_2 = arith.muli %add3A, %mul3A_1 : i32
    %mul3A_3 = arith.constant 640 : i32
    %mul3A_4 = arith.muli %arg1, %mul3A_3 : i32
    %mul3A_5 = arith.constant 640 : i32
    %mul3A_6 = arith.muli %arg1, %mul3A_5 : i32
    %dma_start3A = arith.constant 0 : i32
    %dma_start3A_7 = tpu.memref_slice %arg10[%mul3A_6, %dma_start3A] : memref<10240x128xf32, #tpu.memory_space<vmem_shared>> -> memref<640x128xf32, #tpu.memory_space<vmem_shared>>
    %dma_start3A_8 = arith.constant 0 : i32
    %dma_start3A_9 = tpu.memref_slice %arg5[%mul3A_4, %dma_start3A_8] : memref<10240x128xf32, #tpu.memory_space<hbm>> -> memref<640x128xf32, #tpu.memory_space<hbm>>
    tpu.enqueue_dma source(%dma_start3A_9 : memref<640x128xf32, #tpu.memory_space<hbm>>) target(%dma_start3A_7 : memref<640x128xf32, #tpu.memory_space<vmem_shared>>) target_semaphore(%arg18 : memref<!tpu.dma_semaphore, #tpu.memory_space<semaphore_mem>>)
    %run_scoped3A = arith.constant 0 : i32
    "tpu.region"() ({
      %run_scoped3A_77 = tpu.sem_alloc : memref<!tpu.dma_semaphore, #tpu.memory_space<semaphore_mem>>
      %dma_start3A_78 = arith.constant 0 : i32
      %dma_start3A_79 = arith.constant 0 : i32
      %dma_start3A_80 = tpu.memref_slice %arg7[%run_scoped3A, %dma_start3A_78, %dma_start3A_79] : memref<2x16x128xi32, #tpu.memory_space<vmem>> -> memref<1x16x128xi32, #tpu.memory_space<vmem>>
      %dma_start3A_81 = tpu.memref_squeeze %dma_start3A_80 : memref<1x16x128xi32, #tpu.memory_space<vmem>> -> memref<16x128xi32, #tpu.memory_space<vmem>>
      %dma_start3A_82 = arith.constant 0 : i32
      %dma_start3A_83 = tpu.memref_slice %arg3[%mul3A_2, %dma_start3A_82] : memref<5120x128xi32, #tpu.memory_space<hbm>> -> memref<16x128xi32, #tpu.memory_space<hbm>>
      %dma_start3A_84 = arith.constant 0 : i32
      %dma_start3A_85 = arith.constant 0 : i32
      %dma_start3A_86 = tpu.memref_slice %arg7[%run_scoped3A, %dma_start3A_84, %dma_start3A_85] : memref<2x16x128xi32, #tpu.memory_space<vmem>> -> memref<1x16x128xi32, #tpu.memory_space<vmem>>
      %dma_start3A_87 = tpu.memref_squeeze %dma_start3A_86 : memref<1x16x128xi32, #tpu.memory_space<vmem>> -> memref<16x128xi32, #tpu.memory_space<vmem>>
      %dma_start3A_88 = arith.constant 0 : i32
      %dma_start3A_89 = tpu.memref_slice %arg3[%mul3A_2, %dma_start3A_88] : memref<5120x128xi32, #tpu.memory_space<hbm>> -> memref<16x128xi32, #tpu.memory_space<hbm>>
      tpu.enqueue_dma source(%dma_start3A_89 : memref<16x128xi32, #tpu.memory_space<hbm>>) target(%dma_start3A_87 : memref<16x128xi32, #tpu.memory_space<vmem>>) target_semaphore(%run_scoped3A_77 : memref<!tpu.dma_semaphore, #tpu.memory_space<semaphore_mem>>)
      %dma_wait3A_90 = arith.constant 0 : i32
      %dma_wait3A_91 = arith.constant 0 : i32
      %dma_wait3A_92 = tpu.memref_slice %arg7[%run_scoped3A, %dma_wait3A_90, %dma_wait3A_91] : memref<2x16x128xi32, #tpu.memory_space<vmem>> -> memref<1x16x128xi32, #tpu.memory_space<vmem>>
      %dma_wait3A_93 = tpu.memref_squeeze %dma_wait3A_92 : memref<1x16x128xi32, #tpu.memory_space<vmem>> -> memref<16x128xi32, #tpu.memory_space<vmem>>
      %dma_wait3A_94 = arith.constant 0 : i32
      %dma_wait3A_95 = tpu.memref_slice %arg3[%mul3A_2, %dma_wait3A_94] : memref<5120x128xi32, #tpu.memory_space<hbm>> -> memref<16x128xi32, #tpu.memory_space<hbm>>
      %dma_wait3A_96 = arith.constant 0 : i32
      %dma_wait3A_97 = arith.constant 0 : i32
      %dma_wait3A_98 = tpu.memref_slice %arg7[%run_scoped3A, %dma_wait3A_96, %dma_wait3A_97] : memref<2x16x128xi32, #tpu.memory_space<vmem>> -> memref<1x16x128xi32, #tpu.memory_space<vmem>>
      %dma_wait3A_99 = tpu.memref_squeeze %dma_wait3A_98 : memref<1x16x128xi32, #tpu.memory_space<vmem>> -> memref<16x128xi32, #tpu.memory_space<vmem>>
      %dma_wait3A_100 = arith.constant 0 : i32
      %dma_wait3A_101 = tpu.memref_slice %arg3[%mul3A_2, %dma_wait3A_100] : memref<5120x128xi32, #tpu.memory_space<hbm>> -> memref<16x128xi32, #tpu.memory_space<hbm>>
      tpu.wait_dma2 semaphore(%run_scoped3A_77 : memref<!tpu.dma_semaphore, #tpu.memory_space<semaphore_mem>>) src(%dma_wait3A_101 : memref<16x128xi32, #tpu.memory_space<hbm>>) dst(%dma_wait3A_99 : memref<16x128xi32, #tpu.memory_space<vmem>>)
      tpu.yield
    }) : () -> ()
    %run_scoped3A_10 = arith.constant 0 : i32
    "tpu.region"() ({
      %run_scoped3A_77 = tpu.sem_alloc : memref<!tpu.dma_semaphore, #tpu.memory_space<semaphore_mem>>
      %dma_start3A_78 = arith.constant 0 : i32
      %dma_start3A_79 = arith.constant 0 : i32
      %dma_start3A_80 = tpu.memref_slice %arg8[%run_scoped3A_10, %dma_start3A_78, %dma_start3A_79] : memref<2x16x128xi32, #tpu.memory_space<vmem>> -> memref<1x16x128xi32, #tpu.memory_space<vmem>>
      %dma_start3A_81 = tpu.memref_squeeze %dma_start3A_80 : memref<1x16x128xi32, #tpu.memory_space<vmem>> -> memref<16x128xi32, #tpu.memory_space<vmem>>
      %dma_start3A_82 = arith.constant 0 : i32
      %dma_start3A_83 = tpu.memref_slice %arg4[%mul3A_2, %dma_start3A_82] : memref<5120x128xi32, #tpu.memory_space<hbm>> -> memref<16x128xi32, #tpu.memory_space<hbm>>
      %dma_start3A_84 = arith.constant 0 : i32
      %dma_start3A_85 = arith.constant 0 : i32
      %dma_start3A_86 = tpu.memref_slice %arg8[%run_scoped3A_10, %dma_start3A_84, %dma_start3A_85] : memref<2x16x128xi32, #tpu.memory_space<vmem>> -> memref<1x16x128xi32, #tpu.memory_space<vmem>>
      %dma_start3A_87 = tpu.memref_squeeze %dma_start3A_86 : memref<1x16x128xi32, #tpu.memory_space<vmem>> -> memref<16x128xi32, #tpu.memory_space<vmem>>
      %dma_start3A_88 = arith.constant 0 : i32
      %dma_start3A_89 = tpu.memref_slice %arg4[%mul3A_2, %dma_start3A_88] : memref<5120x128xi32, #tpu.memory_space<hbm>> -> memref<16x128xi32, #tpu.memory_space<hbm>>
      tpu.enqueue_dma source(%dma_start3A_89 : memref<16x128xi32, #tpu.memory_space<hbm>>) target(%dma_start3A_87 : memref<16x128xi32, #tpu.memory_space<vmem>>) target_semaphore(%run_scoped3A_77 : memref<!tpu.dma_semaphore, #tpu.memory_space<semaphore_mem>>)
      %dma_wait3A_90 = arith.constant 0 : i32
      %dma_wait3A_91 = arith.constant 0 : i32
      %dma_wait3A_92 = tpu.memref_slice %arg8[%run_scoped3A_10, %dma_wait3A_90, %dma_wait3A_91] : memref<2x16x128xi32, #tpu.memory_space<vmem>> -> memref<1x16x128xi32, #tpu.memory_space<vmem>>
      %dma_wait3A_93 = tpu.memref_squeeze %dma_wait3A_92 : memref<1x16x128xi32, #tpu.memory_space<vmem>> -> memref<16x128xi32, #tpu.memory_space<vmem>>
      %dma_wait3A_94 = arith.constant 0 : i32
      %dma_wait3A_95 = tpu.memref_slice %arg4[%mul3A_2, %dma_wait3A_94] : memref<5120x128xi32, #tpu.memory_space<hbm>> -> memref<16x128xi32, #tpu.memory_space<hbm>>
      %dma_wait3A_96 = arith.constant 0 : i32
      %dma_wait3A_97 = arith.constant 0 : i32
      %dma_wait3A_98 = tpu.memref_slice %arg8[%run_scoped3A_10, %dma_wait3A_96, %dma_wait3A_97] : memref<2x16x128xi32, #tpu.memory_space<vmem>> -> memref<1x16x128xi32, #tpu.memory_space<vmem>>
      %dma_wait3A_99 = tpu.memref_squeeze %dma_wait3A_98 : memref<1x16x128xi32, #tpu.memory_space<vmem>> -> memref<16x128xi32, #tpu.memory_space<vmem>>
      %dma_wait3A_100 = arith.constant 0 : i32
      %dma_wait3A_101 = tpu.memref_slice %arg4[%mul3A_2, %dma_wait3A_100] : memref<5120x128xi32, #tpu.memory_space<hbm>> -> memref<16x128xi32, #tpu.memory_space<hbm>>
      tpu.wait_dma2 semaphore(%run_scoped3A_77 : memref<!tpu.dma_semaphore, #tpu.memory_space<semaphore_mem>>) src(%dma_wait3A_101 : memref<16x128xi32, #tpu.memory_space<hbm>>) dst(%dma_wait3A_99 : memref<16x128xi32, #tpu.memory_space<vmem>>)
      tpu.yield
    }) : () -> ()
    %add3A_11 = arith.constant 16 : i32
    %add3A_12 = arith.addi %mul3A_2, %add3A_11 : i32
    %dma_start3A_13 = arith.constant 1 : i32
    %dma_start3A_14 = arith.constant 0 : i32
    %dma_start3A_15 = arith.constant 0 : i32
    %dma_start3A_16 = tpu.memref_slice %arg7[%dma_start3A_13, %dma_start3A_14, %dma_start3A_15] : memref<2x16x128xi32, #tpu.memory_space<vmem>> -> memref<1x16x128xi32, #tpu.memory_space<vmem>>
    %dma_start3A_17 = tpu.memref_squeeze %dma_start3A_16 : memref<1x16x128xi32, #tpu.memory_space<vmem>> -> memref<16x128xi32, #tpu.memory_space<vmem>>
    %dma_start3A_18 = arith.constant 0 : i32
    %dma_start3A_19 = tpu.memref_slice %arg3[%add3A_12, %dma_start3A_18] : memref<5120x128xi32, #tpu.memory_space<hbm>> -> memref<16x128xi32, #tpu.memory_space<hbm>>
    %dma_start3A_20 = arith.constant 0 : i32
    %dma_start3A_21 = arith.constant 0 : i32
    %dma_start3A_22 = tpu.memref_slice %arg7[%dma_start3A_13, %dma_start3A_20, %dma_start3A_21] : memref<2x16x128xi32, #tpu.memory_space<vmem>> -> memref<1x16x128xi32, #tpu.memory_space<vmem>>
    %dma_start3A_23 = tpu.memref_squeeze %dma_start3A_22 : memref<1x16x128xi32, #tpu.memory_space<vmem>> -> memref<16x128xi32, #tpu.memory_space<vmem>>
    %dma_start3A_24 = arith.constant 0 : i32
    %dma_start3A_25 = tpu.memref_slice %arg3[%add3A_12, %dma_start3A_24] : memref<5120x128xi32, #tpu.memory_space<hbm>> -> memref<16x128xi32, #tpu.memory_space<hbm>>
    tpu.enqueue_dma source(%dma_start3A_25 : memref<16x128xi32, #tpu.memory_space<hbm>>) target(%dma_start3A_23 : memref<16x128xi32, #tpu.memory_space<vmem>>) target_semaphore(%arg17 : memref<!tpu.dma_semaphore, #tpu.memory_space<semaphore_mem>>)
    %dma_start3A_26 = arith.constant 1 : i32
    %dma_start3A_27 = arith.constant 0 : i32
    %dma_start3A_28 = arith.constant 0 : i32
    %dma_start3A_29 = tpu.memref_slice %arg8[%dma_start3A_26, %dma_start3A_27, %dma_start3A_28] : memref<2x16x128xi32, #tpu.memory_space<vmem>> -> memref<1x16x128xi32, #tpu.memory_space<vmem>>
    %dma_start3A_30 = tpu.memref_squeeze %dma_start3A_29 : memref<1x16x128xi32, #tpu.memory_space<vmem>> -> memref<16x128xi32, #tpu.memory_space<vmem>>
    %dma_start3A_31 = arith.constant 0 : i32
    %dma_start3A_32 = tpu.memref_slice %arg4[%add3A_12, %dma_start3A_31] : memref<5120x128xi32, #tpu.memory_space<hbm>> -> memref<16x128xi32, #tpu.memory_space<hbm>>
    %dma_start3A_33 = arith.constant 0 : i32
    %dma_start3A_34 = arith.constant 0 : i32
    %dma_start3A_35 = tpu.memref_slice %arg8[%dma_start3A_26, %dma_start3A_33, %dma_start3A_34] : memref<2x16x128xi32, #tpu.memory_space<vmem>> -> memref<1x16x128xi32, #tpu.memory_space<vmem>>
    %dma_start3A_36 = tpu.memref_squeeze %dma_start3A_35 : memref<1x16x128xi32, #tpu.memory_space<vmem>> -> memref<16x128xi32, #tpu.memory_space<vmem>>
    %dma_start3A_37 = arith.constant 0 : i32
    %dma_start3A_38 = tpu.memref_slice %arg4[%add3A_12, %dma_start3A_37] : memref<5120x128xi32, #tpu.memory_space<hbm>> -> memref<16x128xi32, #tpu.memory_space<hbm>>
    tpu.enqueue_dma source(%dma_start3A_38 : memref<16x128xi32, #tpu.memory_space<hbm>>) target(%dma_start3A_36 : memref<16x128xi32, #tpu.memory_space<vmem>>) target_semaphore(%arg17 : memref<!tpu.dma_semaphore, #tpu.memory_space<semaphore_mem>>)
    %dma_start3A_39 = arith.constant 0 : i32
    %dma_start3A_40 = arith.constant 0 : i32
    %dma_start3A_41 = arith.constant 0 : i32
    %dma_start3A_42 = arith.constant 0 : i32
    %dma_start3A_43 = arith.constant 0 : i32
    %dma_start3A_44 = tpu.memref_slice %arg9[%dma_start3A_41, %dma_start3A_42, %dma_start3A_43] : memref<2x128x128xf32, #tpu.memory_space<vmem>> -> memref<1x64x128xf32, #tpu.memory_space<vmem>>
    %dma_start3A_45 = tpu.memref_squeeze %dma_start3A_44 : memref<1x64x128xf32, #tpu.memory_space<vmem>> -> memref<64x128xf32, #tpu.memory_space<vmem>>
    %dma_start3A_46 = arith.constant 0 : i32
    %dma_start3A_47 = tpu.memref_slice %arg7[%dma_start3A_39, %dma_start3A_40, %dma_start3A_46] : memref<2x16x128xi32, #tpu.memory_space<vmem>> -> memref<1x1x64xi32, #tpu.memory_space<vmem>>
    %dma_start3A_48 = tpu.memref_squeeze %dma_start3A_47 : memref<1x1x64xi32, #tpu.memory_space<vmem>> -> memref<64xi32, #tpu.memory_space<vmem>>
    %dma_start3A_49 = arith.constant 0 : i32
    %dma_start3A_50 = arith.constant 0 : i32
    %dma_start3A_51 = tpu.memref_slice %arg2[%dma_start3A_49, %dma_start3A_50] : memref<10240x128xf32, #tpu.memory_space<hbm>> -> memref<10240x128xf32, #tpu.memory_space<hbm>>
    tpu.enqueue_indirect_dma source(%dma_start3A_51 : memref<10240x128xf32, #tpu.memory_space<hbm>>) target(%dma_start3A_45 : memref<64x128xf32, #tpu.memory_space<vmem>>) offsets(%dma_start3A_48 : memref<64xi32, #tpu.memory_space<vmem>>) semaphore(%arg11 : memref<!tpu.dma_semaphore, #tpu.memory_space<semaphore_mem>>)
    %dma_start3A_52 = arith.constant 0 : i32
    %dma_start3A_53 = arith.constant 0 : i32
    %dma_start3A_54 = arith.constant 0 : i32
    %dma_start3A_55 = arith.constant 64 : i32
    %dma_start3A_56 = arith.constant 0 : i32
    %dma_start3A_57 = tpu.memref_slice %arg9[%dma_start3A_54, %dma_start3A_55, %dma_start3A_56] : memref<2x128x128xf32, #tpu.memory_space<vmem>> -> memref<1x64x128xf32, #tpu.memory_space<vmem>>
    %dma_start3A_58 = tpu.memref_squeeze %dma_start3A_57 : memref<1x64x128xf32, #tpu.memory_space<vmem>> -> memref<64x128xf32, #tpu.memory_space<vmem>>
    %dma_start3A_59 = arith.constant 64 : i32
    %dma_start3A_60 = tpu.memref_slice %arg7[%dma_start3A_52, %dma_start3A_53, %dma_start3A_59] : memref<2x16x128xi32, #tpu.memory_space<vmem>> -> memref<1x1x64xi32, #tpu.memory_space<vmem>>
    %dma_start3A_61 = tpu.memref_squeeze %dma_start3A_60 : memref<1x1x64xi32, #tpu.memory_space<vmem>> -> memref<64xi32, #tpu.memory_space<vmem>>
    %dma_start3A_62 = arith.constant 0 : i32
    %dma_start3A_63 = arith.constant 0 : i32
    %dma_start3A_64 = tpu.memref_slice %arg2[%dma_start3A_62, %dma_start3A_63] : memref<10240x128xf32, #tpu.memory_space<hbm>> -> memref<10240x128xf32, #tpu.memory_space<hbm>>
    tpu.enqueue_indirect_dma source(%dma_start3A_64 : memref<10240x128xf32, #tpu.memory_space<hbm>>) target(%dma_start3A_58 : memref<64x128xf32, #tpu.memory_space<vmem>>) offsets(%dma_start3A_61 : memref<64xi32, #tpu.memory_space<vmem>>) semaphore(%arg13 : memref<!tpu.dma_semaphore, #tpu.memory_space<semaphore_mem>>)
    %dma_wait3A = arith.constant 0 : i32
    %dma_wait3A_65 = tpu.memref_slice %arg10[%mul3A_6, %dma_wait3A] : memref<10240x128xf32, #tpu.memory_space<vmem_shared>> -> memref<640x128xf32, #tpu.memory_space<vmem_shared>>
    %dma_wait3A_66 = arith.constant 0 : i32
    %dma_wait3A_67 = tpu.memref_slice %arg5[%mul3A_4, %dma_wait3A_66] : memref<10240x128xf32, #tpu.memory_space<hbm>> -> memref<640x128xf32, #tpu.memory_space<hbm>>
    tpu.wait_dma2 semaphore(%arg18 : memref<!tpu.dma_semaphore, #tpu.memory_space<semaphore_mem>>) src(%dma_wait3A_67 : memref<640x128xf32, #tpu.memory_space<hbm>>) dst(%dma_wait3A_65 : memref<640x128xf32, #tpu.memory_space<vmem_shared>>)
    %barrier3A = arith.constant 0 : index
    tpu.barrier barrier_id(%barrier3A)
    %scan3A = arith.constant 0 : i32
    %scan3A_68 = arith.constant 10 : i32
    %scan3A_69 = arith.addi %scan3A, %scan3A_68 : i32
    %scan3A_70 = arith.constant 1 : i32
    scf.for %scan3A_77 = %scan3A to %scan3A_69 step %scan3A_70  : i32 {
      %mul3A_78 = arith.constant 1 : i32
      %mul3A_79 = arith.muli %scan3A_77, %mul3A_78 : i32
      %add3A_80 = arith.constant 0 : i32
      %add3A_81 = arith.addi %add3A_80, %mul3A_79 : i32
      %rem3A = arith.constant 2 : i32
      %rem3A_82 = arith.remsi %add3A_81, %rem3A : i32
      %sub3A = arith.constant 1 : i32
      %sub3A_83 = arith.subi %sub3A, %rem3A_82 : i32
      %scan3A_84 = arith.constant 0 : i32
      %scan3A_85 = arith.constant 8 : i32
      %scan3A_86 = arith.addi %scan3A_84, %scan3A_85 : i32
      %scan3A_87 = arith.constant 1 : i32
      scf.for %scan3A_95 = %scan3A_84 to %scan3A_86 step %scan3A_87  : i32 {
        %mul3A_96 = arith.constant 1 : i32
        %mul3A_97 = arith.muli %scan3A_95, %mul3A_96 : i32
        %add3A_98 = arith.constant 0 : i32
        %add3A_99 = arith.addi %add3A_98, %mul3A_97 : i32
        %mul3A_100 = arith.constant 2 : i32
        %mul3A_101 = arith.muli %mul3A_100, %add3A_99 : i32
        %dma_wait3A_102 = arith.constant 0 : i32
        %dma_wait3A_103 = arith.constant 0 : i32
        %dma_wait3A_104 = arith.constant 0 : i32
        %dma_wait3A_105 = tpu.memref_slice %arg9[%dma_wait3A_102, %dma_wait3A_103, %dma_wait3A_104] : memref<2x128x128xf32, #tpu.memory_space<vmem>> -> memref<1x64x128xf32, #tpu.memory_space<vmem>>
        %dma_wait3A_106 = tpu.memref_squeeze %dma_wait3A_105 : memref<1x64x128xf32, #tpu.memory_space<vmem>> -> memref<64x128xf32, #tpu.memory_space<vmem>>
        %dma_wait3A_107 = arith.constant 0 : i32
        %dma_wait3A_108 = tpu.memref_slice %arg7[%rem3A_82, %mul3A_101, %dma_wait3A_107] : memref<2x16x128xi32, #tpu.memory_space<vmem>> -> memref<1x1x64xi32, #tpu.memory_space<vmem>>
        %dma_wait3A_109 = tpu.memref_squeeze %dma_wait3A_108 : memref<1x1x64xi32, #tpu.memory_space<vmem>> -> memref<64xi32, #tpu.memory_space<vmem>>
        %dma_wait3A_110 = arith.constant 0 : i32
        %dma_wait3A_111 = arith.constant 0 : i32
        %dma_wait3A_112 = tpu.memref_slice %arg2[%dma_wait3A_110, %dma_wait3A_111] : memref<10240x128xf32, #tpu.memory_space<hbm>> -> memref<10240x128xf32, #tpu.memory_space<hbm>>
        tpu.wait_indirect_dma semaphore(%arg11 : memref<!tpu.dma_semaphore, #tpu.memory_space<semaphore_mem>>) src(%dma_wait3A_112 : memref<10240x128xf32, #tpu.memory_space<hbm>>) dst(%dma_wait3A_106 : memref<64x128xf32, #tpu.memory_space<vmem>>)
        %dma_wait3A_113 = arith.constant 0 : i32
        %dma_wait3A_114 = arith.constant 64 : i32
        %dma_wait3A_115 = arith.constant 0 : i32
        %dma_wait3A_116 = tpu.memref_slice %arg9[%dma_wait3A_113, %dma_wait3A_114, %dma_wait3A_115] : memref<2x128x128xf32, #tpu.memory_space<vmem>> -> memref<1x64x128xf32, #tpu.memory_space<vmem>>
        %dma_wait3A_117 = tpu.memref_squeeze %dma_wait3A_116 : memref<1x64x128xf32, #tpu.memory_space<vmem>> -> memref<64x128xf32, #tpu.memory_space<vmem>>
        %dma_wait3A_118 = arith.constant 64 : i32
        %dma_wait3A_119 = tpu.memref_slice %arg7[%rem3A_82, %mul3A_101, %dma_wait3A_118] : memref<2x16x128xi32, #tpu.memory_space<vmem>> -> memref<1x1x64xi32, #tpu.memory_space<vmem>>
        %dma_wait3A_120 = tpu.memref_squeeze %dma_wait3A_119 : memref<1x1x64xi32, #tpu.memory_space<vmem>> -> memref<64xi32, #tpu.memory_space<vmem>>
        %dma_wait3A_121 = arith.constant 0 : i32
        %dma_wait3A_122 = arith.constant 0 : i32
        %dma_wait3A_123 = tpu.memref_slice %arg2[%dma_wait3A_121, %dma_wait3A_122] : memref<10240x128xf32, #tpu.memory_space<hbm>> -> memref<10240x128xf32, #tpu.memory_space<hbm>>
        tpu.wait_indirect_dma semaphore(%arg13 : memref<!tpu.dma_semaphore, #tpu.memory_space<semaphore_mem>>) src(%dma_wait3A_123 : memref<10240x128xf32, #tpu.memory_space<hbm>>) dst(%dma_wait3A_117 : memref<64x128xf32, #tpu.memory_space<vmem>>)
        %dma_start3A_124 = arith.constant 0 : i32
        %dma_start3A_125 = arith.constant 0 : i32
        %dma_start3A_126 = arith.constant 0 : i32
        %dma_start3A_127 = tpu.memref_slice %arg9[%dma_start3A_124, %dma_start3A_125, %dma_start3A_126] : memref<2x128x128xf32, #tpu.memory_space<vmem>> -> memref<1x128x128xf32, #tpu.memory_space<vmem>>
        %dma_start3A_128 = tpu.memref_squeeze %dma_start3A_127 : memref<1x128x128xf32, #tpu.memory_space<vmem>> -> memref<128x128xf32, #tpu.memory_space<vmem>>
        %dma_start3A_129 = arith.constant 0 : i32
        %dma_start3A_130 = tpu.memref_slice %arg8[%rem3A_82, %mul3A_101, %dma_start3A_129] : memref<2x16x128xi32, #tpu.memory_space<vmem>> -> memref<1x1x128xi32, #tpu.memory_space<vmem>>
        %dma_start3A_131 = tpu.memref_squeeze %dma_start3A_130 : memref<1x1x128xi32, #tpu.memory_space<vmem>> -> memref<128xi32, #tpu.memory_space<vmem>>
        %dma_start3A_132 = arith.constant 0 : i32
        %dma_start3A_133 = arith.constant 0 : i32
        %dma_start3A_134 = tpu.memref_slice %arg10[%dma_start3A_132, %dma_start3A_133] : memref<10240x128xf32, #tpu.memory_space<vmem_shared>> -> memref<10240x128xf32, #tpu.memory_space<vmem_shared>>
        tpu.enqueue_indirect_dma source(%dma_start3A_128 : memref<128x128xf32, #tpu.memory_space<vmem>>) target(%dma_start3A_134 : memref<10240x128xf32, #tpu.memory_space<vmem_shared>>) offsets(%dma_start3A_131 : memref<128xi32, #tpu.memory_space<vmem>>) semaphore(%arg15 : memref<!tpu.dma_semaphore, #tpu.memory_space<semaphore_mem>>) {add = true}
        %gt3A = arith.constant 0 : i32
        %gt3A_135 = arith.cmpi sgt, %add3A_99, %gt3A : i32
        %convert_element_type3A_136 = arith.extui %gt3A_135 : i1 to i32
        %cond3A_137 = arith.constant 0 : i32
        %cond3A_138 = arith.cmpi ne, %convert_element_type3A_136, %cond3A_137 : i32
        scf.if %cond3A_138 {
          %sub3A_214 = arith.constant 1 : i32
          %sub3A_215 = arith.subi %mul3A_101, %sub3A_214 : i32
          %dma_wait3A_216 = arith.constant 1 : i32
          %dma_wait3A_217 = arith.constant 0 : i32
          %dma_wait3A_218 = arith.constant 0 : i32
          %dma_wait3A_219 = tpu.memref_slice %arg9[%dma_wait3A_216, %dma_wait3A_217, %dma_wait3A_218] : memref<2x128x128xf32, #tpu.memory_space<vmem>> -> memref<1x128x128xf32, #tpu.memory_space<vmem>>
          %dma_wait3A_220 = tpu.memref_squeeze %dma_wait3A_219 : memref<1x128x128xf32, #tpu.memory_space<vmem>> -> memref<128x128xf32, #tpu.memory_space<vmem>>
          %dma_wait3A_221 = arith.constant 0 : i32
          %dma_wait3A_222 = tpu.memref_slice %arg8[%rem3A_82, %sub3A_215, %dma_wait3A_221] : memref<2x16x128xi32, #tpu.memory_space<vmem>> -> memref<1x1x128xi32, #tpu.memory_space<vmem>>
          %dma_wait3A_223 = tpu.memref_squeeze %dma_wait3A_222 : memref<1x1x128xi32, #tpu.memory_space<vmem>> -> memref<128xi32, #tpu.memory_space<vmem>>
          %dma_wait3A_224 = arith.constant 0 : i32
          %dma_wait3A_225 = arith.constant 0 : i32
          %dma_wait3A_226 = tpu.memref_slice %arg10[%dma_wait3A_224, %dma_wait3A_225] : memref<10240x128xf32, #tpu.memory_space<vmem_shared>> -> memref<10240x128xf32, #tpu.memory_space<vmem_shared>>
          tpu.wait_indirect_dma semaphore(%arg16 : memref<!tpu.dma_semaphore, #tpu.memory_space<semaphore_mem>>) src(%dma_wait3A_220 : memref<128x128xf32, #tpu.memory_space<vmem>>) dst(%dma_wait3A_226 : memref<10240x128xf32, #tpu.memory_space<vmem_shared>>)
        } else {
        }
        %add3A_139 = arith.constant 1 : i32
        %add3A_140 = arith.addi %mul3A_101, %add3A_139 : i32
        %dma_start3A_141 = arith.constant 1 : i32
        %dma_start3A_142 = arith.constant 0 : i32
        %dma_start3A_143 = arith.constant 0 : i32
        %dma_start3A_144 = tpu.memref_slice %arg9[%dma_start3A_141, %dma_start3A_142, %dma_start3A_143] : memref<2x128x128xf32, #tpu.memory_space<vmem>> -> memref<1x64x128xf32, #tpu.memory_space<vmem>>
        %dma_start3A_145 = tpu.memref_squeeze %dma_start3A_144 : memref<1x64x128xf32, #tpu.memory_space<vmem>> -> memref<64x128xf32, #tpu.memory_space<vmem>>
        %dma_start3A_146 = arith.constant 0 : i32
        %dma_start3A_147 = tpu.memref_slice %arg7[%rem3A_82, %add3A_140, %dma_start3A_146] : memref<2x16x128xi32, #tpu.memory_space<vmem>> -> memref<1x1x64xi32, #tpu.memory_space<vmem>>
        %dma_start3A_148 = tpu.memref_squeeze %dma_start3A_147 : memref<1x1x64xi32, #tpu.memory_space<vmem>> -> memref<64xi32, #tpu.memory_space<vmem>>
        %dma_start3A_149 = arith.constant 0 : i32
        %dma_start3A_150 = arith.constant 0 : i32
        %dma_start3A_151 = tpu.memref_slice %arg2[%dma_start3A_149, %dma_start3A_150] : memref<10240x128xf32, #tpu.memory_space<hbm>> -> memref<10240x128xf32, #tpu.memory_space<hbm>>
        tpu.enqueue_indirect_dma source(%dma_start3A_151 : memref<10240x128xf32, #tpu.memory_space<hbm>>) target(%dma_start3A_145 : memref<64x128xf32, #tpu.memory_space<vmem>>) offsets(%dma_start3A_148 : memref<64xi32, #tpu.memory_space<vmem>>) semaphore(%arg12 : memref<!tpu.dma_semaphore, #tpu.memory_space<semaphore_mem>>)
        %dma_start3A_152 = arith.constant 1 : i32
        %dma_start3A_153 = arith.constant 64 : i32
        %dma_start3A_154 = arith.constant 0 : i32
        %dma_start3A_155 = tpu.memref_slice %arg9[%dma_start3A_152, %dma_start3A_153, %dma_start3A_154] : memref<2x128x128xf32, #tpu.memory_space<vmem>> -> memref<1x64x128xf32, #tpu.memory_space<vmem>>
        %dma_start3A_156 = tpu.memref_squeeze %dma_start3A_155 : memref<1x64x128xf32, #tpu.memory_space<vmem>> -> memref<64x128xf32, #tpu.memory_space<vmem>>
        %dma_start3A_157 = arith.constant 64 : i32
        %dma_start3A_158 = tpu.memref_slice %arg7[%rem3A_82, %add3A_140, %dma_start3A_157] : memref<2x16x128xi32, #tpu.memory_space<vmem>> -> memref<1x1x64xi32, #tpu.memory_space<vmem>>
        %dma_start3A_159 = tpu.memref_squeeze %dma_start3A_158 : memref<1x1x64xi32, #tpu.memory_space<vmem>> -> memref<64xi32, #tpu.memory_space<vmem>>
        %dma_start3A_160 = arith.constant 0 : i32
        %dma_start3A_161 = arith.constant 0 : i32
        %dma_start3A_162 = tpu.memref_slice %arg2[%dma_start3A_160, %dma_start3A_161] : memref<10240x128xf32, #tpu.memory_space<hbm>> -> memref<10240x128xf32, #tpu.memory_space<hbm>>
        tpu.enqueue_indirect_dma source(%dma_start3A_162 : memref<10240x128xf32, #tpu.memory_space<hbm>>) target(%dma_start3A_156 : memref<64x128xf32, #tpu.memory_space<vmem>>) offsets(%dma_start3A_159 : memref<64xi32, #tpu.memory_space<vmem>>) semaphore(%arg14 : memref<!tpu.dma_semaphore, #tpu.memory_space<semaphore_mem>>)
        %add3A_163 = arith.constant 1 : i32
        %add3A_164 = arith.addi %mul3A_101, %add3A_163 : i32
        %dma_wait3A_165 = arith.constant 1 : i32
        %dma_wait3A_166 = arith.constant 0 : i32
        %dma_wait3A_167 = arith.constant 0 : i32
        %dma_wait3A_168 = tpu.memref_slice %arg9[%dma_wait3A_165, %dma_wait3A_166, %dma_wait3A_167] : memref<2x128x128xf32, #tpu.memory_space<vmem>> -> memref<1x64x128xf32, #tpu.memory_space<vmem>>
        %dma_wait3A_169 = tpu.memref_squeeze %dma_wait3A_168 : memref<1x64x128xf32, #tpu.memory_space<vmem>> -> memref<64x128xf32, #tpu.memory_space<vmem>>
        %dma_wait3A_170 = arith.constant 0 : i32
        %dma_wait3A_171 = tpu.memref_slice %arg7[%rem3A_82, %add3A_164, %dma_wait3A_170] : memref<2x16x128xi32, #tpu.memory_space<vmem>> -> memref<1x1x64xi32, #tpu.memory_space<vmem>>
        %dma_wait3A_172 = tpu.memref_squeeze %dma_wait3A_171 : memref<1x1x64xi32, #tpu.memory_space<vmem>> -> memref<64xi32, #tpu.memory_space<vmem>>
        %dma_wait3A_173 = arith.constant 0 : i32
        %dma_wait3A_174 = arith.constant 0 : i32
        %dma_wait3A_175 = tpu.memref_slice %arg2[%dma_wait3A_173, %dma_wait3A_174] : memref<10240x128xf32, #tpu.memory_space<hbm>> -> memref<10240x128xf32, #tpu.memory_space<hbm>>
        tpu.wait_indirect_dma semaphore(%arg12 : memref<!tpu.dma_semaphore, #tpu.memory_space<semaphore_mem>>) src(%dma_wait3A_175 : memref<10240x128xf32, #tpu.memory_space<hbm>>) dst(%dma_wait3A_169 : memref<64x128xf32, #tpu.memory_space<vmem>>)
        %dma_wait3A_176 = arith.constant 1 : i32
        %dma_wait3A_177 = arith.constant 64 : i32
        %dma_wait3A_178 = arith.constant 0 : i32
        %dma_wait3A_179 = tpu.memref_slice %arg9[%dma_wait3A_176, %dma_wait3A_177, %dma_wait3A_178] : memref<2x128x128xf32, #tpu.memory_space<vmem>> -> memref<1x64x128xf32, #tpu.memory_space<vmem>>
        %dma_wait3A_180 = tpu.memref_squeeze %dma_wait3A_179 : memref<1x64x128xf32, #tpu.memory_space<vmem>> -> memref<64x128xf32, #tpu.memory_space<vmem>>
        %dma_wait3A_181 = arith.constant 64 : i32
        %dma_wait3A_182 = tpu.memref_slice %arg7[%rem3A_82, %add3A_164, %dma_wait3A_181] : memref<2x16x128xi32, #tpu.memory_space<vmem>> -> memref<1x1x64xi32, #tpu.memory_space<vmem>>
        %dma_wait3A_183 = tpu.memref_squeeze %dma_wait3A_182 : memref<1x1x64xi32, #tpu.memory_space<vmem>> -> memref<64xi32, #tpu.memory_space<vmem>>
        %dma_wait3A_184 = arith.constant 0 : i32
        %dma_wait3A_185 = arith.constant 0 : i32
        %dma_wait3A_186 = tpu.memref_slice %arg2[%dma_wait3A_184, %dma_wait3A_185] : memref<10240x128xf32, #tpu.memory_space<hbm>> -> memref<10240x128xf32, #tpu.memory_space<hbm>>
        tpu.wait_indirect_dma semaphore(%arg14 : memref<!tpu.dma_semaphore, #tpu.memory_space<semaphore_mem>>) src(%dma_wait3A_186 : memref<10240x128xf32, #tpu.memory_space<hbm>>) dst(%dma_wait3A_180 : memref<64x128xf32, #tpu.memory_space<vmem>>)
        %dma_start3A_187 = arith.constant 1 : i32
        %dma_start3A_188 = arith.constant 0 : i32
        %dma_start3A_189 = arith.constant 0 : i32
        %dma_start3A_190 = tpu.memref_slice %arg9[%dma_start3A_187, %dma_start3A_188, %dma_start3A_189] : memref<2x128x128xf32, #tpu.memory_space<vmem>> -> memref<1x128x128xf32, #tpu.memory_space<vmem>>
        %dma_start3A_191 = tpu.memref_squeeze %dma_start3A_190 : memref<1x128x128xf32, #tpu.memory_space<vmem>> -> memref<128x128xf32, #tpu.memory_space<vmem>>
        %dma_start3A_192 = arith.constant 0 : i32
        %dma_start3A_193 = tpu.memref_slice %arg8[%rem3A_82, %add3A_164, %dma_start3A_192] : memref<2x16x128xi32, #tpu.memory_space<vmem>> -> memref<1x1x128xi32, #tpu.memory_space<vmem>>
        %dma_start3A_194 = tpu.memref_squeeze %dma_start3A_193 : memref<1x1x128xi32, #tpu.memory_space<vmem>> -> memref<128xi32, #tpu.memory_space<vmem>>
        %dma_start3A_195 = arith.constant 0 : i32
        %dma_start3A_196 = arith.constant 0 : i32
        %dma_start3A_197 = tpu.memref_slice %arg10[%dma_start3A_195, %dma_start3A_196] : memref<10240x128xf32, #tpu.memory_space<vmem_shared>> -> memref<10240x128xf32, #tpu.memory_space<vmem_shared>>
        tpu.enqueue_indirect_dma source(%dma_start3A_191 : memref<128x128xf32, #tpu.memory_space<vmem>>) target(%dma_start3A_197 : memref<10240x128xf32, #tpu.memory_space<vmem_shared>>) offsets(%dma_start3A_194 : memref<128xi32, #tpu.memory_space<vmem>>) semaphore(%arg16 : memref<!tpu.dma_semaphore, #tpu.memory_space<semaphore_mem>>) {add = true}
        %dma_wait3A_198 = arith.constant 0 : i32
        %dma_wait3A_199 = arith.constant 0 : i32
        %dma_wait3A_200 = arith.constant 0 : i32
        %dma_wait3A_201 = tpu.memref_slice %arg9[%dma_wait3A_198, %dma_wait3A_199, %dma_wait3A_200] : memref<2x128x128xf32, #tpu.memory_space<vmem>> -> memref<1x128x128xf32, #tpu.memory_space<vmem>>
        %dma_wait3A_202 = tpu.memref_squeeze %dma_wait3A_201 : memref<1x128x128xf32, #tpu.memory_space<vmem>> -> memref<128x128xf32, #tpu.memory_space<vmem>>
        %dma_wait3A_203 = arith.constant 0 : i32
        %dma_wait3A_204 = tpu.memref_slice %arg8[%rem3A_82, %mul3A_101, %dma_wait3A_203] : memref<2x16x128xi32, #tpu.memory_space<vmem>> -> memref<1x1x128xi32, #tpu.memory_space<vmem>>
        %dma_wait3A_205 = tpu.memref_squeeze %dma_wait3A_204 : memref<1x1x128xi32, #tpu.memory_space<vmem>> -> memref<128xi32, #tpu.memory_space<vmem>>
        %dma_wait3A_206 = arith.constant 0 : i32
        %dma_wait3A_207 = arith.constant 0 : i32
        %dma_wait3A_208 = tpu.memref_slice %arg10[%dma_wait3A_206, %dma_wait3A_207] : memref<10240x128xf32, #tpu.memory_space<vmem_shared>> -> memref<10240x128xf32, #tpu.memory_space<vmem_shared>>
        tpu.wait_indirect_dma semaphore(%arg15 : memref<!tpu.dma_semaphore, #tpu.memory_space<semaphore_mem>>) src(%dma_wait3A_202 : memref<128x128xf32, #tpu.memory_space<vmem>>) dst(%dma_wait3A_208 : memref<10240x128xf32, #tpu.memory_space<vmem_shared>>)
        %lt3A_209 = arith.constant 7 : i32
        %lt3A_210 = arith.cmpi slt, %add3A_99, %lt3A_209 : i32
        %convert_element_type3A_211 = arith.extui %lt3A_210 : i1 to i32
        %cond3A_212 = arith.constant 0 : i32
        %cond3A_213 = arith.cmpi ne, %convert_element_type3A_211, %cond3A_212 : i32
        scf.if %cond3A_213 {
          %add3A_214 = arith.constant 2 : i32
          %add3A_215 = arith.addi %mul3A_101, %add3A_214 : i32
          %dma_start3A_216 = arith.constant 0 : i32
          %dma_start3A_217 = arith.constant 0 : i32
          %dma_start3A_218 = arith.constant 0 : i32
          %dma_start3A_219 = tpu.memref_slice %arg9[%dma_start3A_216, %dma_start3A_217, %dma_start3A_218] : memref<2x128x128xf32, #tpu.memory_space<vmem>> -> memref<1x64x128xf32, #tpu.memory_space<vmem>>
          %dma_start3A_220 = tpu.memref_squeeze %dma_start3A_219 : memref<1x64x128xf32, #tpu.memory_space<vmem>> -> memref<64x128xf32, #tpu.memory_space<vmem>>
          %dma_start3A_221 = arith.constant 0 : i32
          %dma_start3A_222 = tpu.memref_slice %arg7[%rem3A_82, %add3A_215, %dma_start3A_221] : memref<2x16x128xi32, #tpu.memory_space<vmem>> -> memref<1x1x64xi32, #tpu.memory_space<vmem>>
          %dma_start3A_223 = tpu.memref_squeeze %dma_start3A_222 : memref<1x1x64xi32, #tpu.memory_space<vmem>> -> memref<64xi32, #tpu.memory_space<vmem>>
          %dma_start3A_224 = arith.constant 0 : i32
          %dma_start3A_225 = arith.constant 0 : i32
          %dma_start3A_226 = tpu.memref_slice %arg2[%dma_start3A_224, %dma_start3A_225] : memref<10240x128xf32, #tpu.memory_space<hbm>> -> memref<10240x128xf32, #tpu.memory_space<hbm>>
          tpu.enqueue_indirect_dma source(%dma_start3A_226 : memref<10240x128xf32, #tpu.memory_space<hbm>>) target(%dma_start3A_220 : memref<64x128xf32, #tpu.memory_space<vmem>>) offsets(%dma_start3A_223 : memref<64xi32, #tpu.memory_space<vmem>>) semaphore(%arg11 : memref<!tpu.dma_semaphore, #tpu.memory_space<semaphore_mem>>)
          %dma_start3A_227 = arith.constant 0 : i32
          %dma_start3A_228 = arith.constant 64 : i32
          %dma_start3A_229 = arith.constant 0 : i32
          %dma_start3A_230 = tpu.memref_slice %arg9[%dma_start3A_227, %dma_start3A_228, %dma_start3A_229] : memref<2x128x128xf32, #tpu.memory_space<vmem>> -> memref<1x64x128xf32, #tpu.memory_space<vmem>>
          %dma_start3A_231 = tpu.memref_squeeze %dma_start3A_230 : memref<1x64x128xf32, #tpu.memory_space<vmem>> -> memref<64x128xf32, #tpu.memory_space<vmem>>
          %dma_start3A_232 = arith.constant 64 : i32
          %dma_start3A_233 = tpu.memref_slice %arg7[%rem3A_82, %add3A_215, %dma_start3A_232] : memref<2x16x128xi32, #tpu.memory_space<vmem>> -> memref<1x1x64xi32, #tpu.memory_space<vmem>>
          %dma_start3A_234 = tpu.memref_squeeze %dma_start3A_233 : memref<1x1x64xi32, #tpu.memory_space<vmem>> -> memref<64xi32, #tpu.memory_space<vmem>>
          %dma_start3A_235 = arith.constant 0 : i32
          %dma_start3A_236 = arith.constant 0 : i32
          %dma_start3A_237 = tpu.memref_slice %arg2[%dma_start3A_235, %dma_start3A_236] : memref<10240x128xf32, #tpu.memory_space<hbm>> -> memref<10240x128xf32, #tpu.memory_space<hbm>>
          tpu.enqueue_indirect_dma source(%dma_start3A_237 : memref<10240x128xf32, #tpu.memory_space<hbm>>) target(%dma_start3A_231 : memref<64x128xf32, #tpu.memory_space<vmem>>) offsets(%dma_start3A_234 : memref<64xi32, #tpu.memory_space<vmem>>) semaphore(%arg13 : memref<!tpu.dma_semaphore, #tpu.memory_space<semaphore_mem>>)
        } else {
        }
      }
      %scan3A_88 = arith.constant 8 : i32
      %lt3A = arith.constant 9 : i32
      %lt3A_89 = arith.cmpi slt, %add3A_81, %lt3A : i32
      %convert_element_type3A = arith.extui %lt3A_89 : i1 to i32
      %cond3A = arith.constant 0 : i32
      %cond3A_90 = arith.cmpi ne, %convert_element_type3A, %cond3A : i32
      scf.if %cond3A_90 {
        %dma_wait3A_95 = arith.constant 0 : i32
        %dma_wait3A_96 = arith.constant 0 : i32
        %dma_wait3A_97 = tpu.memref_slice %arg7[%sub3A_83, %dma_wait3A_95, %dma_wait3A_96] : memref<2x16x128xi32, #tpu.memory_space<vmem>> -> memref<1x16x128xi32, #tpu.memory_space<vmem>>
        %dma_wait3A_98 = tpu.memref_squeeze %dma_wait3A_97 : memref<1x16x128xi32, #tpu.memory_space<vmem>> -> memref<16x128xi32, #tpu.memory_space<vmem>>
        %dma_wait3A_99 = arith.constant 0 : i32
        %dma_wait3A_100 = tpu.memref_slice %arg3[%mul3A_2, %dma_wait3A_99] : memref<5120x128xi32, #tpu.memory_space<hbm>> -> memref<16x128xi32, #tpu.memory_space<hbm>>
        %dma_wait3A_101 = arith.constant 0 : i32
        %dma_wait3A_102 = arith.constant 0 : i32
        %dma_wait3A_103 = tpu.memref_slice %arg7[%sub3A_83, %dma_wait3A_101, %dma_wait3A_102] : memref<2x16x128xi32, #tpu.memory_space<vmem>> -> memref<1x16x128xi32, #tpu.memory_space<vmem>>
        %dma_wait3A_104 = tpu.memref_squeeze %dma_wait3A_103 : memref<1x16x128xi32, #tpu.memory_space<vmem>> -> memref<16x128xi32, #tpu.memory_space<vmem>>
        %dma_wait3A_105 = arith.constant 0 : i32
        %dma_wait3A_106 = tpu.memref_slice %arg3[%mul3A_2, %dma_wait3A_105] : memref<5120x128xi32, #tpu.memory_space<hbm>> -> memref<16x128xi32, #tpu.memory_space<hbm>>
        tpu.wait_dma2 semaphore(%arg17 : memref<!tpu.dma_semaphore, #tpu.memory_space<semaphore_mem>>) src(%dma_wait3A_106 : memref<16x128xi32, #tpu.memory_space<hbm>>) dst(%dma_wait3A_104 : memref<16x128xi32, #tpu.memory_space<vmem>>)
        %dma_wait3A_107 = arith.constant 0 : i32
        %dma_wait3A_108 = arith.constant 0 : i32
        %dma_wait3A_109 = tpu.memref_slice %arg8[%sub3A_83, %dma_wait3A_107, %dma_wait3A_108] : memref<2x16x128xi32, #tpu.memory_space<vmem>> -> memref<1x16x128xi32, #tpu.memory_space<vmem>>
        %dma_wait3A_110 = tpu.memref_squeeze %dma_wait3A_109 : memref<1x16x128xi32, #tpu.memory_space<vmem>> -> memref<16x128xi32, #tpu.memory_space<vmem>>
        %dma_wait3A_111 = arith.constant 0 : i32
        %dma_wait3A_112 = tpu.memref_slice %arg4[%mul3A_2, %dma_wait3A_111] : memref<5120x128xi32, #tpu.memory_space<hbm>> -> memref<16x128xi32, #tpu.memory_space<hbm>>
        %dma_wait3A_113 = arith.constant 0 : i32
        %dma_wait3A_114 = arith.constant 0 : i32
        %dma_wait3A_115 = tpu.memref_slice %arg8[%sub3A_83, %dma_wait3A_113, %dma_wait3A_114] : memref<2x16x128xi32, #tpu.memory_space<vmem>> -> memref<1x16x128xi32, #tpu.memory_space<vmem>>
        %dma_wait3A_116 = tpu.memref_squeeze %dma_wait3A_115 : memref<1x16x128xi32, #tpu.memory_space<vmem>> -> memref<16x128xi32, #tpu.memory_space<vmem>>
        %dma_wait3A_117 = arith.constant 0 : i32
        %dma_wait3A_118 = tpu.memref_slice %arg4[%mul3A_2, %dma_wait3A_117] : memref<5120x128xi32, #tpu.memory_space<hbm>> -> memref<16x128xi32, #tpu.memory_space<hbm>>
        tpu.wait_dma2 semaphore(%arg17 : memref<!tpu.dma_semaphore, #tpu.memory_space<semaphore_mem>>) src(%dma_wait3A_118 : memref<16x128xi32, #tpu.memory_space<hbm>>) dst(%dma_wait3A_116 : memref<16x128xi32, #tpu.memory_space<vmem>>)
        %dma_start3A_119 = arith.constant 0 : i32
        %dma_start3A_120 = arith.constant 0 : i32
        %dma_start3A_121 = arith.constant 0 : i32
        %dma_start3A_122 = arith.constant 0 : i32
        %dma_start3A_123 = tpu.memref_slice %arg9[%dma_start3A_120, %dma_start3A_121, %dma_start3A_122] : memref<2x128x128xf32, #tpu.memory_space<vmem>> -> memref<1x64x128xf32, #tpu.memory_space<vmem>>
        %dma_start3A_124 = tpu.memref_squeeze %dma_start3A_123 : memref<1x64x128xf32, #tpu.memory_space<vmem>> -> memref<64x128xf32, #tpu.memory_space<vmem>>
        %dma_start3A_125 = arith.constant 0 : i32
        %dma_start3A_126 = tpu.memref_slice %arg7[%sub3A_83, %dma_start3A_119, %dma_start3A_125] : memref<2x16x128xi32, #tpu.memory_space<vmem>> -> memref<1x1x64xi32, #tpu.memory_space<vmem>>
        %dma_start3A_127 = tpu.memref_squeeze %dma_start3A_126 : memref<1x1x64xi32, #tpu.memory_space<vmem>> -> memref<64xi32, #tpu.memory_space<vmem>>
        %dma_start3A_128 = arith.constant 0 : i32
        %dma_start3A_129 = arith.constant 0 : i32
        %dma_start3A_130 = tpu.memref_slice %arg2[%dma_start3A_128, %dma_start3A_129] : memref<10240x128xf32, #tpu.memory_space<hbm>> -> memref<10240x128xf32, #tpu.memory_space<hbm>>
        tpu.enqueue_indirect_dma source(%dma_start3A_130 : memref<10240x128xf32, #tpu.memory_space<hbm>>) target(%dma_start3A_124 : memref<64x128xf32, #tpu.memory_space<vmem>>) offsets(%dma_start3A_127 : memref<64xi32, #tpu.memory_space<vmem>>) semaphore(%arg11 : memref<!tpu.dma_semaphore, #tpu.memory_space<semaphore_mem>>)
        %dma_start3A_131 = arith.constant 0 : i32
        %dma_start3A_132 = arith.constant 0 : i32
        %dma_start3A_133 = arith.constant 64 : i32
        %dma_start3A_134 = arith.constant 0 : i32
        %dma_start3A_135 = tpu.memref_slice %arg9[%dma_start3A_132, %dma_start3A_133, %dma_start3A_134] : memref<2x128x128xf32, #tpu.memory_space<vmem>> -> memref<1x64x128xf32, #tpu.memory_space<vmem>>
        %dma_start3A_136 = tpu.memref_squeeze %dma_start3A_135 : memref<1x64x128xf32, #tpu.memory_space<vmem>> -> memref<64x128xf32, #tpu.memory_space<vmem>>
        %dma_start3A_137 = arith.constant 64 : i32
        %dma_start3A_138 = tpu.memref_slice %arg7[%sub3A_83, %dma_start3A_131, %dma_start3A_137] : memref<2x16x128xi32, #tpu.memory_space<vmem>> -> memref<1x1x64xi32, #tpu.memory_space<vmem>>
        %dma_start3A_139 = tpu.memref_squeeze %dma_start3A_138 : memref<1x1x64xi32, #tpu.memory_space<vmem>> -> memref<64xi32, #tpu.memory_space<vmem>>
        %dma_start3A_140 = arith.constant 0 : i32
        %dma_start3A_141 = arith.constant 0 : i32
        %dma_start3A_142 = tpu.memref_slice %arg2[%dma_start3A_140, %dma_start3A_141] : memref<10240x128xf32, #tpu.memory_space<hbm>> -> memref<10240x128xf32, #tpu.memory_space<hbm>>
        tpu.enqueue_indirect_dma source(%dma_start3A_142 : memref<10240x128xf32, #tpu.memory_space<hbm>>) target(%dma_start3A_136 : memref<64x128xf32, #tpu.memory_space<vmem>>) offsets(%dma_start3A_139 : memref<64xi32, #tpu.memory_space<vmem>>) semaphore(%arg13 : memref<!tpu.dma_semaphore, #tpu.memory_space<semaphore_mem>>)
        %dma_wait3A_143 = arith.constant 1 : i32
        %dma_wait3A_144 = arith.constant 15 : i32
        %dma_wait3A_145 = arith.constant 0 : i32
        %dma_wait3A_146 = arith.constant 0 : i32
        %dma_wait3A_147 = tpu.memref_slice %arg9[%dma_wait3A_143, %dma_wait3A_145, %dma_wait3A_146] : memref<2x128x128xf32, #tpu.memory_space<vmem>> -> memref<1x128x128xf32, #tpu.memory_space<vmem>>
        %dma_wait3A_148 = tpu.memref_squeeze %dma_wait3A_147 : memref<1x128x128xf32, #tpu.memory_space<vmem>> -> memref<128x128xf32, #tpu.memory_space<vmem>>
        %dma_wait3A_149 = arith.constant 0 : i32
        %dma_wait3A_150 = tpu.memref_slice %arg8[%rem3A_82, %dma_wait3A_144, %dma_wait3A_149] : memref<2x16x128xi32, #tpu.memory_space<vmem>> -> memref<1x1x128xi32, #tpu.memory_space<vmem>>
        %dma_wait3A_151 = tpu.memref_squeeze %dma_wait3A_150 : memref<1x1x128xi32, #tpu.memory_space<vmem>> -> memref<128xi32, #tpu.memory_space<vmem>>
        %dma_wait3A_152 = arith.constant 0 : i32
        %dma_wait3A_153 = arith.constant 0 : i32
        %dma_wait3A_154 = tpu.memref_slice %arg10[%dma_wait3A_152, %dma_wait3A_153] : memref<10240x128xf32, #tpu.memory_space<vmem_shared>> -> memref<10240x128xf32, #tpu.memory_space<vmem_shared>>
        tpu.wait_indirect_dma semaphore(%arg16 : memref<!tpu.dma_semaphore, #tpu.memory_space<semaphore_mem>>) src(%dma_wait3A_148 : memref<128x128xf32, #tpu.memory_space<vmem>>) dst(%dma_wait3A_154 : memref<10240x128xf32, #tpu.memory_space<vmem_shared>>)
        %lt3A_155 = arith.constant 8 : i32
        %lt3A_156 = arith.cmpi slt, %add3A_81, %lt3A_155 : i32
        %convert_element_type3A_157 = arith.extui %lt3A_156 : i1 to i32
        %cond3A_158 = arith.constant 0 : i32
        %cond3A_159 = arith.cmpi ne, %convert_element_type3A_157, %cond3A_158 : i32
        scf.if %cond3A_159 {
          %add3A_160 = arith.constant 2 : i32
          %add3A_161 = arith.addi %add3A_81, %add3A_160 : i32
          %mul3A_162 = arith.constant 16 : i32
          %mul3A_163 = arith.muli %add3A_161, %mul3A_162 : i32
          %add3A_164 = arith.addi %mul3A_2, %mul3A_163 : i32
          %dma_start3A_165 = arith.constant 0 : i32
          %dma_start3A_166 = arith.constant 0 : i32
          %dma_start3A_167 = tpu.memref_slice %arg7[%rem3A_82, %dma_start3A_165, %dma_start3A_166] : memref<2x16x128xi32, #tpu.memory_space<vmem>> -> memref<1x16x128xi32, #tpu.memory_space<vmem>>
          %dma_start3A_168 = tpu.memref_squeeze %dma_start3A_167 : memref<1x16x128xi32, #tpu.memory_space<vmem>> -> memref<16x128xi32, #tpu.memory_space<vmem>>
          %dma_start3A_169 = arith.constant 0 : i32
          %dma_start3A_170 = tpu.memref_slice %arg3[%add3A_164, %dma_start3A_169] : memref<5120x128xi32, #tpu.memory_space<hbm>> -> memref<16x128xi32, #tpu.memory_space<hbm>>
          %dma_start3A_171 = arith.constant 0 : i32
          %dma_start3A_172 = arith.constant 0 : i32
          %dma_start3A_173 = tpu.memref_slice %arg7[%rem3A_82, %dma_start3A_171, %dma_start3A_172] : memref<2x16x128xi32, #tpu.memory_space<vmem>> -> memref<1x16x128xi32, #tpu.memory_space<vmem>>
          %dma_start3A_174 = tpu.memref_squeeze %dma_start3A_173 : memref<1x16x128xi32, #tpu.memory_space<vmem>> -> memref<16x128xi32, #tpu.memory_space<vmem>>
          %dma_start3A_175 = arith.constant 0 : i32
          %dma_start3A_176 = tpu.memref_slice %arg3[%add3A_164, %dma_start3A_175] : memref<5120x128xi32, #tpu.memory_space<hbm>> -> memref<16x128xi32, #tpu.memory_space<hbm>>
          tpu.enqueue_dma source(%dma_start3A_176 : memref<16x128xi32, #tpu.memory_space<hbm>>) target(%dma_start3A_174 : memref<16x128xi32, #tpu.memory_space<vmem>>) target_semaphore(%arg17 : memref<!tpu.dma_semaphore, #tpu.memory_space<semaphore_mem>>)
          %dma_start3A_177 = arith.constant 0 : i32
          %dma_start3A_178 = arith.constant 0 : i32
          %dma_start3A_179 = tpu.memref_slice %arg8[%rem3A_82, %dma_start3A_177, %dma_start3A_178] : memref<2x16x128xi32, #tpu.memory_space<vmem>> -> memref<1x16x128xi32, #tpu.memory_space<vmem>>
          %dma_start3A_180 = tpu.memref_squeeze %dma_start3A_179 : memref<1x16x128xi32, #tpu.memory_space<vmem>> -> memref<16x128xi32, #tpu.memory_space<vmem>>
          %dma_start3A_181 = arith.constant 0 : i32
          %dma_start3A_182 = tpu.memref_slice %arg4[%add3A_164, %dma_start3A_181] : memref<5120x128xi32, #tpu.memory_space<hbm>> -> memref<16x128xi32, #tpu.memory_space<hbm>>
          %dma_start3A_183 = arith.constant 0 : i32
          %dma_start3A_184 = arith.constant 0 : i32
          %dma_start3A_185 = tpu.memref_slice %arg8[%rem3A_82, %dma_start3A_183, %dma_start3A_184] : memref<2x16x128xi32, #tpu.memory_space<vmem>> -> memref<1x16x128xi32, #tpu.memory_space<vmem>>
          %dma_start3A_186 = tpu.memref_squeeze %dma_start3A_185 : memref<1x16x128xi32, #tpu.memory_space<vmem>> -> memref<16x128xi32, #tpu.memory_space<vmem>>
          %dma_start3A_187 = arith.constant 0 : i32
          %dma_start3A_188 = tpu.memref_slice %arg4[%add3A_164, %dma_start3A_187] : memref<5120x128xi32, #tpu.memory_space<hbm>> -> memref<16x128xi32, #tpu.memory_space<hbm>>
          tpu.enqueue_dma source(%dma_start3A_188 : memref<16x128xi32, #tpu.memory_space<hbm>>) target(%dma_start3A_186 : memref<16x128xi32, #tpu.memory_space<vmem>>) target_semaphore(%arg17 : memref<!tpu.dma_semaphore, #tpu.memory_space<semaphore_mem>>)
        } else {
        }
      } else {
      }
      %eq3A = arith.constant 9 : i32
      %eq3A_91 = arith.cmpi eq, %add3A_81, %eq3A : i32
      %convert_element_type3A_92 = arith.extui %eq3A_91 : i1 to i32
      %cond3A_93 = arith.constant 0 : i32
      %cond3A_94 = arith.cmpi ne, %convert_element_type3A_92, %cond3A_93 : i32
      scf.if %cond3A_94 {
        %dma_wait3A_95 = arith.constant 1 : i32
        %dma_wait3A_96 = arith.constant 15 : i32
        %dma_wait3A_97 = arith.constant 0 : i32
        %dma_wait3A_98 = arith.constant 0 : i32
        %dma_wait3A_99 = tpu.memref_slice %arg9[%dma_wait3A_95, %dma_wait3A_97, %dma_wait3A_98] : memref<2x128x128xf32, #tpu.memory_space<vmem>> -> memref<1x128x128xf32, #tpu.memory_space<vmem>>
        %dma_wait3A_100 = tpu.memref_squeeze %dma_wait3A_99 : memref<1x128x128xf32, #tpu.memory_space<vmem>> -> memref<128x128xf32, #tpu.memory_space<vmem>>
        %dma_wait3A_101 = arith.constant 0 : i32
        %dma_wait3A_102 = tpu.memref_slice %arg8[%rem3A_82, %dma_wait3A_96, %dma_wait3A_101] : memref<2x16x128xi32, #tpu.memory_space<vmem>> -> memref<1x1x128xi32, #tpu.memory_space<vmem>>
        %dma_wait3A_103 = tpu.memref_squeeze %dma_wait3A_102 : memref<1x1x128xi32, #tpu.memory_space<vmem>> -> memref<128xi32, #tpu.memory_space<vmem>>
        %dma_wait3A_104 = arith.constant 0 : i32
        %dma_wait3A_105 = arith.constant 0 : i32
        %dma_wait3A_106 = tpu.memref_slice %arg10[%dma_wait3A_104, %dma_wait3A_105] : memref<10240x128xf32, #tpu.memory_space<vmem_shared>> -> memref<10240x128xf32, #tpu.memory_space<vmem_shared>>
        tpu.wait_indirect_dma semaphore(%arg16 : memref<!tpu.dma_semaphore, #tpu.memory_space<semaphore_mem>>) src(%dma_wait3A_100 : memref<128x128xf32, #tpu.memory_space<vmem>>) dst(%dma_wait3A_106 : memref<10240x128xf32, #tpu.memory_space<vmem_shared>>)
      } else {
      }
    }
    %scan3A_71 = arith.constant 10 : i32
    %barrier3A_72 = arith.constant 0 : index
    tpu.barrier barrier_id(%barrier3A_72)
    %mul3A_73 = arith.constant 640 : i32
    %mul3A_74 = arith.muli %arg1, %mul3A_73 : i32
    %mul3A_75 = arith.constant 640 : i32
    %mul3A_76 = arith.muli %arg1, %mul3A_75 : i32
    "tpu.region"() ({
      %run_scoped3A_77 = tpu.sem_alloc : memref<!tpu.dma_semaphore, #tpu.memory_space<semaphore_mem>>
      %dma_start3A_78 = arith.constant 0 : i32
      %dma_start3A_79 = tpu.memref_slice %arg6[%arg0, %mul3A_76, %dma_start3A_78] : memref<2x10240x128xf32, #tpu.memory_space<hbm>> -> memref<1x640x128xf32, #tpu.memory_space<hbm>>
      %dma_start3A_80 = tpu.memref_squeeze %dma_start3A_79 : memref<1x640x128xf32, #tpu.memory_space<hbm>> -> memref<640x128xf32, #tpu.memory_space<hbm>>
      %dma_start3A_81 = arith.constant 0 : i32
      %dma_start3A_82 = tpu.memref_slice %arg10[%mul3A_74, %dma_start3A_81] : memref<10240x128xf32, #tpu.memory_space<vmem_shared>> -> memref<640x128xf32, #tpu.memory_space<vmem_shared>>
      tpu.enqueue_dma source(%dma_start3A_82 : memref<640x128xf32, #tpu.memory_space<vmem_shared>>) target(%dma_start3A_80 : memref<640x128xf32, #tpu.memory_space<hbm>>) target_semaphore(%run_scoped3A_77 : memref<!tpu.dma_semaphore, #tpu.memory_space<semaphore_mem>>)
      %dma_wait3A_83 = arith.constant 0 : i32
      %dma_wait3A_84 = tpu.memref_slice %arg6[%arg0, %mul3A_76, %dma_wait3A_83] : memref<2x10240x128xf32, #tpu.memory_space<hbm>> -> memref<1x640x128xf32, #tpu.memory_space<hbm>>
      %dma_wait3A_85 = tpu.memref_squeeze %dma_wait3A_84 : memref<1x640x128xf32, #tpu.memory_space<hbm>> -> memref<640x128xf32, #tpu.memory_space<hbm>>
      %dma_wait3A_86 = arith.constant 0 : i32
      %dma_wait3A_87 = tpu.memref_slice %arg10[%mul3A_74, %dma_wait3A_86] : memref<10240x128xf32, #tpu.memory_space<vmem_shared>> -> memref<640x128xf32, #tpu.memory_space<vmem_shared>>
      tpu.wait_dma2 semaphore(%run_scoped3A_77 : memref<!tpu.dma_semaphore, #tpu.memory_space<semaphore_mem>>) src(%dma_wait3A_87 : memref<640x128xf32, #tpu.memory_space<vmem_shared>>) dst(%dma_wait3A_85 : memref<640x128xf32, #tpu.memory_space<hbm>>)
      tpu.yield
    }) : () -> ()
    return
  }
}

#map = affine_map<(d0, d1) -> (0, 0)>
#map1 = affine_map<(d0, d1) -> (0, 0, 0)>
module attributes {stable_mosaic.version = 14 : i64} {
  func.func @k(%arg0: i32, %arg1: i32, %arg2: memref<10240x128xf32, #tpu.memory_space<hbm>>, %arg3: memref<5120x128xi32, #tpu.memory_space<hbm>>, %arg4: memref<5120x128xi32, #tpu.memory_space<hbm>>, %arg5: memref<10240x128xf32, #tpu.memory_space<hbm>>, %arg6: memref<2x10240x128xf32, #tpu.memory_space<hbm>>, %arg7: memref<2x16x128xi32, #tpu.memory_space<vmem>>, %arg8: memref<2x16x128xi32, #tpu.memory_space<vmem>>, %arg9: memref<2x128x128xf32, #tpu.memory_space<vmem>>, %arg10: memref<10240x128xf32, #tpu.memory_space<vmem_shared>>, %arg11: memref<!tpu.dma_semaphore, #tpu.memory_space<semaphore_mem>>, %arg12: memref<!tpu.dma_semaphore, #tpu.memory_space<semaphore_mem>>, %arg13: memref<!tpu.dma_semaphore, #tpu.memory_space<semaphore_mem>>, %arg14: memref<!tpu.dma_semaphore, #tpu.memory_space<semaphore_mem>>, %arg15: memref<!tpu.dma_semaphore, #tpu.memory_space<semaphore_mem>>, %arg16: memref<!tpu.dma_semaphore, #tpu.memory_space<semaphore_mem>>, %arg17: memref<!tpu.dma_semaphore, #tpu.memory_space<semaphore_mem>>, %arg18: memref<!tpu.dma_semaphore, #tpu.memory_space<semaphore_mem>>) attributes {dimension_semantics = [#tpu.dimension_semantics<core_parallel>, #tpu.dimension_semantics<subcore_parallel>], iteration_bounds = array<i64: 2, 16>, scalar_prefetch = 0 : i64, scratch_operands = 12 : i64, tpu.core_type = #tpu.core_type<sc_vector_subcore>, window_params = [{transform_indices = #map}, {transform_indices = #map}, {transform_indices = #map}, {transform_indices = #map}, {transform_indices = #map1}]} {
    %mul3A = arith.constant 2 : i32
    %mul3A_0 = arith.muli %arg1, %mul3A : i32
    %add3A = arith.addi %mul3A_0, %arg0 : i32
    %mul3A_1 = arith.constant 160 : i32
    %mul3A_2 = arith.muli %add3A, %mul3A_1 : i32
    %mul3A_3 = arith.constant 640 : i32
    %mul3A_4 = arith.muli %arg1, %mul3A_3 : i32
    %mul3A_5 = arith.constant 640 : i32
    %mul3A_6 = arith.muli %arg1, %mul3A_5 : i32
    %dma_start3A = arith.constant 0 : i32
    %dma_start3A_7 = tpu.memref_slice %arg10[%mul3A_6, %dma_start3A] : memref<10240x128xf32, #tpu.memory_space<vmem_shared>> -> memref<640x128xf32, #tpu.memory_space<vmem_shared>>
    %dma_start3A_8 = arith.constant 0 : i32
    %dma_start3A_9 = tpu.memref_slice %arg5[%mul3A_4, %dma_start3A_8] : memref<10240x128xf32, #tpu.memory_space<hbm>> -> memref<640x128xf32, #tpu.memory_space<hbm>>
    tpu.enqueue_dma source(%dma_start3A_9 : memref<640x128xf32, #tpu.memory_space<hbm>>) target(%dma_start3A_7 : memref<640x128xf32, #tpu.memory_space<vmem_shared>>) target_semaphore(%arg18 : memref<!tpu.dma_semaphore, #tpu.memory_space<semaphore_mem>>)
    %run_scoped3A = arith.constant 0 : i32
    "tpu.region"() ({
      %run_scoped3A_77 = tpu.sem_alloc : memref<!tpu.dma_semaphore, #tpu.memory_space<semaphore_mem>>
      %dma_start3A_78 = arith.constant 0 : i32
      %dma_start3A_79 = arith.constant 0 : i32
      %dma_start3A_80 = tpu.memref_slice %arg7[%run_scoped3A, %dma_start3A_78, %dma_start3A_79] : memref<2x16x128xi32, #tpu.memory_space<vmem>> -> memref<1x16x128xi32, #tpu.memory_space<vmem>>
      %dma_start3A_81 = tpu.memref_squeeze %dma_start3A_80 : memref<1x16x128xi32, #tpu.memory_space<vmem>> -> memref<16x128xi32, #tpu.memory_space<vmem>>
      %dma_start3A_82 = arith.constant 0 : i32
      %dma_start3A_83 = tpu.memref_slice %arg3[%mul3A_2, %dma_start3A_82] : memref<5120x128xi32, #tpu.memory_space<hbm>> -> memref<16x128xi32, #tpu.memory_space<hbm>>
      %dma_start3A_84 = arith.constant 0 : i32
      %dma_start3A_85 = arith.constant 0 : i32
      %dma_start3A_86 = tpu.memref_slice %arg7[%run_scoped3A, %dma_start3A_84, %dma_start3A_85] : memref<2x16x128xi32, #tpu.memory_space<vmem>> -> memref<1x16x128xi32, #tpu.memory_space<vmem>>
      %dma_start3A_87 = tpu.memref_squeeze %dma_start3A_86 : memref<1x16x128xi32, #tpu.memory_space<vmem>> -> memref<16x128xi32, #tpu.memory_space<vmem>>
      %dma_start3A_88 = arith.constant 0 : i32
      %dma_start3A_89 = tpu.memref_slice %arg3[%mul3A_2, %dma_start3A_88] : memref<5120x128xi32, #tpu.memory_space<hbm>> -> memref<16x128xi32, #tpu.memory_space<hbm>>
      tpu.enqueue_dma source(%dma_start3A_89 : memref<16x128xi32, #tpu.memory_space<hbm>>) target(%dma_start3A_87 : memref<16x128xi32, #tpu.memory_space<vmem>>) target_semaphore(%run_scoped3A_77 : memref<!tpu.dma_semaphore, #tpu.memory_space<semaphore_mem>>)
      %dma_wait3A_90 = arith.constant 0 : i32
      %dma_wait3A_91 = arith.constant 0 : i32
      %dma_wait3A_92 = tpu.memref_slice %arg7[%run_scoped3A, %dma_wait3A_90, %dma_wait3A_91] : memref<2x16x128xi32, #tpu.memory_space<vmem>> -> memref<1x16x128xi32, #tpu.memory_space<vmem>>
      %dma_wait3A_93 = tpu.memref_squeeze %dma_wait3A_92 : memref<1x16x128xi32, #tpu.memory_space<vmem>> -> memref<16x128xi32, #tpu.memory_space<vmem>>
      %dma_wait3A_94 = arith.constant 0 : i32
      %dma_wait3A_95 = tpu.memref_slice %arg3[%mul3A_2, %dma_wait3A_94] : memref<5120x128xi32, #tpu.memory_space<hbm>> -> memref<16x128xi32, #tpu.memory_space<hbm>>
      %dma_wait3A_96 = arith.constant 0 : i32
      %dma_wait3A_97 = arith.constant 0 : i32
      %dma_wait3A_98 = tpu.memref_slice %arg7[%run_scoped3A, %dma_wait3A_96, %dma_wait3A_97] : memref<2x16x128xi32, #tpu.memory_space<vmem>> -> memref<1x16x128xi32, #tpu.memory_space<vmem>>
      %dma_wait3A_99 = tpu.memref_squeeze %dma_wait3A_98 : memref<1x16x128xi32, #tpu.memory_space<vmem>> -> memref<16x128xi32, #tpu.memory_space<vmem>>
      %dma_wait3A_100 = arith.constant 0 : i32
      %dma_wait3A_101 = tpu.memref_slice %arg3[%mul3A_2, %dma_wait3A_100] : memref<5120x128xi32, #tpu.memory_space<hbm>> -> memref<16x128xi32, #tpu.memory_space<hbm>>
      tpu.wait_dma2 semaphore(%run_scoped3A_77 : memref<!tpu.dma_semaphore, #tpu.memory_space<semaphore_mem>>) src(%dma_wait3A_101 : memref<16x128xi32, #tpu.memory_space<hbm>>) dst(%dma_wait3A_99 : memref<16x128xi32, #tpu.memory_space<vmem>>)
      tpu.yield
    }) : () -> ()
    %run_scoped3A_10 = arith.constant 0 : i32
    "tpu.region"() ({
      %run_scoped3A_77 = tpu.sem_alloc : memref<!tpu.dma_semaphore, #tpu.memory_space<semaphore_mem>>
      %dma_start3A_78 = arith.constant 0 : i32
      %dma_start3A_79 = arith.constant 0 : i32
      %dma_start3A_80 = tpu.memref_slice %arg8[%run_scoped3A_10, %dma_start3A_78, %dma_start3A_79] : memref<2x16x128xi32, #tpu.memory_space<vmem>> -> memref<1x16x128xi32, #tpu.memory_space<vmem>>
      %dma_start3A_81 = tpu.memref_squeeze %dma_start3A_80 : memref<1x16x128xi32, #tpu.memory_space<vmem>> -> memref<16x128xi32, #tpu.memory_space<vmem>>
      %dma_start3A_82 = arith.constant 0 : i32
      %dma_start3A_83 = tpu.memref_slice %arg4[%mul3A_2, %dma_start3A_82] : memref<5120x128xi32, #tpu.memory_space<hbm>> -> memref<16x128xi32, #tpu.memory_space<hbm>>
      %dma_start3A_84 = arith.constant 0 : i32
      %dma_start3A_85 = arith.constant 0 : i32
      %dma_start3A_86 = tpu.memref_slice %arg8[%run_scoped3A_10, %dma_start3A_84, %dma_start3A_85] : memref<2x16x128xi32, #tpu.memory_space<vmem>> -> memref<1x16x128xi32, #tpu.memory_space<vmem>>
      %dma_start3A_87 = tpu.memref_squeeze %dma_start3A_86 : memref<1x16x128xi32, #tpu.memory_space<vmem>> -> memref<16x128xi32, #tpu.memory_space<vmem>>
      %dma_start3A_88 = arith.constant 0 : i32
      %dma_start3A_89 = tpu.memref_slice %arg4[%mul3A_2, %dma_start3A_88] : memref<5120x128xi32, #tpu.memory_space<hbm>> -> memref<16x128xi32, #tpu.memory_space<hbm>>
      tpu.enqueue_dma source(%dma_start3A_89 : memref<16x128xi32, #tpu.memory_space<hbm>>) target(%dma_start3A_87 : memref<16x128xi32, #tpu.memory_space<vmem>>) target_semaphore(%run_scoped3A_77 : memref<!tpu.dma_semaphore, #tpu.memory_space<semaphore_mem>>)
      %dma_wait3A_90 = arith.constant 0 : i32
      %dma_wait3A_91 = arith.constant 0 : i32
      %dma_wait3A_92 = tpu.memref_slice %arg8[%run_scoped3A_10, %dma_wait3A_90, %dma_wait3A_91] : memref<2x16x128xi32, #tpu.memory_space<vmem>> -> memref<1x16x128xi32, #tpu.memory_space<vmem>>
      %dma_wait3A_93 = tpu.memref_squeeze %dma_wait3A_92 : memref<1x16x128xi32, #tpu.memory_space<vmem>> -> memref<16x128xi32, #tpu.memory_space<vmem>>
      %dma_wait3A_94 = arith.constant 0 : i32
      %dma_wait3A_95 = tpu.memref_slice %arg4[%mul3A_2, %dma_wait3A_94] : memref<5120x128xi32, #tpu.memory_space<hbm>> -> memref<16x128xi32, #tpu.memory_space<hbm>>
      %dma_wait3A_96 = arith.constant 0 : i32
      %dma_wait3A_97 = arith.constant 0 : i32
      %dma_wait3A_98 = tpu.memref_slice %arg8[%run_scoped3A_10, %dma_wait3A_96, %dma_wait3A_97] : memref<2x16x128xi32, #tpu.memory_space<vmem>> -> memref<1x16x128xi32, #tpu.memory_space<vmem>>
      %dma_wait3A_99 = tpu.memref_squeeze %dma_wait3A_98 : memref<1x16x128xi32, #tpu.memory_space<vmem>> -> memref<16x128xi32, #tpu.memory_space<vmem>>
      %dma_wait3A_100 = arith.constant 0 : i32
      %dma_wait3A_101 = tpu.memref_slice %arg4[%mul3A_2, %dma_wait3A_100] : memref<5120x128xi32, #tpu.memory_space<hbm>> -> memref<16x128xi32, #tpu.memory_space<hbm>>
      tpu.wait_dma2 semaphore(%run_scoped3A_77 : memref<!tpu.dma_semaphore, #tpu.memory_space<semaphore_mem>>) src(%dma_wait3A_101 : memref<16x128xi32, #tpu.memory_space<hbm>>) dst(%dma_wait3A_99 : memref<16x128xi32, #tpu.memory_space<vmem>>)
      tpu.yield
    }) : () -> ()
    %add3A_11 = arith.constant 16 : i32
    %add3A_12 = arith.addi %mul3A_2, %add3A_11 : i32
    %dma_start3A_13 = arith.constant 1 : i32
    %dma_start3A_14 = arith.constant 0 : i32
    %dma_start3A_15 = arith.constant 0 : i32
    %dma_start3A_16 = tpu.memref_slice %arg7[%dma_start3A_13, %dma_start3A_14, %dma_start3A_15] : memref<2x16x128xi32, #tpu.memory_space<vmem>> -> memref<1x16x128xi32, #tpu.memory_space<vmem>>
    %dma_start3A_17 = tpu.memref_squeeze %dma_start3A_16 : memref<1x16x128xi32, #tpu.memory_space<vmem>> -> memref<16x128xi32, #tpu.memory_space<vmem>>
    %dma_start3A_18 = arith.constant 0 : i32
    %dma_start3A_19 = tpu.memref_slice %arg3[%add3A_12, %dma_start3A_18] : memref<5120x128xi32, #tpu.memory_space<hbm>> -> memref<16x128xi32, #tpu.memory_space<hbm>>
    %dma_start3A_20 = arith.constant 0 : i32
    %dma_start3A_21 = arith.constant 0 : i32
    %dma_start3A_22 = tpu.memref_slice %arg7[%dma_start3A_13, %dma_start3A_20, %dma_start3A_21] : memref<2x16x128xi32, #tpu.memory_space<vmem>> -> memref<1x16x128xi32, #tpu.memory_space<vmem>>
    %dma_start3A_23 = tpu.memref_squeeze %dma_start3A_22 : memref<1x16x128xi32, #tpu.memory_space<vmem>> -> memref<16x128xi32, #tpu.memory_space<vmem>>
    %dma_start3A_24 = arith.constant 0 : i32
    %dma_start3A_25 = tpu.memref_slice %arg3[%add3A_12, %dma_start3A_24] : memref<5120x128xi32, #tpu.memory_space<hbm>> -> memref<16x128xi32, #tpu.memory_space<hbm>>
    tpu.enqueue_dma source(%dma_start3A_25 : memref<16x128xi32, #tpu.memory_space<hbm>>) target(%dma_start3A_23 : memref<16x128xi32, #tpu.memory_space<vmem>>) target_semaphore(%arg17 : memref<!tpu.dma_semaphore, #tpu.memory_space<semaphore_mem>>)
    %dma_start3A_26 = arith.constant 1 : i32
    %dma_start3A_27 = arith.constant 0 : i32
    %dma_start3A_28 = arith.constant 0 : i32
    %dma_start3A_29 = tpu.memref_slice %arg8[%dma_start3A_26, %dma_start3A_27, %dma_start3A_28] : memref<2x16x128xi32, #tpu.memory_space<vmem>> -> memref<1x16x128xi32, #tpu.memory_space<vmem>>
    %dma_start3A_30 = tpu.memref_squeeze %dma_start3A_29 : memref<1x16x128xi32, #tpu.memory_space<vmem>> -> memref<16x128xi32, #tpu.memory_space<vmem>>
    %dma_start3A_31 = arith.constant 0 : i32
    %dma_start3A_32 = tpu.memref_slice %arg4[%add3A_12, %dma_start3A_31] : memref<5120x128xi32, #tpu.memory_space<hbm>> -> memref<16x128xi32, #tpu.memory_space<hbm>>
    %dma_start3A_33 = arith.constant 0 : i32
    %dma_start3A_34 = arith.constant 0 : i32
    %dma_start3A_35 = tpu.memref_slice %arg8[%dma_start3A_26, %dma_start3A_33, %dma_start3A_34] : memref<2x16x128xi32, #tpu.memory_space<vmem>> -> memref<1x16x128xi32, #tpu.memory_space<vmem>>
    %dma_start3A_36 = tpu.memref_squeeze %dma_start3A_35 : memref<1x16x128xi32, #tpu.memory_space<vmem>> -> memref<16x128xi32, #tpu.memory_space<vmem>>
    %dma_start3A_37 = arith.constant 0 : i32
    %dma_start3A_38 = tpu.memref_slice %arg4[%add3A_12, %dma_start3A_37] : memref<5120x128xi32, #tpu.memory_space<hbm>> -> memref<16x128xi32, #tpu.memory_space<hbm>>
    tpu.enqueue_dma source(%dma_start3A_38 : memref<16x128xi32, #tpu.memory_space<hbm>>) target(%dma_start3A_36 : memref<16x128xi32, #tpu.memory_space<vmem>>) target_semaphore(%arg17 : memref<!tpu.dma_semaphore, #tpu.memory_space<semaphore_mem>>)
    %dma_start3A_39 = arith.constant 0 : i32
    %dma_start3A_40 = arith.constant 0 : i32
    %dma_start3A_41 = arith.constant 0 : i32
    %dma_start3A_42 = arith.constant 0 : i32
    %dma_start3A_43 = arith.constant 0 : i32
    %dma_start3A_44 = tpu.memref_slice %arg9[%dma_start3A_41, %dma_start3A_42, %dma_start3A_43] : memref<2x128x128xf32, #tpu.memory_space<vmem>> -> memref<1x64x128xf32, #tpu.memory_space<vmem>>
    %dma_start3A_45 = tpu.memref_squeeze %dma_start3A_44 : memref<1x64x128xf32, #tpu.memory_space<vmem>> -> memref<64x128xf32, #tpu.memory_space<vmem>>
    %dma_start3A_46 = arith.constant 0 : i32
    %dma_start3A_47 = tpu.memref_slice %arg7[%dma_start3A_39, %dma_start3A_40, %dma_start3A_46] : memref<2x16x128xi32, #tpu.memory_space<vmem>> -> memref<1x1x64xi32, #tpu.memory_space<vmem>>
    %dma_start3A_48 = tpu.memref_squeeze %dma_start3A_47 : memref<1x1x64xi32, #tpu.memory_space<vmem>> -> memref<64xi32, #tpu.memory_space<vmem>>
    %dma_start3A_49 = arith.constant 0 : i32
    %dma_start3A_50 = arith.constant 0 : i32
    %dma_start3A_51 = tpu.memref_slice %arg2[%dma_start3A_49, %dma_start3A_50] : memref<10240x128xf32, #tpu.memory_space<hbm>> -> memref<10240x128xf32, #tpu.memory_space<hbm>>
    tpu.enqueue_indirect_dma source(%dma_start3A_51 : memref<10240x128xf32, #tpu.memory_space<hbm>>) target(%dma_start3A_45 : memref<64x128xf32, #tpu.memory_space<vmem>>) offsets(%dma_start3A_48 : memref<64xi32, #tpu.memory_space<vmem>>) semaphore(%arg11 : memref<!tpu.dma_semaphore, #tpu.memory_space<semaphore_mem>>)
    %dma_start3A_52 = arith.constant 0 : i32
    %dma_start3A_53 = arith.constant 0 : i32
    %dma_start3A_54 = arith.constant 0 : i32
    %dma_start3A_55 = arith.constant 64 : i32
    %dma_start3A_56 = arith.constant 0 : i32
    %dma_start3A_57 = tpu.memref_slice %arg9[%dma_start3A_54, %dma_start3A_55, %dma_start3A_56] : memref<2x128x128xf32, #tpu.memory_space<vmem>> -> memref<1x64x128xf32, #tpu.memory_space<vmem>>
    %dma_start3A_58 = tpu.memref_squeeze %dma_start3A_57 : memref<1x64x128xf32, #tpu.memory_space<vmem>> -> memref<64x128xf32, #tpu.memory_space<vmem>>
    %dma_start3A_59 = arith.constant 64 : i32
    %dma_start3A_60 = tpu.memref_slice %arg7[%dma_start3A_52, %dma_start3A_53, %dma_start3A_59] : memref<2x16x128xi32, #tpu.memory_space<vmem>> -> memref<1x1x64xi32, #tpu.memory_space<vmem>>
    %dma_start3A_61 = tpu.memref_squeeze %dma_start3A_60 : memref<1x1x64xi32, #tpu.memory_space<vmem>> -> memref<64xi32, #tpu.memory_space<vmem>>
    %dma_start3A_62 = arith.constant 0 : i32
    %dma_start3A_63 = arith.constant 0 : i32
    %dma_start3A_64 = tpu.memref_slice %arg2[%dma_start3A_62, %dma_start3A_63] : memref<10240x128xf32, #tpu.memory_space<hbm>> -> memref<10240x128xf32, #tpu.memory_space<hbm>>
    tpu.enqueue_indirect_dma source(%dma_start3A_64 : memref<10240x128xf32, #tpu.memory_space<hbm>>) target(%dma_start3A_58 : memref<64x128xf32, #tpu.memory_space<vmem>>) offsets(%dma_start3A_61 : memref<64xi32, #tpu.memory_space<vmem>>) semaphore(%arg13 : memref<!tpu.dma_semaphore, #tpu.memory_space<semaphore_mem>>)
    %dma_wait3A = arith.constant 0 : i32
    %dma_wait3A_65 = tpu.memref_slice %arg10[%mul3A_6, %dma_wait3A] : memref<10240x128xf32, #tpu.memory_space<vmem_shared>> -> memref<640x128xf32, #tpu.memory_space<vmem_shared>>
    %dma_wait3A_66 = arith.constant 0 : i32
    %dma_wait3A_67 = tpu.memref_slice %arg5[%mul3A_4, %dma_wait3A_66] : memref<10240x128xf32, #tpu.memory_space<hbm>> -> memref<640x128xf32, #tpu.memory_space<hbm>>
    tpu.wait_dma2 semaphore(%arg18 : memref<!tpu.dma_semaphore, #tpu.memory_space<semaphore_mem>>) src(%dma_wait3A_67 : memref<640x128xf32, #tpu.memory_space<hbm>>) dst(%dma_wait3A_65 : memref<640x128xf32, #tpu.memory_space<vmem_shared>>)
    %barrier3A = arith.constant 0 : index
    tpu.barrier barrier_id(%barrier3A)
    %scan3A = arith.constant 0 : i32
    %scan3A_68 = arith.constant 10 : i32
    %scan3A_69 = arith.addi %scan3A, %scan3A_68 : i32
    %scan3A_70 = arith.constant 1 : i32
    scf.for %scan3A_77 = %scan3A to %scan3A_69 step %scan3A_70  : i32 {
      %mul3A_78 = arith.constant 1 : i32
      %mul3A_79 = arith.muli %scan3A_77, %mul3A_78 : i32
      %add3A_80 = arith.constant 0 : i32
      %add3A_81 = arith.addi %add3A_80, %mul3A_79 : i32
      %rem3A = arith.constant 2 : i32
      %rem3A_82 = arith.remsi %add3A_81, %rem3A : i32
      %sub3A = arith.constant 1 : i32
      %sub3A_83 = arith.subi %sub3A, %rem3A_82 : i32
      %scan3A_84 = arith.constant 0 : i32
      %scan3A_85 = arith.constant 8 : i32
      %scan3A_86 = arith.addi %scan3A_84, %scan3A_85 : i32
      %scan3A_87 = arith.constant 1 : i32
      scf.for %scan3A_95 = %scan3A_84 to %scan3A_86 step %scan3A_87  : i32 {
        %mul3A_96 = arith.constant 1 : i32
        %mul3A_97 = arith.muli %scan3A_95, %mul3A_96 : i32
        %add3A_98 = arith.constant 0 : i32
        %add3A_99 = arith.addi %add3A_98, %mul3A_97 : i32
        %mul3A_100 = arith.constant 2 : i32
        %mul3A_101 = arith.muli %mul3A_100, %add3A_99 : i32
        %dma_wait3A_102 = arith.constant 0 : i32
        %dma_wait3A_103 = arith.constant 0 : i32
        %dma_wait3A_104 = arith.constant 0 : i32
        %dma_wait3A_105 = tpu.memref_slice %arg9[%dma_wait3A_102, %dma_wait3A_103, %dma_wait3A_104] : memref<2x128x128xf32, #tpu.memory_space<vmem>> -> memref<1x64x128xf32, #tpu.memory_space<vmem>>
        %dma_wait3A_106 = tpu.memref_squeeze %dma_wait3A_105 : memref<1x64x128xf32, #tpu.memory_space<vmem>> -> memref<64x128xf32, #tpu.memory_space<vmem>>
        %dma_wait3A_107 = arith.constant 0 : i32
        %dma_wait3A_108 = tpu.memref_slice %arg7[%rem3A_82, %mul3A_101, %dma_wait3A_107] : memref<2x16x128xi32, #tpu.memory_space<vmem>> -> memref<1x1x64xi32, #tpu.memory_space<vmem>>
        %dma_wait3A_109 = tpu.memref_squeeze %dma_wait3A_108 : memref<1x1x64xi32, #tpu.memory_space<vmem>> -> memref<64xi32, #tpu.memory_space<vmem>>
        %dma_wait3A_110 = arith.constant 0 : i32
        %dma_wait3A_111 = arith.constant 0 : i32
        %dma_wait3A_112 = tpu.memref_slice %arg2[%dma_wait3A_110, %dma_wait3A_111] : memref<10240x128xf32, #tpu.memory_space<hbm>> -> memref<10240x128xf32, #tpu.memory_space<hbm>>
        tpu.wait_indirect_dma semaphore(%arg11 : memref<!tpu.dma_semaphore, #tpu.memory_space<semaphore_mem>>) src(%dma_wait3A_112 : memref<10240x128xf32, #tpu.memory_space<hbm>>) dst(%dma_wait3A_106 : memref<64x128xf32, #tpu.memory_space<vmem>>)
        %dma_wait3A_113 = arith.constant 0 : i32
        %dma_wait3A_114 = arith.constant 64 : i32
        %dma_wait3A_115 = arith.constant 0 : i32
        %dma_wait3A_116 = tpu.memref_slice %arg9[%dma_wait3A_113, %dma_wait3A_114, %dma_wait3A_115] : memref<2x128x128xf32, #tpu.memory_space<vmem>> -> memref<1x64x128xf32, #tpu.memory_space<vmem>>
        %dma_wait3A_117 = tpu.memref_squeeze %dma_wait3A_116 : memref<1x64x128xf32, #tpu.memory_space<vmem>> -> memref<64x128xf32, #tpu.memory_space<vmem>>
        %dma_wait3A_118 = arith.constant 64 : i32
        %dma_wait3A_119 = tpu.memref_slice %arg7[%rem3A_82, %mul3A_101, %dma_wait3A_118] : memref<2x16x128xi32, #tpu.memory_space<vmem>> -> memref<1x1x64xi32, #tpu.memory_space<vmem>>
        %dma_wait3A_120 = tpu.memref_squeeze %dma_wait3A_119 : memref<1x1x64xi32, #tpu.memory_space<vmem>> -> memref<64xi32, #tpu.memory_space<vmem>>
        %dma_wait3A_121 = arith.constant 0 : i32
        %dma_wait3A_122 = arith.constant 0 : i32
        %dma_wait3A_123 = tpu.memref_slice %arg2[%dma_wait3A_121, %dma_wait3A_122] : memref<10240x128xf32, #tpu.memory_space<hbm>> -> memref<10240x128xf32, #tpu.memory_space<hbm>>
        tpu.wait_indirect_dma semaphore(%arg13 : memref<!tpu.dma_semaphore, #tpu.memory_space<semaphore_mem>>) src(%dma_wait3A_123 : memref<10240x128xf32, #tpu.memory_space<hbm>>) dst(%dma_wait3A_117 : memref<64x128xf32, #tpu.memory_space<vmem>>)
        %dma_start3A_124 = arith.constant 0 : i32
        %dma_start3A_125 = arith.constant 0 : i32
        %dma_start3A_126 = arith.constant 0 : i32
        %dma_start3A_127 = tpu.memref_slice %arg9[%dma_start3A_124, %dma_start3A_125, %dma_start3A_126] : memref<2x128x128xf32, #tpu.memory_space<vmem>> -> memref<1x128x128xf32, #tpu.memory_space<vmem>>
        %dma_start3A_128 = tpu.memref_squeeze %dma_start3A_127 : memref<1x128x128xf32, #tpu.memory_space<vmem>> -> memref<128x128xf32, #tpu.memory_space<vmem>>
        %dma_start3A_129 = arith.constant 0 : i32
        %dma_start3A_130 = tpu.memref_slice %arg8[%rem3A_82, %mul3A_101, %dma_start3A_129] : memref<2x16x128xi32, #tpu.memory_space<vmem>> -> memref<1x1x128xi32, #tpu.memory_space<vmem>>
        %dma_start3A_131 = tpu.memref_squeeze %dma_start3A_130 : memref<1x1x128xi32, #tpu.memory_space<vmem>> -> memref<128xi32, #tpu.memory_space<vmem>>
        %dma_start3A_132 = arith.constant 0 : i32
        %dma_start3A_133 = arith.constant 0 : i32
        %dma_start3A_134 = tpu.memref_slice %arg10[%dma_start3A_132, %dma_start3A_133] : memref<10240x128xf32, #tpu.memory_space<vmem_shared>> -> memref<10240x128xf32, #tpu.memory_space<vmem_shared>>
        tpu.enqueue_indirect_dma source(%dma_start3A_128 : memref<128x128xf32, #tpu.memory_space<vmem>>) target(%dma_start3A_134 : memref<10240x128xf32, #tpu.memory_space<vmem_shared>>) offsets(%dma_start3A_131 : memref<128xi32, #tpu.memory_space<vmem>>) semaphore(%arg15 : memref<!tpu.dma_semaphore, #tpu.memory_space<semaphore_mem>>) {add = true}
        %gt3A = arith.constant 0 : i32
        %gt3A_135 = arith.cmpi sgt, %add3A_99, %gt3A : i32
        %convert_element_type3A_136 = arith.extui %gt3A_135 : i1 to i32
        %cond3A_137 = arith.constant 0 : i32
        %cond3A_138 = arith.cmpi ne, %convert_element_type3A_136, %cond3A_137 : i32
        scf.if %cond3A_138 {
          %sub3A_214 = arith.constant 1 : i32
          %sub3A_215 = arith.subi %mul3A_101, %sub3A_214 : i32
          %dma_wait3A_216 = arith.constant 1 : i32
          %dma_wait3A_217 = arith.constant 0 : i32
          %dma_wait3A_218 = arith.constant 0 : i32
          %dma_wait3A_219 = tpu.memref_slice %arg9[%dma_wait3A_216, %dma_wait3A_217, %dma_wait3A_218] : memref<2x128x128xf32, #tpu.memory_space<vmem>> -> memref<1x128x128xf32, #tpu.memory_space<vmem>>
          %dma_wait3A_220 = tpu.memref_squeeze %dma_wait3A_219 : memref<1x128x128xf32, #tpu.memory_space<vmem>> -> memref<128x128xf32, #tpu.memory_space<vmem>>
          %dma_wait3A_221 = arith.constant 0 : i32
          %dma_wait3A_222 = tpu.memref_slice %arg8[%rem3A_82, %sub3A_215, %dma_wait3A_221] : memref<2x16x128xi32, #tpu.memory_space<vmem>> -> memref<1x1x128xi32, #tpu.memory_space<vmem>>
          %dma_wait3A_223 = tpu.memref_squeeze %dma_wait3A_222 : memref<1x1x128xi32, #tpu.memory_space<vmem>> -> memref<128xi32, #tpu.memory_space<vmem>>
          %dma_wait3A_224 = arith.constant 0 : i32
          %dma_wait3A_225 = arith.constant 0 : i32
          %dma_wait3A_226 = tpu.memref_slice %arg10[%dma_wait3A_224, %dma_wait3A_225] : memref<10240x128xf32, #tpu.memory_space<vmem_shared>> -> memref<10240x128xf32, #tpu.memory_space<vmem_shared>>
          tpu.wait_indirect_dma semaphore(%arg16 : memref<!tpu.dma_semaphore, #tpu.memory_space<semaphore_mem>>) src(%dma_wait3A_220 : memref<128x128xf32, #tpu.memory_space<vmem>>) dst(%dma_wait3A_226 : memref<10240x128xf32, #tpu.memory_space<vmem_shared>>)
        } else {
        }
        %add3A_139 = arith.constant 1 : i32
        %add3A_140 = arith.addi %mul3A_101, %add3A_139 : i32
        %dma_start3A_141 = arith.constant 1 : i32
        %dma_start3A_142 = arith.constant 0 : i32
        %dma_start3A_143 = arith.constant 0 : i32
        %dma_start3A_144 = tpu.memref_slice %arg9[%dma_start3A_141, %dma_start3A_142, %dma_start3A_143] : memref<2x128x128xf32, #tpu.memory_space<vmem>> -> memref<1x64x128xf32, #tpu.memory_space<vmem>>
        %dma_start3A_145 = tpu.memref_squeeze %dma_start3A_144 : memref<1x64x128xf32, #tpu.memory_space<vmem>> -> memref<64x128xf32, #tpu.memory_space<vmem>>
        %dma_start3A_146 = arith.constant 0 : i32
        %dma_start3A_147 = tpu.memref_slice %arg7[%rem3A_82, %add3A_140, %dma_start3A_146] : memref<2x16x128xi32, #tpu.memory_space<vmem>> -> memref<1x1x64xi32, #tpu.memory_space<vmem>>
        %dma_start3A_148 = tpu.memref_squeeze %dma_start3A_147 : memref<1x1x64xi32, #tpu.memory_space<vmem>> -> memref<64xi32, #tpu.memory_space<vmem>>
        %dma_start3A_149 = arith.constant 0 : i32
        %dma_start3A_150 = arith.constant 0 : i32
        %dma_start3A_151 = tpu.memref_slice %arg2[%dma_start3A_149, %dma_start3A_150] : memref<10240x128xf32, #tpu.memory_space<hbm>> -> memref<10240x128xf32, #tpu.memory_space<hbm>>
        tpu.enqueue_indirect_dma source(%dma_start3A_151 : memref<10240x128xf32, #tpu.memory_space<hbm>>) target(%dma_start3A_145 : memref<64x128xf32, #tpu.memory_space<vmem>>) offsets(%dma_start3A_148 : memref<64xi32, #tpu.memory_space<vmem>>) semaphore(%arg12 : memref<!tpu.dma_semaphore, #tpu.memory_space<semaphore_mem>>)
        %dma_start3A_152 = arith.constant 1 : i32
        %dma_start3A_153 = arith.constant 64 : i32
        %dma_start3A_154 = arith.constant 0 : i32
        %dma_start3A_155 = tpu.memref_slice %arg9[%dma_start3A_152, %dma_start3A_153, %dma_start3A_154] : memref<2x128x128xf32, #tpu.memory_space<vmem>> -> memref<1x64x128xf32, #tpu.memory_space<vmem>>
        %dma_start3A_156 = tpu.memref_squeeze %dma_start3A_155 : memref<1x64x128xf32, #tpu.memory_space<vmem>> -> memref<64x128xf32, #tpu.memory_space<vmem>>
        %dma_start3A_157 = arith.constant 64 : i32
        %dma_start3A_158 = tpu.memref_slice %arg7[%rem3A_82, %add3A_140, %dma_start3A_157] : memref<2x16x128xi32, #tpu.memory_space<vmem>> -> memref<1x1x64xi32, #tpu.memory_space<vmem>>
        %dma_start3A_159 = tpu.memref_squeeze %dma_start3A_158 : memref<1x1x64xi32, #tpu.memory_space<vmem>> -> memref<64xi32, #tpu.memory_space<vmem>>
        %dma_start3A_160 = arith.constant 0 : i32
        %dma_start3A_161 = arith.constant 0 : i32
        %dma_start3A_162 = tpu.memref_slice %arg2[%dma_start3A_160, %dma_start3A_161] : memref<10240x128xf32, #tpu.memory_space<hbm>> -> memref<10240x128xf32, #tpu.memory_space<hbm>>
        tpu.enqueue_indirect_dma source(%dma_start3A_162 : memref<10240x128xf32, #tpu.memory_space<hbm>>) target(%dma_start3A_156 : memref<64x128xf32, #tpu.memory_space<vmem>>) offsets(%dma_start3A_159 : memref<64xi32, #tpu.memory_space<vmem>>) semaphore(%arg14 : memref<!tpu.dma_semaphore, #tpu.memory_space<semaphore_mem>>)
        %add3A_163 = arith.constant 1 : i32
        %add3A_164 = arith.addi %mul3A_101, %add3A_163 : i32
        %dma_wait3A_165 = arith.constant 1 : i32
        %dma_wait3A_166 = arith.constant 0 : i32
        %dma_wait3A_167 = arith.constant 0 : i32
        %dma_wait3A_168 = tpu.memref_slice %arg9[%dma_wait3A_165, %dma_wait3A_166, %dma_wait3A_167] : memref<2x128x128xf32, #tpu.memory_space<vmem>> -> memref<1x64x128xf32, #tpu.memory_space<vmem>>
        %dma_wait3A_169 = tpu.memref_squeeze %dma_wait3A_168 : memref<1x64x128xf32, #tpu.memory_space<vmem>> -> memref<64x128xf32, #tpu.memory_space<vmem>>
        %dma_wait3A_170 = arith.constant 0 : i32
        %dma_wait3A_171 = tpu.memref_slice %arg7[%rem3A_82, %add3A_164, %dma_wait3A_170] : memref<2x16x128xi32, #tpu.memory_space<vmem>> -> memref<1x1x64xi32, #tpu.memory_space<vmem>>
        %dma_wait3A_172 = tpu.memref_squeeze %dma_wait3A_171 : memref<1x1x64xi32, #tpu.memory_space<vmem>> -> memref<64xi32, #tpu.memory_space<vmem>>
        %dma_wait3A_173 = arith.constant 0 : i32
        %dma_wait3A_174 = arith.constant 0 : i32
        %dma_wait3A_175 = tpu.memref_slice %arg2[%dma_wait3A_173, %dma_wait3A_174] : memref<10240x128xf32, #tpu.memory_space<hbm>> -> memref<10240x128xf32, #tpu.memory_space<hbm>>
        tpu.wait_indirect_dma semaphore(%arg12 : memref<!tpu.dma_semaphore, #tpu.memory_space<semaphore_mem>>) src(%dma_wait3A_175 : memref<10240x128xf32, #tpu.memory_space<hbm>>) dst(%dma_wait3A_169 : memref<64x128xf32, #tpu.memory_space<vmem>>)
        %dma_wait3A_176 = arith.constant 1 : i32
        %dma_wait3A_177 = arith.constant 64 : i32
        %dma_wait3A_178 = arith.constant 0 : i32
        %dma_wait3A_179 = tpu.memref_slice %arg9[%dma_wait3A_176, %dma_wait3A_177, %dma_wait3A_178] : memref<2x128x128xf32, #tpu.memory_space<vmem>> -> memref<1x64x128xf32, #tpu.memory_space<vmem>>
        %dma_wait3A_180 = tpu.memref_squeeze %dma_wait3A_179 : memref<1x64x128xf32, #tpu.memory_space<vmem>> -> memref<64x128xf32, #tpu.memory_space<vmem>>
        %dma_wait3A_181 = arith.constant 64 : i32
        %dma_wait3A_182 = tpu.memref_slice %arg7[%rem3A_82, %add3A_164, %dma_wait3A_181] : memref<2x16x128xi32, #tpu.memory_space<vmem>> -> memref<1x1x64xi32, #tpu.memory_space<vmem>>
        %dma_wait3A_183 = tpu.memref_squeeze %dma_wait3A_182 : memref<1x1x64xi32, #tpu.memory_space<vmem>> -> memref<64xi32, #tpu.memory_space<vmem>>
        %dma_wait3A_184 = arith.constant 0 : i32
        %dma_wait3A_185 = arith.constant 0 : i32
        %dma_wait3A_186 = tpu.memref_slice %arg2[%dma_wait3A_184, %dma_wait3A_185] : memref<10240x128xf32, #tpu.memory_space<hbm>> -> memref<10240x128xf32, #tpu.memory_space<hbm>>
        tpu.wait_indirect_dma semaphore(%arg14 : memref<!tpu.dma_semaphore, #tpu.memory_space<semaphore_mem>>) src(%dma_wait3A_186 : memref<10240x128xf32, #tpu.memory_space<hbm>>) dst(%dma_wait3A_180 : memref<64x128xf32, #tpu.memory_space<vmem>>)
        %dma_start3A_187 = arith.constant 1 : i32
        %dma_start3A_188 = arith.constant 0 : i32
        %dma_start3A_189 = arith.constant 0 : i32
        %dma_start3A_190 = tpu.memref_slice %arg9[%dma_start3A_187, %dma_start3A_188, %dma_start3A_189] : memref<2x128x128xf32, #tpu.memory_space<vmem>> -> memref<1x128x128xf32, #tpu.memory_space<vmem>>
        %dma_start3A_191 = tpu.memref_squeeze %dma_start3A_190 : memref<1x128x128xf32, #tpu.memory_space<vmem>> -> memref<128x128xf32, #tpu.memory_space<vmem>>
        %dma_start3A_192 = arith.constant 0 : i32
        %dma_start3A_193 = tpu.memref_slice %arg8[%rem3A_82, %add3A_164, %dma_start3A_192] : memref<2x16x128xi32, #tpu.memory_space<vmem>> -> memref<1x1x128xi32, #tpu.memory_space<vmem>>
        %dma_start3A_194 = tpu.memref_squeeze %dma_start3A_193 : memref<1x1x128xi32, #tpu.memory_space<vmem>> -> memref<128xi32, #tpu.memory_space<vmem>>
        %dma_start3A_195 = arith.constant 0 : i32
        %dma_start3A_196 = arith.constant 0 : i32
        %dma_start3A_197 = tpu.memref_slice %arg10[%dma_start3A_195, %dma_start3A_196] : memref<10240x128xf32, #tpu.memory_space<vmem_shared>> -> memref<10240x128xf32, #tpu.memory_space<vmem_shared>>
        tpu.enqueue_indirect_dma source(%dma_start3A_191 : memref<128x128xf32, #tpu.memory_space<vmem>>) target(%dma_start3A_197 : memref<10240x128xf32, #tpu.memory_space<vmem_shared>>) offsets(%dma_start3A_194 : memref<128xi32, #tpu.memory_space<vmem>>) semaphore(%arg16 : memref<!tpu.dma_semaphore, #tpu.memory_space<semaphore_mem>>) {add = true}
        %dma_wait3A_198 = arith.constant 0 : i32
        %dma_wait3A_199 = arith.constant 0 : i32
        %dma_wait3A_200 = arith.constant 0 : i32
        %dma_wait3A_201 = tpu.memref_slice %arg9[%dma_wait3A_198, %dma_wait3A_199, %dma_wait3A_200] : memref<2x128x128xf32, #tpu.memory_space<vmem>> -> memref<1x128x128xf32, #tpu.memory_space<vmem>>
        %dma_wait3A_202 = tpu.memref_squeeze %dma_wait3A_201 : memref<1x128x128xf32, #tpu.memory_space<vmem>> -> memref<128x128xf32, #tpu.memory_space<vmem>>
        %dma_wait3A_203 = arith.constant 0 : i32
        %dma_wait3A_204 = tpu.memref_slice %arg8[%rem3A_82, %mul3A_101, %dma_wait3A_203] : memref<2x16x128xi32, #tpu.memory_space<vmem>> -> memref<1x1x128xi32, #tpu.memory_space<vmem>>
        %dma_wait3A_205 = tpu.memref_squeeze %dma_wait3A_204 : memref<1x1x128xi32, #tpu.memory_space<vmem>> -> memref<128xi32, #tpu.memory_space<vmem>>
        %dma_wait3A_206 = arith.constant 0 : i32
        %dma_wait3A_207 = arith.constant 0 : i32
        %dma_wait3A_208 = tpu.memref_slice %arg10[%dma_wait3A_206, %dma_wait3A_207] : memref<10240x128xf32, #tpu.memory_space<vmem_shared>> -> memref<10240x128xf32, #tpu.memory_space<vmem_shared>>
        tpu.wait_indirect_dma semaphore(%arg15 : memref<!tpu.dma_semaphore, #tpu.memory_space<semaphore_mem>>) src(%dma_wait3A_202 : memref<128x128xf32, #tpu.memory_space<vmem>>) dst(%dma_wait3A_208 : memref<10240x128xf32, #tpu.memory_space<vmem_shared>>)
        %lt3A_209 = arith.constant 7 : i32
        %lt3A_210 = arith.cmpi slt, %add3A_99, %lt3A_209 : i32
        %convert_element_type3A_211 = arith.extui %lt3A_210 : i1 to i32
        %cond3A_212 = arith.constant 0 : i32
        %cond3A_213 = arith.cmpi ne, %convert_element_type3A_211, %cond3A_212 : i32
        scf.if %cond3A_213 {
          %add3A_214 = arith.constant 2 : i32
          %add3A_215 = arith.addi %mul3A_101, %add3A_214 : i32
          %dma_start3A_216 = arith.constant 0 : i32
          %dma_start3A_217 = arith.constant 0 : i32
          %dma_start3A_218 = arith.constant 0 : i32
          %dma_start3A_219 = tpu.memref_slice %arg9[%dma_start3A_216, %dma_start3A_217, %dma_start3A_218] : memref<2x128x128xf32, #tpu.memory_space<vmem>> -> memref<1x64x128xf32, #tpu.memory_space<vmem>>
          %dma_start3A_220 = tpu.memref_squeeze %dma_start3A_219 : memref<1x64x128xf32, #tpu.memory_space<vmem>> -> memref<64x128xf32, #tpu.memory_space<vmem>>
          %dma_start3A_221 = arith.constant 0 : i32
          %dma_start3A_222 = tpu.memref_slice %arg7[%rem3A_82, %add3A_215, %dma_start3A_221] : memref<2x16x128xi32, #tpu.memory_space<vmem>> -> memref<1x1x64xi32, #tpu.memory_space<vmem>>
          %dma_start3A_223 = tpu.memref_squeeze %dma_start3A_222 : memref<1x1x64xi32, #tpu.memory_space<vmem>> -> memref<64xi32, #tpu.memory_space<vmem>>
          %dma_start3A_224 = arith.constant 0 : i32
          %dma_start3A_225 = arith.constant 0 : i32
          %dma_start3A_226 = tpu.memref_slice %arg2[%dma_start3A_224, %dma_start3A_225] : memref<10240x128xf32, #tpu.memory_space<hbm>> -> memref<10240x128xf32, #tpu.memory_space<hbm>>
          tpu.enqueue_indirect_dma source(%dma_start3A_226 : memref<10240x128xf32, #tpu.memory_space<hbm>>) target(%dma_start3A_220 : memref<64x128xf32, #tpu.memory_space<vmem>>) offsets(%dma_start3A_223 : memref<64xi32, #tpu.memory_space<vmem>>) semaphore(%arg11 : memref<!tpu.dma_semaphore, #tpu.memory_space<semaphore_mem>>)
          %dma_start3A_227 = arith.constant 0 : i32
          %dma_start3A_228 = arith.constant 64 : i32
          %dma_start3A_229 = arith.constant 0 : i32
          %dma_start3A_230 = tpu.memref_slice %arg9[%dma_start3A_227, %dma_start3A_228, %dma_start3A_229] : memref<2x128x128xf32, #tpu.memory_space<vmem>> -> memref<1x64x128xf32, #tpu.memory_space<vmem>>
          %dma_start3A_231 = tpu.memref_squeeze %dma_start3A_230 : memref<1x64x128xf32, #tpu.memory_space<vmem>> -> memref<64x128xf32, #tpu.memory_space<vmem>>
          %dma_start3A_232 = arith.constant 64 : i32
          %dma_start3A_233 = tpu.memref_slice %arg7[%rem3A_82, %add3A_215, %dma_start3A_232] : memref<2x16x128xi32, #tpu.memory_space<vmem>> -> memref<1x1x64xi32, #tpu.memory_space<vmem>>
          %dma_start3A_234 = tpu.memref_squeeze %dma_start3A_233 : memref<1x1x64xi32, #tpu.memory_space<vmem>> -> memref<64xi32, #tpu.memory_space<vmem>>
          %dma_start3A_235 = arith.constant 0 : i32
          %dma_start3A_236 = arith.constant 0 : i32
          %dma_start3A_237 = tpu.memref_slice %arg2[%dma_start3A_235, %dma_start3A_236] : memref<10240x128xf32, #tpu.memory_space<hbm>> -> memref<10240x128xf32, #tpu.memory_space<hbm>>
          tpu.enqueue_indirect_dma source(%dma_start3A_237 : memref<10240x128xf32, #tpu.memory_space<hbm>>) target(%dma_start3A_231 : memref<64x128xf32, #tpu.memory_space<vmem>>) offsets(%dma_start3A_234 : memref<64xi32, #tpu.memory_space<vmem>>) semaphore(%arg13 : memref<!tpu.dma_semaphore, #tpu.memory_space<semaphore_mem>>)
        } else {
        }
      }
      %scan3A_88 = arith.constant 8 : i32
      %lt3A = arith.constant 9 : i32
      %lt3A_89 = arith.cmpi slt, %add3A_81, %lt3A : i32
      %convert_element_type3A = arith.extui %lt3A_89 : i1 to i32
      %cond3A = arith.constant 0 : i32
      %cond3A_90 = arith.cmpi ne, %convert_element_type3A, %cond3A : i32
      scf.if %cond3A_90 {
        %dma_wait3A_95 = arith.constant 0 : i32
        %dma_wait3A_96 = arith.constant 0 : i32
        %dma_wait3A_97 = tpu.memref_slice %arg7[%sub3A_83, %dma_wait3A_95, %dma_wait3A_96] : memref<2x16x128xi32, #tpu.memory_space<vmem>> -> memref<1x16x128xi32, #tpu.memory_space<vmem>>
        %dma_wait3A_98 = tpu.memref_squeeze %dma_wait3A_97 : memref<1x16x128xi32, #tpu.memory_space<vmem>> -> memref<16x128xi32, #tpu.memory_space<vmem>>
        %dma_wait3A_99 = arith.constant 0 : i32
        %dma_wait3A_100 = tpu.memref_slice %arg3[%mul3A_2, %dma_wait3A_99] : memref<5120x128xi32, #tpu.memory_space<hbm>> -> memref<16x128xi32, #tpu.memory_space<hbm>>
        %dma_wait3A_101 = arith.constant 0 : i32
        %dma_wait3A_102 = arith.constant 0 : i32
        %dma_wait3A_103 = tpu.memref_slice %arg7[%sub3A_83, %dma_wait3A_101, %dma_wait3A_102] : memref<2x16x128xi32, #tpu.memory_space<vmem>> -> memref<1x16x128xi32, #tpu.memory_space<vmem>>
        %dma_wait3A_104 = tpu.memref_squeeze %dma_wait3A_103 : memref<1x16x128xi32, #tpu.memory_space<vmem>> -> memref<16x128xi32, #tpu.memory_space<vmem>>
        %dma_wait3A_105 = arith.constant 0 : i32
        %dma_wait3A_106 = tpu.memref_slice %arg3[%mul3A_2, %dma_wait3A_105] : memref<5120x128xi32, #tpu.memory_space<hbm>> -> memref<16x128xi32, #tpu.memory_space<hbm>>
        tpu.wait_dma2 semaphore(%arg17 : memref<!tpu.dma_semaphore, #tpu.memory_space<semaphore_mem>>) src(%dma_wait3A_106 : memref<16x128xi32, #tpu.memory_space<hbm>>) dst(%dma_wait3A_104 : memref<16x128xi32, #tpu.memory_space<vmem>>)
        %dma_wait3A_107 = arith.constant 0 : i32
        %dma_wait3A_108 = arith.constant 0 : i32
        %dma_wait3A_109 = tpu.memref_slice %arg8[%sub3A_83, %dma_wait3A_107, %dma_wait3A_108] : memref<2x16x128xi32, #tpu.memory_space<vmem>> -> memref<1x16x128xi32, #tpu.memory_space<vmem>>
        %dma_wait3A_110 = tpu.memref_squeeze %dma_wait3A_109 : memref<1x16x128xi32, #tpu.memory_space<vmem>> -> memref<16x128xi32, #tpu.memory_space<vmem>>
        %dma_wait3A_111 = arith.constant 0 : i32
        %dma_wait3A_112 = tpu.memref_slice %arg4[%mul3A_2, %dma_wait3A_111] : memref<5120x128xi32, #tpu.memory_space<hbm>> -> memref<16x128xi32, #tpu.memory_space<hbm>>
        %dma_wait3A_113 = arith.constant 0 : i32
        %dma_wait3A_114 = arith.constant 0 : i32
        %dma_wait3A_115 = tpu.memref_slice %arg8[%sub3A_83, %dma_wait3A_113, %dma_wait3A_114] : memref<2x16x128xi32, #tpu.memory_space<vmem>> -> memref<1x16x128xi32, #tpu.memory_space<vmem>>
        %dma_wait3A_116 = tpu.memref_squeeze %dma_wait3A_115 : memref<1x16x128xi32, #tpu.memory_space<vmem>> -> memref<16x128xi32, #tpu.memory_space<vmem>>
        %dma_wait3A_117 = arith.constant 0 : i32
        %dma_wait3A_118 = tpu.memref_slice %arg4[%mul3A_2, %dma_wait3A_117] : memref<5120x128xi32, #tpu.memory_space<hbm>> -> memref<16x128xi32, #tpu.memory_space<hbm>>
        tpu.wait_dma2 semaphore(%arg17 : memref<!tpu.dma_semaphore, #tpu.memory_space<semaphore_mem>>) src(%dma_wait3A_118 : memref<16x128xi32, #tpu.memory_space<hbm>>) dst(%dma_wait3A_116 : memref<16x128xi32, #tpu.memory_space<vmem>>)
        %dma_start3A_119 = arith.constant 0 : i32
        %dma_start3A_120 = arith.constant 0 : i32
        %dma_start3A_121 = arith.constant 0 : i32
        %dma_start3A_122 = arith.constant 0 : i32
        %dma_start3A_123 = tpu.memref_slice %arg9[%dma_start3A_120, %dma_start3A_121, %dma_start3A_122] : memref<2x128x128xf32, #tpu.memory_space<vmem>> -> memref<1x64x128xf32, #tpu.memory_space<vmem>>
        %dma_start3A_124 = tpu.memref_squeeze %dma_start3A_123 : memref<1x64x128xf32, #tpu.memory_space<vmem>> -> memref<64x128xf32, #tpu.memory_space<vmem>>
        %dma_start3A_125 = arith.constant 0 : i32
        %dma_start3A_126 = tpu.memref_slice %arg7[%sub3A_83, %dma_start3A_119, %dma_start3A_125] : memref<2x16x128xi32, #tpu.memory_space<vmem>> -> memref<1x1x64xi32, #tpu.memory_space<vmem>>
        %dma_start3A_127 = tpu.memref_squeeze %dma_start3A_126 : memref<1x1x64xi32, #tpu.memory_space<vmem>> -> memref<64xi32, #tpu.memory_space<vmem>>
        %dma_start3A_128 = arith.constant 0 : i32
        %dma_start3A_129 = arith.constant 0 : i32
        %dma_start3A_130 = tpu.memref_slice %arg2[%dma_start3A_128, %dma_start3A_129] : memref<10240x128xf32, #tpu.memory_space<hbm>> -> memref<10240x128xf32, #tpu.memory_space<hbm>>
        tpu.enqueue_indirect_dma source(%dma_start3A_130 : memref<10240x128xf32, #tpu.memory_space<hbm>>) target(%dma_start3A_124 : memref<64x128xf32, #tpu.memory_space<vmem>>) offsets(%dma_start3A_127 : memref<64xi32, #tpu.memory_space<vmem>>) semaphore(%arg11 : memref<!tpu.dma_semaphore, #tpu.memory_space<semaphore_mem>>)
        %dma_start3A_131 = arith.constant 0 : i32
        %dma_start3A_132 = arith.constant 0 : i32
        %dma_start3A_133 = arith.constant 64 : i32
        %dma_start3A_134 = arith.constant 0 : i32
        %dma_start3A_135 = tpu.memref_slice %arg9[%dma_start3A_132, %dma_start3A_133, %dma_start3A_134] : memref<2x128x128xf32, #tpu.memory_space<vmem>> -> memref<1x64x128xf32, #tpu.memory_space<vmem>>
        %dma_start3A_136 = tpu.memref_squeeze %dma_start3A_135 : memref<1x64x128xf32, #tpu.memory_space<vmem>> -> memref<64x128xf32, #tpu.memory_space<vmem>>
        %dma_start3A_137 = arith.constant 64 : i32
        %dma_start3A_138 = tpu.memref_slice %arg7[%sub3A_83, %dma_start3A_131, %dma_start3A_137] : memref<2x16x128xi32, #tpu.memory_space<vmem>> -> memref<1x1x64xi32, #tpu.memory_space<vmem>>
        %dma_start3A_139 = tpu.memref_squeeze %dma_start3A_138 : memref<1x1x64xi32, #tpu.memory_space<vmem>> -> memref<64xi32, #tpu.memory_space<vmem>>
        %dma_start3A_140 = arith.constant 0 : i32
        %dma_start3A_141 = arith.constant 0 : i32
        %dma_start3A_142 = tpu.memref_slice %arg2[%dma_start3A_140, %dma_start3A_141] : memref<10240x128xf32, #tpu.memory_space<hbm>> -> memref<10240x128xf32, #tpu.memory_space<hbm>>
        tpu.enqueue_indirect_dma source(%dma_start3A_142 : memref<10240x128xf32, #tpu.memory_space<hbm>>) target(%dma_start3A_136 : memref<64x128xf32, #tpu.memory_space<vmem>>) offsets(%dma_start3A_139 : memref<64xi32, #tpu.memory_space<vmem>>) semaphore(%arg13 : memref<!tpu.dma_semaphore, #tpu.memory_space<semaphore_mem>>)
        %dma_wait3A_143 = arith.constant 1 : i32
        %dma_wait3A_144 = arith.constant 15 : i32
        %dma_wait3A_145 = arith.constant 0 : i32
        %dma_wait3A_146 = arith.constant 0 : i32
        %dma_wait3A_147 = tpu.memref_slice %arg9[%dma_wait3A_143, %dma_wait3A_145, %dma_wait3A_146] : memref<2x128x128xf32, #tpu.memory_space<vmem>> -> memref<1x128x128xf32, #tpu.memory_space<vmem>>
        %dma_wait3A_148 = tpu.memref_squeeze %dma_wait3A_147 : memref<1x128x128xf32, #tpu.memory_space<vmem>> -> memref<128x128xf32, #tpu.memory_space<vmem>>
        %dma_wait3A_149 = arith.constant 0 : i32
        %dma_wait3A_150 = tpu.memref_slice %arg8[%rem3A_82, %dma_wait3A_144, %dma_wait3A_149] : memref<2x16x128xi32, #tpu.memory_space<vmem>> -> memref<1x1x128xi32, #tpu.memory_space<vmem>>
        %dma_wait3A_151 = tpu.memref_squeeze %dma_wait3A_150 : memref<1x1x128xi32, #tpu.memory_space<vmem>> -> memref<128xi32, #tpu.memory_space<vmem>>
        %dma_wait3A_152 = arith.constant 0 : i32
        %dma_wait3A_153 = arith.constant 0 : i32
        %dma_wait3A_154 = tpu.memref_slice %arg10[%dma_wait3A_152, %dma_wait3A_153] : memref<10240x128xf32, #tpu.memory_space<vmem_shared>> -> memref<10240x128xf32, #tpu.memory_space<vmem_shared>>
        tpu.wait_indirect_dma semaphore(%arg16 : memref<!tpu.dma_semaphore, #tpu.memory_space<semaphore_mem>>) src(%dma_wait3A_148 : memref<128x128xf32, #tpu.memory_space<vmem>>) dst(%dma_wait3A_154 : memref<10240x128xf32, #tpu.memory_space<vmem_shared>>)
        %lt3A_155 = arith.constant 8 : i32
        %lt3A_156 = arith.cmpi slt, %add3A_81, %lt3A_155 : i32
        %convert_element_type3A_157 = arith.extui %lt3A_156 : i1 to i32
        %cond3A_158 = arith.constant 0 : i32
        %cond3A_159 = arith.cmpi ne, %convert_element_type3A_157, %cond3A_158 : i32
        scf.if %cond3A_159 {
          %add3A_160 = arith.constant 2 : i32
          %add3A_161 = arith.addi %add3A_81, %add3A_160 : i32
          %mul3A_162 = arith.constant 16 : i32
          %mul3A_163 = arith.muli %add3A_161, %mul3A_162 : i32
          %add3A_164 = arith.addi %mul3A_2, %mul3A_163 : i32
          %dma_start3A_165 = arith.constant 0 : i32
          %dma_start3A_166 = arith.constant 0 : i32
          %dma_start3A_167 = tpu.memref_slice %arg7[%rem3A_82, %dma_start3A_165, %dma_start3A_166] : memref<2x16x128xi32, #tpu.memory_space<vmem>> -> memref<1x16x128xi32, #tpu.memory_space<vmem>>
          %dma_start3A_168 = tpu.memref_squeeze %dma_start3A_167 : memref<1x16x128xi32, #tpu.memory_space<vmem>> -> memref<16x128xi32, #tpu.memory_space<vmem>>
          %dma_start3A_169 = arith.constant 0 : i32
          %dma_start3A_170 = tpu.memref_slice %arg3[%add3A_164, %dma_start3A_169] : memref<5120x128xi32, #tpu.memory_space<hbm>> -> memref<16x128xi32, #tpu.memory_space<hbm>>
          %dma_start3A_171 = arith.constant 0 : i32
          %dma_start3A_172 = arith.constant 0 : i32
          %dma_start3A_173 = tpu.memref_slice %arg7[%rem3A_82, %dma_start3A_171, %dma_start3A_172] : memref<2x16x128xi32, #tpu.memory_space<vmem>> -> memref<1x16x128xi32, #tpu.memory_space<vmem>>
          %dma_start3A_174 = tpu.memref_squeeze %dma_start3A_173 : memref<1x16x128xi32, #tpu.memory_space<vmem>> -> memref<16x128xi32, #tpu.memory_space<vmem>>
          %dma_start3A_175 = arith.constant 0 : i32
          %dma_start3A_176 = tpu.memref_slice %arg3[%add3A_164, %dma_start3A_175] : memref<5120x128xi32, #tpu.memory_space<hbm>> -> memref<16x128xi32, #tpu.memory_space<hbm>>
          tpu.enqueue_dma source(%dma_start3A_176 : memref<16x128xi32, #tpu.memory_space<hbm>>) target(%dma_start3A_174 : memref<16x128xi32, #tpu.memory_space<vmem>>) target_semaphore(%arg17 : memref<!tpu.dma_semaphore, #tpu.memory_space<semaphore_mem>>)
          %dma_start3A_177 = arith.constant 0 : i32
          %dma_start3A_178 = arith.constant 0 : i32
          %dma_start3A_179 = tpu.memref_slice %arg8[%rem3A_82, %dma_start3A_177, %dma_start3A_178] : memref<2x16x128xi32, #tpu.memory_space<vmem>> -> memref<1x16x128xi32, #tpu.memory_space<vmem>>
          %dma_start3A_180 = tpu.memref_squeeze %dma_start3A_179 : memref<1x16x128xi32, #tpu.memory_space<vmem>> -> memref<16x128xi32, #tpu.memory_space<vmem>>
          %dma_start3A_181 = arith.constant 0 : i32
          %dma_start3A_182 = tpu.memref_slice %arg4[%add3A_164, %dma_start3A_181] : memref<5120x128xi32, #tpu.memory_space<hbm>> -> memref<16x128xi32, #tpu.memory_space<hbm>>
          %dma_start3A_183 = arith.constant 0 : i32
          %dma_start3A_184 = arith.constant 0 : i32
          %dma_start3A_185 = tpu.memref_slice %arg8[%rem3A_82, %dma_start3A_183, %dma_start3A_184] : memref<2x16x128xi32, #tpu.memory_space<vmem>> -> memref<1x16x128xi32, #tpu.memory_space<vmem>>
          %dma_start3A_186 = tpu.memref_squeeze %dma_start3A_185 : memref<1x16x128xi32, #tpu.memory_space<vmem>> -> memref<16x128xi32, #tpu.memory_space<vmem>>
          %dma_start3A_187 = arith.constant 0 : i32
          %dma_start3A_188 = tpu.memref_slice %arg4[%add3A_164, %dma_start3A_187] : memref<5120x128xi32, #tpu.memory_space<hbm>> -> memref<16x128xi32, #tpu.memory_space<hbm>>
          tpu.enqueue_dma source(%dma_start3A_188 : memref<16x128xi32, #tpu.memory_space<hbm>>) target(%dma_start3A_186 : memref<16x128xi32, #tpu.memory_space<vmem>>) target_semaphore(%arg17 : memref<!tpu.dma_semaphore, #tpu.memory_space<semaphore_mem>>)
        } else {
        }
      } else {
      }
      %eq3A = arith.constant 9 : i32
      %eq3A_91 = arith.cmpi eq, %add3A_81, %eq3A : i32
      %convert_element_type3A_92 = arith.extui %eq3A_91 : i1 to i32
      %cond3A_93 = arith.constant 0 : i32
      %cond3A_94 = arith.cmpi ne, %convert_element_type3A_92, %cond3A_93 : i32
      scf.if %cond3A_94 {
        %dma_wait3A_95 = arith.constant 1 : i32
        %dma_wait3A_96 = arith.constant 15 : i32
        %dma_wait3A_97 = arith.constant 0 : i32
        %dma_wait3A_98 = arith.constant 0 : i32
        %dma_wait3A_99 = tpu.memref_slice %arg9[%dma_wait3A_95, %dma_wait3A_97, %dma_wait3A_98] : memref<2x128x128xf32, #tpu.memory_space<vmem>> -> memref<1x128x128xf32, #tpu.memory_space<vmem>>
        %dma_wait3A_100 = tpu.memref_squeeze %dma_wait3A_99 : memref<1x128x128xf32, #tpu.memory_space<vmem>> -> memref<128x128xf32, #tpu.memory_space<vmem>>
        %dma_wait3A_101 = arith.constant 0 : i32
        %dma_wait3A_102 = tpu.memref_slice %arg8[%rem3A_82, %dma_wait3A_96, %dma_wait3A_101] : memref<2x16x128xi32, #tpu.memory_space<vmem>> -> memref<1x1x128xi32, #tpu.memory_space<vmem>>
        %dma_wait3A_103 = tpu.memref_squeeze %dma_wait3A_102 : memref<1x1x128xi32, #tpu.memory_space<vmem>> -> memref<128xi32, #tpu.memory_space<vmem>>
        %dma_wait3A_104 = arith.constant 0 : i32
        %dma_wait3A_105 = arith.constant 0 : i32
        %dma_wait3A_106 = tpu.memref_slice %arg10[%dma_wait3A_104, %dma_wait3A_105] : memref<10240x128xf32, #tpu.memory_space<vmem_shared>> -> memref<10240x128xf32, #tpu.memory_space<vmem_shared>>
        tpu.wait_indirect_dma semaphore(%arg16 : memref<!tpu.dma_semaphore, #tpu.memory_space<semaphore_mem>>) src(%dma_wait3A_100 : memref<128x128xf32, #tpu.memory_space<vmem>>) dst(%dma_wait3A_106 : memref<10240x128xf32, #tpu.memory_space<vmem_shared>>)
      } else {
      }
    }
    %scan3A_71 = arith.constant 10 : i32
    %barrier3A_72 = arith.constant 0 : index
    tpu.barrier barrier_id(%barrier3A_72)
    %mul3A_73 = arith.constant 640 : i32
    %mul3A_74 = arith.muli %arg1, %mul3A_73 : i32
    %mul3A_75 = arith.constant 640 : i32
    %mul3A_76 = arith.muli %arg1, %mul3A_75 : i32
    "tpu.region"() ({
      %run_scoped3A_77 = tpu.sem_alloc : memref<!tpu.dma_semaphore, #tpu.memory_space<semaphore_mem>>
      %dma_start3A_78 = arith.constant 0 : i32
      %dma_start3A_79 = tpu.memref_slice %arg6[%arg0, %mul3A_76, %dma_start3A_78] : memref<2x10240x128xf32, #tpu.memory_space<hbm>> -> memref<1x640x128xf32, #tpu.memory_space<hbm>>
      %dma_start3A_80 = tpu.memref_squeeze %dma_start3A_79 : memref<1x640x128xf32, #tpu.memory_space<hbm>> -> memref<640x128xf32, #tpu.memory_space<hbm>>
      %dma_start3A_81 = arith.constant 0 : i32
      %dma_start3A_82 = tpu.memref_slice %arg10[%mul3A_74, %dma_start3A_81] : memref<10240x128xf32, #tpu.memory_space<vmem_shared>> -> memref<640x128xf32, #tpu.memory_space<vmem_shared>>
      tpu.enqueue_dma source(%dma_start3A_82 : memref<640x128xf32, #tpu.memory_space<vmem_shared>>) target(%dma_start3A_80 : memref<640x128xf32, #tpu.memory_space<hbm>>) target_semaphore(%run_scoped3A_77 : memref<!tpu.dma_semaphore, #tpu.memory_space<semaphore_mem>>)
      %dma_wait3A_83 = arith.constant 0 : i32
      %dma_wait3A_84 = tpu.memref_slice %arg6[%arg0, %mul3A_76, %dma_wait3A_83] : memref<2x10240x128xf32, #tpu.memory_space<hbm>> -> memref<1x640x128xf32, #tpu.memory_space<hbm>>
      %dma_wait3A_85 = tpu.memref_squeeze %dma_wait3A_84 : memref<1x640x128xf32, #tpu.memory_space<hbm>> -> memref<640x128xf32, #tpu.memory_space<hbm>>
      %dma_wait3A_86 = arith.constant 0 : i32
      %dma_wait3A_87 = tpu.memref_slice %arg10[%mul3A_74, %dma_wait3A_86] : memref<10240x128xf32, #tpu.memory_space<vmem_shared>> -> memref<640x128xf32, #tpu.memory_space<vmem_shared>>
      tpu.wait_dma2 semaphore(%run_scoped3A_77 : memref<!tpu.dma_semaphore, #tpu.memory_space<semaphore_mem>>) src(%dma_wait3A_87 : memref<640x128xf32, #tpu.memory_space<vmem_shared>>) dst(%dma_wait3A_85 : memref<640x128xf32, #tpu.memory_space<hbm>>)
      tpu.yield
    }) : () -> ()
    return
  }
}

#map = affine_map<(d0, d1) -> (0, 0)>
#map1 = affine_map<(d0, d1) -> (0)>
module attributes {stable_mosaic.version = 14 : i64} {
  func.func @k(%arg0: i32, %arg1: i32, %arg2: memref<5120x128xi32, #tpu.memory_space<hbm>>, %arg3: memref<128xf32, #tpu.memory_space<hbm>>, %arg4: memref<10240xf32, #tpu.memory_space<hbm>>, %arg5: memref<2x10240xf32, #tpu.memory_space<hbm>>, %arg6: memref<160x128xi32, #tpu.memory_space<vmem>>, %arg7: memref<128xf32, #tpu.memory_space<vmem>>, %arg8: memref<10240xf32, #tpu.memory_space<vmem_shared>>) attributes {dimension_semantics = [#tpu.dimension_semantics<core_parallel>, #tpu.dimension_semantics<subcore_parallel>], iteration_bounds = array<i64: 2, 16>, scalar_prefetch = 0 : i64, scratch_operands = 3 : i64, tpu.core_type = #tpu.core_type<sc_vector_subcore>, window_params = [{transform_indices = #map}, {transform_indices = #map1}, {transform_indices = #map1}, {transform_indices = #map}]} {
    %mul3A = arith.constant 2 : i32
    %mul3A_0 = arith.muli %arg1, %mul3A : i32
    %add3A = arith.addi %mul3A_0, %arg0 : i32
    %mul3A_1 = arith.constant 640 : i32
    %mul3A_2 = arith.muli %arg1, %mul3A_1 : i32
    %mul3A_3 = arith.constant 640 : i32
    %mul3A_4 = arith.muli %arg1, %mul3A_3 : i32
    "tpu.region"() ({
      %run_scoped3A = tpu.sem_alloc : memref<!tpu.dma_semaphore, #tpu.memory_space<semaphore_mem>>
      %dma_start3A = tpu.memref_slice %arg8[%mul3A_4] : memref<10240xf32, #tpu.memory_space<vmem_shared>> -> memref<640xf32, #tpu.memory_space<vmem_shared>>
      %dma_start3A_16 = tpu.memref_slice %arg4[%mul3A_2] : memref<10240xf32, #tpu.memory_space<hbm>> -> memref<640xf32, #tpu.memory_space<hbm>>
      tpu.enqueue_dma source(%dma_start3A_16 : memref<640xf32, #tpu.memory_space<hbm>>) target(%dma_start3A : memref<640xf32, #tpu.memory_space<vmem_shared>>) target_semaphore(%run_scoped3A : memref<!tpu.dma_semaphore, #tpu.memory_space<semaphore_mem>>)
      %dma_wait3A = tpu.memref_slice %arg8[%mul3A_4] : memref<10240xf32, #tpu.memory_space<vmem_shared>> -> memref<640xf32, #tpu.memory_space<vmem_shared>>
      %dma_wait3A_17 = tpu.memref_slice %arg4[%mul3A_2] : memref<10240xf32, #tpu.memory_space<hbm>> -> memref<640xf32, #tpu.memory_space<hbm>>
      tpu.wait_dma2 semaphore(%run_scoped3A : memref<!tpu.dma_semaphore, #tpu.memory_space<semaphore_mem>>) src(%dma_wait3A_17 : memref<640xf32, #tpu.memory_space<hbm>>) dst(%dma_wait3A : memref<640xf32, #tpu.memory_space<vmem_shared>>)
      tpu.yield
    }) : () -> ()
    %mul3A_5 = arith.constant 160 : i32
    %mul3A_6 = arith.muli %add3A, %mul3A_5 : i32
    "tpu.region"() ({
      %run_scoped3A = tpu.sem_alloc : memref<!tpu.dma_semaphore, #tpu.memory_space<semaphore_mem>>
      %dma_start3A = arith.constant 0 : i32
      %dma_start3A_16 = tpu.memref_slice %arg2[%mul3A_6, %dma_start3A] : memref<5120x128xi32, #tpu.memory_space<hbm>> -> memref<160x128xi32, #tpu.memory_space<hbm>>
      %dma_start3A_17 = arith.constant 0 : i32
      %dma_start3A_18 = tpu.memref_slice %arg2[%mul3A_6, %dma_start3A_17] : memref<5120x128xi32, #tpu.memory_space<hbm>> -> memref<160x128xi32, #tpu.memory_space<hbm>>
      tpu.enqueue_dma source(%dma_start3A_18 : memref<160x128xi32, #tpu.memory_space<hbm>>) target(%arg6 : memref<160x128xi32, #tpu.memory_space<vmem>>) target_semaphore(%run_scoped3A : memref<!tpu.dma_semaphore, #tpu.memory_space<semaphore_mem>>)
      %dma_wait3A = arith.constant 0 : i32
      %dma_wait3A_19 = tpu.memref_slice %arg2[%mul3A_6, %dma_wait3A] : memref<5120x128xi32, #tpu.memory_space<hbm>> -> memref<160x128xi32, #tpu.memory_space<hbm>>
      %dma_wait3A_20 = arith.constant 0 : i32
      %dma_wait3A_21 = tpu.memref_slice %arg2[%mul3A_6, %dma_wait3A_20] : memref<5120x128xi32, #tpu.memory_space<hbm>> -> memref<160x128xi32, #tpu.memory_space<hbm>>
      tpu.wait_dma2 semaphore(%run_scoped3A : memref<!tpu.dma_semaphore, #tpu.memory_space<semaphore_mem>>) src(%dma_wait3A_21 : memref<160x128xi32, #tpu.memory_space<hbm>>) dst(%arg6 : memref<160x128xi32, #tpu.memory_space<vmem>>)
      tpu.yield
    }) : () -> ()
    "tpu.region"() ({
      %run_scoped3A = tpu.sem_alloc : memref<!tpu.dma_semaphore, #tpu.memory_space<semaphore_mem>>
      tpu.enqueue_dma source(%arg3 : memref<128xf32, #tpu.memory_space<hbm>>) target(%arg7 : memref<128xf32, #tpu.memory_space<vmem>>) target_semaphore(%run_scoped3A : memref<!tpu.dma_semaphore, #tpu.memory_space<semaphore_mem>>)
      tpu.wait_dma2 semaphore(%run_scoped3A : memref<!tpu.dma_semaphore, #tpu.memory_space<semaphore_mem>>) src(%arg3 : memref<128xf32, #tpu.memory_space<hbm>>) dst(%arg7 : memref<128xf32, #tpu.memory_space<vmem>>)
      tpu.yield
    }) : () -> ()
    %barrier3A = arith.constant 0 : index
    tpu.barrier barrier_id(%barrier3A)
    %scan3A = arith.constant 0 : i32
    %scan3A_7 = arith.constant 160 : i32
    %scan3A_8 = arith.addi %scan3A, %scan3A_7 : i32
    %scan3A_9 = arith.constant 1 : i32
    scf.for %scan3A_16 = %scan3A to %scan3A_8 step %scan3A_9  : i32 {
      %mul3A_17 = arith.constant 1 : i32
      %mul3A_18 = arith.muli %scan3A_16, %mul3A_17 : i32
      %add3A_19 = arith.constant 0 : i32
      %add3A_20 = arith.addi %add3A_19, %mul3A_18 : i32
      "tpu.region"() ({
        %run_scoped3A = tpu.sem_alloc : memref<!tpu.dma_semaphore, #tpu.memory_space<semaphore_mem>>
        %dma_start3A = arith.constant 0 : i32
        %dma_start3A_21 = tpu.memref_slice %arg6[%add3A_20, %dma_start3A] : memref<160x128xi32, #tpu.memory_space<vmem>> -> memref<1x128xi32, #tpu.memory_space<vmem>>
        %dma_start3A_22 = tpu.memref_squeeze %dma_start3A_21 : memref<1x128xi32, #tpu.memory_space<vmem>> -> memref<128xi32, #tpu.memory_space<vmem>>
        %dma_start3A_23 = arith.constant 0 : i32
        %dma_start3A_24 = tpu.memref_slice %arg8[%dma_start3A_23] : memref<10240xf32, #tpu.memory_space<vmem_shared>> -> memref<10240xf32, #tpu.memory_space<vmem_shared>>
        tpu.enqueue_indirect_dma source(%arg7 : memref<128xf32, #tpu.memory_space<vmem>>) target(%dma_start3A_24 : memref<10240xf32, #tpu.memory_space<vmem_shared>>) offsets(%dma_start3A_22 : memref<128xi32, #tpu.memory_space<vmem>>) semaphore(%run_scoped3A : memref<!tpu.dma_semaphore, #tpu.memory_space<semaphore_mem>>) {add = true}
        %dma_wait3A = arith.constant 0 : i32
        %dma_wait3A_25 = tpu.memref_slice %arg6[%add3A_20, %dma_wait3A] : memref<160x128xi32, #tpu.memory_space<vmem>> -> memref<1x128xi32, #tpu.memory_space<vmem>>
        %dma_wait3A_26 = tpu.memref_squeeze %dma_wait3A_25 : memref<1x128xi32, #tpu.memory_space<vmem>> -> memref<128xi32, #tpu.memory_space<vmem>>
        %dma_wait3A_27 = arith.constant 0 : i32
        %dma_wait3A_28 = tpu.memref_slice %arg8[%dma_wait3A_27] : memref<10240xf32, #tpu.memory_space<vmem_shared>> -> memref<10240xf32, #tpu.memory_space<vmem_shared>>
        tpu.wait_indirect_dma semaphore(%run_scoped3A : memref<!tpu.dma_semaphore, #tpu.memory_space<semaphore_mem>>) src(%arg7 : memref<128xf32, #tpu.memory_space<vmem>>) dst(%dma_wait3A_28 : memref<10240xf32, #tpu.memory_space<vmem_shared>>)
        tpu.yield
      }) : () -> ()
    }
    %scan3A_10 = arith.constant 160 : i32
    %barrier3A_11 = arith.constant 0 : index
    tpu.barrier barrier_id(%barrier3A_11)
    %mul3A_12 = arith.constant 640 : i32
    %mul3A_13 = arith.muli %arg1, %mul3A_12 : i32
    %mul3A_14 = arith.constant 640 : i32
    %mul3A_15 = arith.muli %arg1, %mul3A_14 : i32
    "tpu.region"() ({
      %run_scoped3A = tpu.sem_alloc : memref<!tpu.dma_semaphore, #tpu.memory_space<semaphore_mem>>
      %dma_start3A = tpu.memref_slice %arg5[%arg0, %mul3A_15] : memref<2x10240xf32, #tpu.memory_space<hbm>> -> memref<1x640xf32, #tpu.memory_space<hbm>>
      %dma_start3A_16 = tpu.memref_squeeze %dma_start3A : memref<1x640xf32, #tpu.memory_space<hbm>> -> memref<640xf32, #tpu.memory_space<hbm>>
      %dma_start3A_17 = tpu.memref_slice %arg8[%mul3A_13] : memref<10240xf32, #tpu.memory_space<vmem_shared>> -> memref<640xf32, #tpu.memory_space<vmem_shared>>
      tpu.enqueue_dma source(%dma_start3A_17 : memref<640xf32, #tpu.memory_space<vmem_shared>>) target(%dma_start3A_16 : memref<640xf32, #tpu.memory_space<hbm>>) target_semaphore(%run_scoped3A : memref<!tpu.dma_semaphore, #tpu.memory_space<semaphore_mem>>)
      %dma_wait3A = tpu.memref_slice %arg5[%arg0, %mul3A_15] : memref<2x10240xf32, #tpu.memory_space<hbm>> -> memref<1x640xf32, #tpu.memory_space<hbm>>
      %dma_wait3A_18 = tpu.memref_squeeze %dma_wait3A : memref<1x640xf32, #tpu.memory_space<hbm>> -> memref<640xf32, #tpu.memory_space<hbm>>
      %dma_wait3A_19 = tpu.memref_slice %arg8[%mul3A_13] : memref<10240xf32, #tpu.memory_space<vmem_shared>> -> memref<640xf32, #tpu.memory_space<vmem_shared>>
      tpu.wait_dma2 semaphore(%run_scoped3A : memref<!tpu.dma_semaphore, #tpu.memory_space<semaphore_mem>>) src(%dma_wait3A_19 : memref<640xf32, #tpu.memory_space<vmem_shared>>) dst(%dma_wait3A_18 : memref<640xf32, #tpu.memory_space<hbm>>)
      tpu.yield
    }) : () -> ()
    return
  }
}

#map = affine_map<(d0, d1) -> (0, 0)>
#map1 = affine_map<(d0, d1) -> (0, 0, 0)>
module attributes {stable_mosaic.version = 14 : i64} {
  func.func @k(%arg0: i32, %arg1: i32, %arg2: memref<10240x128xf32, #tpu.memory_space<hbm>>, %arg3: memref<5120x128xi32, #tpu.memory_space<hbm>>, %arg4: memref<5120x128xi32, #tpu.memory_space<hbm>>, %arg5: memref<10240x128xf32, #tpu.memory_space<hbm>>, %arg6: memref<2x10240x128xf32, #tpu.memory_space<hbm>>, %arg7: memref<2x16x128xi32, #tpu.memory_space<vmem>>, %arg8: memref<2x16x128xi32, #tpu.memory_space<vmem>>, %arg9: memref<2x128x128xf32, #tpu.memory_space<vmem>>, %arg10: memref<10240x128xf32, #tpu.memory_space<vmem_shared>>, %arg11: memref<!tpu.dma_semaphore, #tpu.memory_space<semaphore_mem>>, %arg12: memref<!tpu.dma_semaphore, #tpu.memory_space<semaphore_mem>>, %arg13: memref<!tpu.dma_semaphore, #tpu.memory_space<semaphore_mem>>, %arg14: memref<!tpu.dma_semaphore, #tpu.memory_space<semaphore_mem>>, %arg15: memref<!tpu.dma_semaphore, #tpu.memory_space<semaphore_mem>>, %arg16: memref<!tpu.dma_semaphore, #tpu.memory_space<semaphore_mem>>, %arg17: memref<!tpu.dma_semaphore, #tpu.memory_space<semaphore_mem>>, %arg18: memref<!tpu.dma_semaphore, #tpu.memory_space<semaphore_mem>>) attributes {dimension_semantics = [#tpu.dimension_semantics<core_parallel>, #tpu.dimension_semantics<subcore_parallel>], iteration_bounds = array<i64: 2, 16>, scalar_prefetch = 0 : i64, scratch_operands = 12 : i64, tpu.core_type = #tpu.core_type<sc_vector_subcore>, window_params = [{transform_indices = #map}, {transform_indices = #map}, {transform_indices = #map}, {transform_indices = #map}, {transform_indices = #map1}]} {
    %mul3A = arith.constant 2 : i32
    %mul3A_0 = arith.muli %arg1, %mul3A : i32
    %add3A = arith.addi %mul3A_0, %arg0 : i32
    %mul3A_1 = arith.constant 160 : i32
    %mul3A_2 = arith.muli %add3A, %mul3A_1 : i32
    %mul3A_3 = arith.constant 640 : i32
    %mul3A_4 = arith.muli %arg1, %mul3A_3 : i32
    %mul3A_5 = arith.constant 640 : i32
    %mul3A_6 = arith.muli %arg1, %mul3A_5 : i32
    %dma_start3A = arith.constant 0 : i32
    %dma_start3A_7 = tpu.memref_slice %arg10[%mul3A_6, %dma_start3A] : memref<10240x128xf32, #tpu.memory_space<vmem_shared>> -> memref<640x128xf32, #tpu.memory_space<vmem_shared>>
    %dma_start3A_8 = arith.constant 0 : i32
    %dma_start3A_9 = tpu.memref_slice %arg5[%mul3A_4, %dma_start3A_8] : memref<10240x128xf32, #tpu.memory_space<hbm>> -> memref<640x128xf32, #tpu.memory_space<hbm>>
    tpu.enqueue_dma source(%dma_start3A_9 : memref<640x128xf32, #tpu.memory_space<hbm>>) target(%dma_start3A_7 : memref<640x128xf32, #tpu.memory_space<vmem_shared>>) target_semaphore(%arg18 : memref<!tpu.dma_semaphore, #tpu.memory_space<semaphore_mem>>)
    %run_scoped3A = arith.constant 0 : i32
    "tpu.region"() ({
      %run_scoped3A_77 = tpu.sem_alloc : memref<!tpu.dma_semaphore, #tpu.memory_space<semaphore_mem>>
      %dma_start3A_78 = arith.constant 0 : i32
      %dma_start3A_79 = arith.constant 0 : i32
      %dma_start3A_80 = tpu.memref_slice %arg7[%run_scoped3A, %dma_start3A_78, %dma_start3A_79] : memref<2x16x128xi32, #tpu.memory_space<vmem>> -> memref<1x16x128xi32, #tpu.memory_space<vmem>>
      %dma_start3A_81 = tpu.memref_squeeze %dma_start3A_80 : memref<1x16x128xi32, #tpu.memory_space<vmem>> -> memref<16x128xi32, #tpu.memory_space<vmem>>
      %dma_start3A_82 = arith.constant 0 : i32
      %dma_start3A_83 = tpu.memref_slice %arg3[%mul3A_2, %dma_start3A_82] : memref<5120x128xi32, #tpu.memory_space<hbm>> -> memref<16x128xi32, #tpu.memory_space<hbm>>
      %dma_start3A_84 = arith.constant 0 : i32
      %dma_start3A_85 = arith.constant 0 : i32
      %dma_start3A_86 = tpu.memref_slice %arg7[%run_scoped3A, %dma_start3A_84, %dma_start3A_85] : memref<2x16x128xi32, #tpu.memory_space<vmem>> -> memref<1x16x128xi32, #tpu.memory_space<vmem>>
      %dma_start3A_87 = tpu.memref_squeeze %dma_start3A_86 : memref<1x16x128xi32, #tpu.memory_space<vmem>> -> memref<16x128xi32, #tpu.memory_space<vmem>>
      %dma_start3A_88 = arith.constant 0 : i32
      %dma_start3A_89 = tpu.memref_slice %arg3[%mul3A_2, %dma_start3A_88] : memref<5120x128xi32, #tpu.memory_space<hbm>> -> memref<16x128xi32, #tpu.memory_space<hbm>>
      tpu.enqueue_dma source(%dma_start3A_89 : memref<16x128xi32, #tpu.memory_space<hbm>>) target(%dma_start3A_87 : memref<16x128xi32, #tpu.memory_space<vmem>>) target_semaphore(%run_scoped3A_77 : memref<!tpu.dma_semaphore, #tpu.memory_space<semaphore_mem>>)
      %dma_wait3A_90 = arith.constant 0 : i32
      %dma_wait3A_91 = arith.constant 0 : i32
      %dma_wait3A_92 = tpu.memref_slice %arg7[%run_scoped3A, %dma_wait3A_90, %dma_wait3A_91] : memref<2x16x128xi32, #tpu.memory_space<vmem>> -> memref<1x16x128xi32, #tpu.memory_space<vmem>>
      %dma_wait3A_93 = tpu.memref_squeeze %dma_wait3A_92 : memref<1x16x128xi32, #tpu.memory_space<vmem>> -> memref<16x128xi32, #tpu.memory_space<vmem>>
      %dma_wait3A_94 = arith.constant 0 : i32
      %dma_wait3A_95 = tpu.memref_slice %arg3[%mul3A_2, %dma_wait3A_94] : memref<5120x128xi32, #tpu.memory_space<hbm>> -> memref<16x128xi32, #tpu.memory_space<hbm>>
      %dma_wait3A_96 = arith.constant 0 : i32
      %dma_wait3A_97 = arith.constant 0 : i32
      %dma_wait3A_98 = tpu.memref_slice %arg7[%run_scoped3A, %dma_wait3A_96, %dma_wait3A_97] : memref<2x16x128xi32, #tpu.memory_space<vmem>> -> memref<1x16x128xi32, #tpu.memory_space<vmem>>
      %dma_wait3A_99 = tpu.memref_squeeze %dma_wait3A_98 : memref<1x16x128xi32, #tpu.memory_space<vmem>> -> memref<16x128xi32, #tpu.memory_space<vmem>>
      %dma_wait3A_100 = arith.constant 0 : i32
      %dma_wait3A_101 = tpu.memref_slice %arg3[%mul3A_2, %dma_wait3A_100] : memref<5120x128xi32, #tpu.memory_space<hbm>> -> memref<16x128xi32, #tpu.memory_space<hbm>>
      tpu.wait_dma2 semaphore(%run_scoped3A_77 : memref<!tpu.dma_semaphore, #tpu.memory_space<semaphore_mem>>) src(%dma_wait3A_101 : memref<16x128xi32, #tpu.memory_space<hbm>>) dst(%dma_wait3A_99 : memref<16x128xi32, #tpu.memory_space<vmem>>)
      tpu.yield
    }) : () -> ()
    %run_scoped3A_10 = arith.constant 0 : i32
    "tpu.region"() ({
      %run_scoped3A_77 = tpu.sem_alloc : memref<!tpu.dma_semaphore, #tpu.memory_space<semaphore_mem>>
      %dma_start3A_78 = arith.constant 0 : i32
      %dma_start3A_79 = arith.constant 0 : i32
      %dma_start3A_80 = tpu.memref_slice %arg8[%run_scoped3A_10, %dma_start3A_78, %dma_start3A_79] : memref<2x16x128xi32, #tpu.memory_space<vmem>> -> memref<1x16x128xi32, #tpu.memory_space<vmem>>
      %dma_start3A_81 = tpu.memref_squeeze %dma_start3A_80 : memref<1x16x128xi32, #tpu.memory_space<vmem>> -> memref<16x128xi32, #tpu.memory_space<vmem>>
      %dma_start3A_82 = arith.constant 0 : i32
      %dma_start3A_83 = tpu.memref_slice %arg4[%mul3A_2, %dma_start3A_82] : memref<5120x128xi32, #tpu.memory_space<hbm>> -> memref<16x128xi32, #tpu.memory_space<hbm>>
      %dma_start3A_84 = arith.constant 0 : i32
      %dma_start3A_85 = arith.constant 0 : i32
      %dma_start3A_86 = tpu.memref_slice %arg8[%run_scoped3A_10, %dma_start3A_84, %dma_start3A_85] : memref<2x16x128xi32, #tpu.memory_space<vmem>> -> memref<1x16x128xi32, #tpu.memory_space<vmem>>
      %dma_start3A_87 = tpu.memref_squeeze %dma_start3A_86 : memref<1x16x128xi32, #tpu.memory_space<vmem>> -> memref<16x128xi32, #tpu.memory_space<vmem>>
      %dma_start3A_88 = arith.constant 0 : i32
      %dma_start3A_89 = tpu.memref_slice %arg4[%mul3A_2, %dma_start3A_88] : memref<5120x128xi32, #tpu.memory_space<hbm>> -> memref<16x128xi32, #tpu.memory_space<hbm>>
      tpu.enqueue_dma source(%dma_start3A_89 : memref<16x128xi32, #tpu.memory_space<hbm>>) target(%dma_start3A_87 : memref<16x128xi32, #tpu.memory_space<vmem>>) target_semaphore(%run_scoped3A_77 : memref<!tpu.dma_semaphore, #tpu.memory_space<semaphore_mem>>)
      %dma_wait3A_90 = arith.constant 0 : i32
      %dma_wait3A_91 = arith.constant 0 : i32
      %dma_wait3A_92 = tpu.memref_slice %arg8[%run_scoped3A_10, %dma_wait3A_90, %dma_wait3A_91] : memref<2x16x128xi32, #tpu.memory_space<vmem>> -> memref<1x16x128xi32, #tpu.memory_space<vmem>>
      %dma_wait3A_93 = tpu.memref_squeeze %dma_wait3A_92 : memref<1x16x128xi32, #tpu.memory_space<vmem>> -> memref<16x128xi32, #tpu.memory_space<vmem>>
      %dma_wait3A_94 = arith.constant 0 : i32
      %dma_wait3A_95 = tpu.memref_slice %arg4[%mul3A_2, %dma_wait3A_94] : memref<5120x128xi32, #tpu.memory_space<hbm>> -> memref<16x128xi32, #tpu.memory_space<hbm>>
      %dma_wait3A_96 = arith.constant 0 : i32
      %dma_wait3A_97 = arith.constant 0 : i32
      %dma_wait3A_98 = tpu.memref_slice %arg8[%run_scoped3A_10, %dma_wait3A_96, %dma_wait3A_97] : memref<2x16x128xi32, #tpu.memory_space<vmem>> -> memref<1x16x128xi32, #tpu.memory_space<vmem>>
      %dma_wait3A_99 = tpu.memref_squeeze %dma_wait3A_98 : memref<1x16x128xi32, #tpu.memory_space<vmem>> -> memref<16x128xi32, #tpu.memory_space<vmem>>
      %dma_wait3A_100 = arith.constant 0 : i32
      %dma_wait3A_101 = tpu.memref_slice %arg4[%mul3A_2, %dma_wait3A_100] : memref<5120x128xi32, #tpu.memory_space<hbm>> -> memref<16x128xi32, #tpu.memory_space<hbm>>
      tpu.wait_dma2 semaphore(%run_scoped3A_77 : memref<!tpu.dma_semaphore, #tpu.memory_space<semaphore_mem>>) src(%dma_wait3A_101 : memref<16x128xi32, #tpu.memory_space<hbm>>) dst(%dma_wait3A_99 : memref<16x128xi32, #tpu.memory_space<vmem>>)
      tpu.yield
    }) : () -> ()
    %add3A_11 = arith.constant 16 : i32
    %add3A_12 = arith.addi %mul3A_2, %add3A_11 : i32
    %dma_start3A_13 = arith.constant 1 : i32
    %dma_start3A_14 = arith.constant 0 : i32
    %dma_start3A_15 = arith.constant 0 : i32
    %dma_start3A_16 = tpu.memref_slice %arg7[%dma_start3A_13, %dma_start3A_14, %dma_start3A_15] : memref<2x16x128xi32, #tpu.memory_space<vmem>> -> memref<1x16x128xi32, #tpu.memory_space<vmem>>
    %dma_start3A_17 = tpu.memref_squeeze %dma_start3A_16 : memref<1x16x128xi32, #tpu.memory_space<vmem>> -> memref<16x128xi32, #tpu.memory_space<vmem>>
    %dma_start3A_18 = arith.constant 0 : i32
    %dma_start3A_19 = tpu.memref_slice %arg3[%add3A_12, %dma_start3A_18] : memref<5120x128xi32, #tpu.memory_space<hbm>> -> memref<16x128xi32, #tpu.memory_space<hbm>>
    %dma_start3A_20 = arith.constant 0 : i32
    %dma_start3A_21 = arith.constant 0 : i32
    %dma_start3A_22 = tpu.memref_slice %arg7[%dma_start3A_13, %dma_start3A_20, %dma_start3A_21] : memref<2x16x128xi32, #tpu.memory_space<vmem>> -> memref<1x16x128xi32, #tpu.memory_space<vmem>>
    %dma_start3A_23 = tpu.memref_squeeze %dma_start3A_22 : memref<1x16x128xi32, #tpu.memory_space<vmem>> -> memref<16x128xi32, #tpu.memory_space<vmem>>
    %dma_start3A_24 = arith.constant 0 : i32
    %dma_start3A_25 = tpu.memref_slice %arg3[%add3A_12, %dma_start3A_24] : memref<5120x128xi32, #tpu.memory_space<hbm>> -> memref<16x128xi32, #tpu.memory_space<hbm>>
    tpu.enqueue_dma source(%dma_start3A_25 : memref<16x128xi32, #tpu.memory_space<hbm>>) target(%dma_start3A_23 : memref<16x128xi32, #tpu.memory_space<vmem>>) target_semaphore(%arg17 : memref<!tpu.dma_semaphore, #tpu.memory_space<semaphore_mem>>)
    %dma_start3A_26 = arith.constant 1 : i32
    %dma_start3A_27 = arith.constant 0 : i32
    %dma_start3A_28 = arith.constant 0 : i32
    %dma_start3A_29 = tpu.memref_slice %arg8[%dma_start3A_26, %dma_start3A_27, %dma_start3A_28] : memref<2x16x128xi32, #tpu.memory_space<vmem>> -> memref<1x16x128xi32, #tpu.memory_space<vmem>>
    %dma_start3A_30 = tpu.memref_squeeze %dma_start3A_29 : memref<1x16x128xi32, #tpu.memory_space<vmem>> -> memref<16x128xi32, #tpu.memory_space<vmem>>
    %dma_start3A_31 = arith.constant 0 : i32
    %dma_start3A_32 = tpu.memref_slice %arg4[%add3A_12, %dma_start3A_31] : memref<5120x128xi32, #tpu.memory_space<hbm>> -> memref<16x128xi32, #tpu.memory_space<hbm>>
    %dma_start3A_33 = arith.constant 0 : i32
    %dma_start3A_34 = arith.constant 0 : i32
    %dma_start3A_35 = tpu.memref_slice %arg8[%dma_start3A_26, %dma_start3A_33, %dma_start3A_34] : memref<2x16x128xi32, #tpu.memory_space<vmem>> -> memref<1x16x128xi32, #tpu.memory_space<vmem>>
    %dma_start3A_36 = tpu.memref_squeeze %dma_start3A_35 : memref<1x16x128xi32, #tpu.memory_space<vmem>> -> memref<16x128xi32, #tpu.memory_space<vmem>>
    %dma_start3A_37 = arith.constant 0 : i32
    %dma_start3A_38 = tpu.memref_slice %arg4[%add3A_12, %dma_start3A_37] : memref<5120x128xi32, #tpu.memory_space<hbm>> -> memref<16x128xi32, #tpu.memory_space<hbm>>
    tpu.enqueue_dma source(%dma_start3A_38 : memref<16x128xi32, #tpu.memory_space<hbm>>) target(%dma_start3A_36 : memref<16x128xi32, #tpu.memory_space<vmem>>) target_semaphore(%arg17 : memref<!tpu.dma_semaphore, #tpu.memory_space<semaphore_mem>>)
    %dma_start3A_39 = arith.constant 0 : i32
    %dma_start3A_40 = arith.constant 0 : i32
    %dma_start3A_41 = arith.constant 0 : i32
    %dma_start3A_42 = arith.constant 0 : i32
    %dma_start3A_43 = arith.constant 0 : i32
    %dma_start3A_44 = tpu.memref_slice %arg9[%dma_start3A_41, %dma_start3A_42, %dma_start3A_43] : memref<2x128x128xf32, #tpu.memory_space<vmem>> -> memref<1x64x128xf32, #tpu.memory_space<vmem>>
    %dma_start3A_45 = tpu.memref_squeeze %dma_start3A_44 : memref<1x64x128xf32, #tpu.memory_space<vmem>> -> memref<64x128xf32, #tpu.memory_space<vmem>>
    %dma_start3A_46 = arith.constant 0 : i32
    %dma_start3A_47 = tpu.memref_slice %arg7[%dma_start3A_39, %dma_start3A_40, %dma_start3A_46] : memref<2x16x128xi32, #tpu.memory_space<vmem>> -> memref<1x1x64xi32, #tpu.memory_space<vmem>>
    %dma_start3A_48 = tpu.memref_squeeze %dma_start3A_47 : memref<1x1x64xi32, #tpu.memory_space<vmem>> -> memref<64xi32, #tpu.memory_space<vmem>>
    %dma_start3A_49 = arith.constant 0 : i32
    %dma_start3A_50 = arith.constant 0 : i32
    %dma_start3A_51 = tpu.memref_slice %arg2[%dma_start3A_49, %dma_start3A_50] : memref<10240x128xf32, #tpu.memory_space<hbm>> -> memref<10240x128xf32, #tpu.memory_space<hbm>>
    tpu.enqueue_indirect_dma source(%dma_start3A_51 : memref<10240x128xf32, #tpu.memory_space<hbm>>) target(%dma_start3A_45 : memref<64x128xf32, #tpu.memory_space<vmem>>) offsets(%dma_start3A_48 : memref<64xi32, #tpu.memory_space<vmem>>) semaphore(%arg11 : memref<!tpu.dma_semaphore, #tpu.memory_space<semaphore_mem>>)
    %dma_start3A_52 = arith.constant 0 : i32
    %dma_start3A_53 = arith.constant 0 : i32
    %dma_start3A_54 = arith.constant 0 : i32
    %dma_start3A_55 = arith.constant 64 : i32
    %dma_start3A_56 = arith.constant 0 : i32
    %dma_start3A_57 = tpu.memref_slice %arg9[%dma_start3A_54, %dma_start3A_55, %dma_start3A_56] : memref<2x128x128xf32, #tpu.memory_space<vmem>> -> memref<1x64x128xf32, #tpu.memory_space<vmem>>
    %dma_start3A_58 = tpu.memref_squeeze %dma_start3A_57 : memref<1x64x128xf32, #tpu.memory_space<vmem>> -> memref<64x128xf32, #tpu.memory_space<vmem>>
    %dma_start3A_59 = arith.constant 64 : i32
    %dma_start3A_60 = tpu.memref_slice %arg7[%dma_start3A_52, %dma_start3A_53, %dma_start3A_59] : memref<2x16x128xi32, #tpu.memory_space<vmem>> -> memref<1x1x64xi32, #tpu.memory_space<vmem>>
    %dma_start3A_61 = tpu.memref_squeeze %dma_start3A_60 : memref<1x1x64xi32, #tpu.memory_space<vmem>> -> memref<64xi32, #tpu.memory_space<vmem>>
    %dma_start3A_62 = arith.constant 0 : i32
    %dma_start3A_63 = arith.constant 0 : i32
    %dma_start3A_64 = tpu.memref_slice %arg2[%dma_start3A_62, %dma_start3A_63] : memref<10240x128xf32, #tpu.memory_space<hbm>> -> memref<10240x128xf32, #tpu.memory_space<hbm>>
    tpu.enqueue_indirect_dma source(%dma_start3A_64 : memref<10240x128xf32, #tpu.memory_space<hbm>>) target(%dma_start3A_58 : memref<64x128xf32, #tpu.memory_space<vmem>>) offsets(%dma_start3A_61 : memref<64xi32, #tpu.memory_space<vmem>>) semaphore(%arg13 : memref<!tpu.dma_semaphore, #tpu.memory_space<semaphore_mem>>)
    %dma_wait3A = arith.constant 0 : i32
    %dma_wait3A_65 = tpu.memref_slice %arg10[%mul3A_6, %dma_wait3A] : memref<10240x128xf32, #tpu.memory_space<vmem_shared>> -> memref<640x128xf32, #tpu.memory_space<vmem_shared>>
    %dma_wait3A_66 = arith.constant 0 : i32
    %dma_wait3A_67 = tpu.memref_slice %arg5[%mul3A_4, %dma_wait3A_66] : memref<10240x128xf32, #tpu.memory_space<hbm>> -> memref<640x128xf32, #tpu.memory_space<hbm>>
    tpu.wait_dma2 semaphore(%arg18 : memref<!tpu.dma_semaphore, #tpu.memory_space<semaphore_mem>>) src(%dma_wait3A_67 : memref<640x128xf32, #tpu.memory_space<hbm>>) dst(%dma_wait3A_65 : memref<640x128xf32, #tpu.memory_space<vmem_shared>>)
    %barrier3A = arith.constant 0 : index
    tpu.barrier barrier_id(%barrier3A)
    %scan3A = arith.constant 0 : i32
    %scan3A_68 = arith.constant 10 : i32
    %scan3A_69 = arith.addi %scan3A, %scan3A_68 : i32
    %scan3A_70 = arith.constant 1 : i32
    scf.for %scan3A_77 = %scan3A to %scan3A_69 step %scan3A_70  : i32 {
      %mul3A_78 = arith.constant 1 : i32
      %mul3A_79 = arith.muli %scan3A_77, %mul3A_78 : i32
      %add3A_80 = arith.constant 0 : i32
      %add3A_81 = arith.addi %add3A_80, %mul3A_79 : i32
      %rem3A = arith.constant 2 : i32
      %rem3A_82 = arith.remsi %add3A_81, %rem3A : i32
      %sub3A = arith.constant 1 : i32
      %sub3A_83 = arith.subi %sub3A, %rem3A_82 : i32
      %scan3A_84 = arith.constant 0 : i32
      %scan3A_85 = arith.constant 8 : i32
      %scan3A_86 = arith.addi %scan3A_84, %scan3A_85 : i32
      %scan3A_87 = arith.constant 1 : i32
      scf.for %scan3A_95 = %scan3A_84 to %scan3A_86 step %scan3A_87  : i32 {
        %mul3A_96 = arith.constant 1 : i32
        %mul3A_97 = arith.muli %scan3A_95, %mul3A_96 : i32
        %add3A_98 = arith.constant 0 : i32
        %add3A_99 = arith.addi %add3A_98, %mul3A_97 : i32
        %mul3A_100 = arith.constant 2 : i32
        %mul3A_101 = arith.muli %mul3A_100, %add3A_99 : i32
        %dma_wait3A_102 = arith.constant 0 : i32
        %dma_wait3A_103 = arith.constant 0 : i32
        %dma_wait3A_104 = arith.constant 0 : i32
        %dma_wait3A_105 = tpu.memref_slice %arg9[%dma_wait3A_102, %dma_wait3A_103, %dma_wait3A_104] : memref<2x128x128xf32, #tpu.memory_space<vmem>> -> memref<1x64x128xf32, #tpu.memory_space<vmem>>
        %dma_wait3A_106 = tpu.memref_squeeze %dma_wait3A_105 : memref<1x64x128xf32, #tpu.memory_space<vmem>> -> memref<64x128xf32, #tpu.memory_space<vmem>>
        %dma_wait3A_107 = arith.constant 0 : i32
        %dma_wait3A_108 = tpu.memref_slice %arg7[%rem3A_82, %mul3A_101, %dma_wait3A_107] : memref<2x16x128xi32, #tpu.memory_space<vmem>> -> memref<1x1x64xi32, #tpu.memory_space<vmem>>
        %dma_wait3A_109 = tpu.memref_squeeze %dma_wait3A_108 : memref<1x1x64xi32, #tpu.memory_space<vmem>> -> memref<64xi32, #tpu.memory_space<vmem>>
        %dma_wait3A_110 = arith.constant 0 : i32
        %dma_wait3A_111 = arith.constant 0 : i32
        %dma_wait3A_112 = tpu.memref_slice %arg2[%dma_wait3A_110, %dma_wait3A_111] : memref<10240x128xf32, #tpu.memory_space<hbm>> -> memref<10240x128xf32, #tpu.memory_space<hbm>>
        tpu.wait_indirect_dma semaphore(%arg11 : memref<!tpu.dma_semaphore, #tpu.memory_space<semaphore_mem>>) src(%dma_wait3A_112 : memref<10240x128xf32, #tpu.memory_space<hbm>>) dst(%dma_wait3A_106 : memref<64x128xf32, #tpu.memory_space<vmem>>)
        %dma_wait3A_113 = arith.constant 0 : i32
        %dma_wait3A_114 = arith.constant 64 : i32
        %dma_wait3A_115 = arith.constant 0 : i32
        %dma_wait3A_116 = tpu.memref_slice %arg9[%dma_wait3A_113, %dma_wait3A_114, %dma_wait3A_115] : memref<2x128x128xf32, #tpu.memory_space<vmem>> -> memref<1x64x128xf32, #tpu.memory_space<vmem>>
        %dma_wait3A_117 = tpu.memref_squeeze %dma_wait3A_116 : memref<1x64x128xf32, #tpu.memory_space<vmem>> -> memref<64x128xf32, #tpu.memory_space<vmem>>
        %dma_wait3A_118 = arith.constant 64 : i32
        %dma_wait3A_119 = tpu.memref_slice %arg7[%rem3A_82, %mul3A_101, %dma_wait3A_118] : memref<2x16x128xi32, #tpu.memory_space<vmem>> -> memref<1x1x64xi32, #tpu.memory_space<vmem>>
        %dma_wait3A_120 = tpu.memref_squeeze %dma_wait3A_119 : memref<1x1x64xi32, #tpu.memory_space<vmem>> -> memref<64xi32, #tpu.memory_space<vmem>>
        %dma_wait3A_121 = arith.constant 0 : i32
        %dma_wait3A_122 = arith.constant 0 : i32
        %dma_wait3A_123 = tpu.memref_slice %arg2[%dma_wait3A_121, %dma_wait3A_122] : memref<10240x128xf32, #tpu.memory_space<hbm>> -> memref<10240x128xf32, #tpu.memory_space<hbm>>
        tpu.wait_indirect_dma semaphore(%arg13 : memref<!tpu.dma_semaphore, #tpu.memory_space<semaphore_mem>>) src(%dma_wait3A_123 : memref<10240x128xf32, #tpu.memory_space<hbm>>) dst(%dma_wait3A_117 : memref<64x128xf32, #tpu.memory_space<vmem>>)
        %dma_start3A_124 = arith.constant 0 : i32
        %dma_start3A_125 = arith.constant 0 : i32
        %dma_start3A_126 = arith.constant 0 : i32
        %dma_start3A_127 = tpu.memref_slice %arg9[%dma_start3A_124, %dma_start3A_125, %dma_start3A_126] : memref<2x128x128xf32, #tpu.memory_space<vmem>> -> memref<1x128x128xf32, #tpu.memory_space<vmem>>
        %dma_start3A_128 = tpu.memref_squeeze %dma_start3A_127 : memref<1x128x128xf32, #tpu.memory_space<vmem>> -> memref<128x128xf32, #tpu.memory_space<vmem>>
        %dma_start3A_129 = arith.constant 0 : i32
        %dma_start3A_130 = tpu.memref_slice %arg8[%rem3A_82, %mul3A_101, %dma_start3A_129] : memref<2x16x128xi32, #tpu.memory_space<vmem>> -> memref<1x1x128xi32, #tpu.memory_space<vmem>>
        %dma_start3A_131 = tpu.memref_squeeze %dma_start3A_130 : memref<1x1x128xi32, #tpu.memory_space<vmem>> -> memref<128xi32, #tpu.memory_space<vmem>>
        %dma_start3A_132 = arith.constant 0 : i32
        %dma_start3A_133 = arith.constant 0 : i32
        %dma_start3A_134 = tpu.memref_slice %arg10[%dma_start3A_132, %dma_start3A_133] : memref<10240x128xf32, #tpu.memory_space<vmem_shared>> -> memref<10240x128xf32, #tpu.memory_space<vmem_shared>>
        tpu.enqueue_indirect_dma source(%dma_start3A_128 : memref<128x128xf32, #tpu.memory_space<vmem>>) target(%dma_start3A_134 : memref<10240x128xf32, #tpu.memory_space<vmem_shared>>) offsets(%dma_start3A_131 : memref<128xi32, #tpu.memory_space<vmem>>) semaphore(%arg15 : memref<!tpu.dma_semaphore, #tpu.memory_space<semaphore_mem>>) {add = true}
        %gt3A = arith.constant 0 : i32
        %gt3A_135 = arith.cmpi sgt, %add3A_99, %gt3A : i32
        %convert_element_type3A_136 = arith.extui %gt3A_135 : i1 to i32
        %cond3A_137 = arith.constant 0 : i32
        %cond3A_138 = arith.cmpi ne, %convert_element_type3A_136, %cond3A_137 : i32
        scf.if %cond3A_138 {
          %sub3A_214 = arith.constant 1 : i32
          %sub3A_215 = arith.subi %mul3A_101, %sub3A_214 : i32
          %dma_wait3A_216 = arith.constant 1 : i32
          %dma_wait3A_217 = arith.constant 0 : i32
          %dma_wait3A_218 = arith.constant 0 : i32
          %dma_wait3A_219 = tpu.memref_slice %arg9[%dma_wait3A_216, %dma_wait3A_217, %dma_wait3A_218] : memref<2x128x128xf32, #tpu.memory_space<vmem>> -> memref<1x128x128xf32, #tpu.memory_space<vmem>>
          %dma_wait3A_220 = tpu.memref_squeeze %dma_wait3A_219 : memref<1x128x128xf32, #tpu.memory_space<vmem>> -> memref<128x128xf32, #tpu.memory_space<vmem>>
          %dma_wait3A_221 = arith.constant 0 : i32
          %dma_wait3A_222 = tpu.memref_slice %arg8[%rem3A_82, %sub3A_215, %dma_wait3A_221] : memref<2x16x128xi32, #tpu.memory_space<vmem>> -> memref<1x1x128xi32, #tpu.memory_space<vmem>>
          %dma_wait3A_223 = tpu.memref_squeeze %dma_wait3A_222 : memref<1x1x128xi32, #tpu.memory_space<vmem>> -> memref<128xi32, #tpu.memory_space<vmem>>
          %dma_wait3A_224 = arith.constant 0 : i32
          %dma_wait3A_225 = arith.constant 0 : i32
          %dma_wait3A_226 = tpu.memref_slice %arg10[%dma_wait3A_224, %dma_wait3A_225] : memref<10240x128xf32, #tpu.memory_space<vmem_shared>> -> memref<10240x128xf32, #tpu.memory_space<vmem_shared>>
          tpu.wait_indirect_dma semaphore(%arg16 : memref<!tpu.dma_semaphore, #tpu.memory_space<semaphore_mem>>) src(%dma_wait3A_220 : memref<128x128xf32, #tpu.memory_space<vmem>>) dst(%dma_wait3A_226 : memref<10240x128xf32, #tpu.memory_space<vmem_shared>>)
        } else {
        }
        %add3A_139 = arith.constant 1 : i32
        %add3A_140 = arith.addi %mul3A_101, %add3A_139 : i32
        %dma_start3A_141 = arith.constant 1 : i32
        %dma_start3A_142 = arith.constant 0 : i32
        %dma_start3A_143 = arith.constant 0 : i32
        %dma_start3A_144 = tpu.memref_slice %arg9[%dma_start3A_141, %dma_start3A_142, %dma_start3A_143] : memref<2x128x128xf32, #tpu.memory_space<vmem>> -> memref<1x64x128xf32, #tpu.memory_space<vmem>>
        %dma_start3A_145 = tpu.memref_squeeze %dma_start3A_144 : memref<1x64x128xf32, #tpu.memory_space<vmem>> -> memref<64x128xf32, #tpu.memory_space<vmem>>
        %dma_start3A_146 = arith.constant 0 : i32
        %dma_start3A_147 = tpu.memref_slice %arg7[%rem3A_82, %add3A_140, %dma_start3A_146] : memref<2x16x128xi32, #tpu.memory_space<vmem>> -> memref<1x1x64xi32, #tpu.memory_space<vmem>>
        %dma_start3A_148 = tpu.memref_squeeze %dma_start3A_147 : memref<1x1x64xi32, #tpu.memory_space<vmem>> -> memref<64xi32, #tpu.memory_space<vmem>>
        %dma_start3A_149 = arith.constant 0 : i32
        %dma_start3A_150 = arith.constant 0 : i32
        %dma_start3A_151 = tpu.memref_slice %arg2[%dma_start3A_149, %dma_start3A_150] : memref<10240x128xf32, #tpu.memory_space<hbm>> -> memref<10240x128xf32, #tpu.memory_space<hbm>>
        tpu.enqueue_indirect_dma source(%dma_start3A_151 : memref<10240x128xf32, #tpu.memory_space<hbm>>) target(%dma_start3A_145 : memref<64x128xf32, #tpu.memory_space<vmem>>) offsets(%dma_start3A_148 : memref<64xi32, #tpu.memory_space<vmem>>) semaphore(%arg12 : memref<!tpu.dma_semaphore, #tpu.memory_space<semaphore_mem>>)
        %dma_start3A_152 = arith.constant 1 : i32
        %dma_start3A_153 = arith.constant 64 : i32
        %dma_start3A_154 = arith.constant 0 : i32
        %dma_start3A_155 = tpu.memref_slice %arg9[%dma_start3A_152, %dma_start3A_153, %dma_start3A_154] : memref<2x128x128xf32, #tpu.memory_space<vmem>> -> memref<1x64x128xf32, #tpu.memory_space<vmem>>
        %dma_start3A_156 = tpu.memref_squeeze %dma_start3A_155 : memref<1x64x128xf32, #tpu.memory_space<vmem>> -> memref<64x128xf32, #tpu.memory_space<vmem>>
        %dma_start3A_157 = arith.constant 64 : i32
        %dma_start3A_158 = tpu.memref_slice %arg7[%rem3A_82, %add3A_140, %dma_start3A_157] : memref<2x16x128xi32, #tpu.memory_space<vmem>> -> memref<1x1x64xi32, #tpu.memory_space<vmem>>
        %dma_start3A_159 = tpu.memref_squeeze %dma_start3A_158 : memref<1x1x64xi32, #tpu.memory_space<vmem>> -> memref<64xi32, #tpu.memory_space<vmem>>
        %dma_start3A_160 = arith.constant 0 : i32
        %dma_start3A_161 = arith.constant 0 : i32
        %dma_start3A_162 = tpu.memref_slice %arg2[%dma_start3A_160, %dma_start3A_161] : memref<10240x128xf32, #tpu.memory_space<hbm>> -> memref<10240x128xf32, #tpu.memory_space<hbm>>
        tpu.enqueue_indirect_dma source(%dma_start3A_162 : memref<10240x128xf32, #tpu.memory_space<hbm>>) target(%dma_start3A_156 : memref<64x128xf32, #tpu.memory_space<vmem>>) offsets(%dma_start3A_159 : memref<64xi32, #tpu.memory_space<vmem>>) semaphore(%arg14 : memref<!tpu.dma_semaphore, #tpu.memory_space<semaphore_mem>>)
        %add3A_163 = arith.constant 1 : i32
        %add3A_164 = arith.addi %mul3A_101, %add3A_163 : i32
        %dma_wait3A_165 = arith.constant 1 : i32
        %dma_wait3A_166 = arith.constant 0 : i32
        %dma_wait3A_167 = arith.constant 0 : i32
        %dma_wait3A_168 = tpu.memref_slice %arg9[%dma_wait3A_165, %dma_wait3A_166, %dma_wait3A_167] : memref<2x128x128xf32, #tpu.memory_space<vmem>> -> memref<1x64x128xf32, #tpu.memory_space<vmem>>
        %dma_wait3A_169 = tpu.memref_squeeze %dma_wait3A_168 : memref<1x64x128xf32, #tpu.memory_space<vmem>> -> memref<64x128xf32, #tpu.memory_space<vmem>>
        %dma_wait3A_170 = arith.constant 0 : i32
        %dma_wait3A_171 = tpu.memref_slice %arg7[%rem3A_82, %add3A_164, %dma_wait3A_170] : memref<2x16x128xi32, #tpu.memory_space<vmem>> -> memref<1x1x64xi32, #tpu.memory_space<vmem>>
        %dma_wait3A_172 = tpu.memref_squeeze %dma_wait3A_171 : memref<1x1x64xi32, #tpu.memory_space<vmem>> -> memref<64xi32, #tpu.memory_space<vmem>>
        %dma_wait3A_173 = arith.constant 0 : i32
        %dma_wait3A_174 = arith.constant 0 : i32
        %dma_wait3A_175 = tpu.memref_slice %arg2[%dma_wait3A_173, %dma_wait3A_174] : memref<10240x128xf32, #tpu.memory_space<hbm>> -> memref<10240x128xf32, #tpu.memory_space<hbm>>
        tpu.wait_indirect_dma semaphore(%arg12 : memref<!tpu.dma_semaphore, #tpu.memory_space<semaphore_mem>>) src(%dma_wait3A_175 : memref<10240x128xf32, #tpu.memory_space<hbm>>) dst(%dma_wait3A_169 : memref<64x128xf32, #tpu.memory_space<vmem>>)
        %dma_wait3A_176 = arith.constant 1 : i32
        %dma_wait3A_177 = arith.constant 64 : i32
        %dma_wait3A_178 = arith.constant 0 : i32
        %dma_wait3A_179 = tpu.memref_slice %arg9[%dma_wait3A_176, %dma_wait3A_177, %dma_wait3A_178] : memref<2x128x128xf32, #tpu.memory_space<vmem>> -> memref<1x64x128xf32, #tpu.memory_space<vmem>>
        %dma_wait3A_180 = tpu.memref_squeeze %dma_wait3A_179 : memref<1x64x128xf32, #tpu.memory_space<vmem>> -> memref<64x128xf32, #tpu.memory_space<vmem>>
        %dma_wait3A_181 = arith.constant 64 : i32
        %dma_wait3A_182 = tpu.memref_slice %arg7[%rem3A_82, %add3A_164, %dma_wait3A_181] : memref<2x16x128xi32, #tpu.memory_space<vmem>> -> memref<1x1x64xi32, #tpu.memory_space<vmem>>
        %dma_wait3A_183 = tpu.memref_squeeze %dma_wait3A_182 : memref<1x1x64xi32, #tpu.memory_space<vmem>> -> memref<64xi32, #tpu.memory_space<vmem>>
        %dma_wait3A_184 = arith.constant 0 : i32
        %dma_wait3A_185 = arith.constant 0 : i32
        %dma_wait3A_186 = tpu.memref_slice %arg2[%dma_wait3A_184, %dma_wait3A_185] : memref<10240x128xf32, #tpu.memory_space<hbm>> -> memref<10240x128xf32, #tpu.memory_space<hbm>>
        tpu.wait_indirect_dma semaphore(%arg14 : memref<!tpu.dma_semaphore, #tpu.memory_space<semaphore_mem>>) src(%dma_wait3A_186 : memref<10240x128xf32, #tpu.memory_space<hbm>>) dst(%dma_wait3A_180 : memref<64x128xf32, #tpu.memory_space<vmem>>)
        %dma_start3A_187 = arith.constant 1 : i32
        %dma_start3A_188 = arith.constant 0 : i32
        %dma_start3A_189 = arith.constant 0 : i32
        %dma_start3A_190 = tpu.memref_slice %arg9[%dma_start3A_187, %dma_start3A_188, %dma_start3A_189] : memref<2x128x128xf32, #tpu.memory_space<vmem>> -> memref<1x128x128xf32, #tpu.memory_space<vmem>>
        %dma_start3A_191 = tpu.memref_squeeze %dma_start3A_190 : memref<1x128x128xf32, #tpu.memory_space<vmem>> -> memref<128x128xf32, #tpu.memory_space<vmem>>
        %dma_start3A_192 = arith.constant 0 : i32
        %dma_start3A_193 = tpu.memref_slice %arg8[%rem3A_82, %add3A_164, %dma_start3A_192] : memref<2x16x128xi32, #tpu.memory_space<vmem>> -> memref<1x1x128xi32, #tpu.memory_space<vmem>>
        %dma_start3A_194 = tpu.memref_squeeze %dma_start3A_193 : memref<1x1x128xi32, #tpu.memory_space<vmem>> -> memref<128xi32, #tpu.memory_space<vmem>>
        %dma_start3A_195 = arith.constant 0 : i32
        %dma_start3A_196 = arith.constant 0 : i32
        %dma_start3A_197 = tpu.memref_slice %arg10[%dma_start3A_195, %dma_start3A_196] : memref<10240x128xf32, #tpu.memory_space<vmem_shared>> -> memref<10240x128xf32, #tpu.memory_space<vmem_shared>>
        tpu.enqueue_indirect_dma source(%dma_start3A_191 : memref<128x128xf32, #tpu.memory_space<vmem>>) target(%dma_start3A_197 : memref<10240x128xf32, #tpu.memory_space<vmem_shared>>) offsets(%dma_start3A_194 : memref<128xi32, #tpu.memory_space<vmem>>) semaphore(%arg16 : memref<!tpu.dma_semaphore, #tpu.memory_space<semaphore_mem>>) {add = true}
        %dma_wait3A_198 = arith.constant 0 : i32
        %dma_wait3A_199 = arith.constant 0 : i32
        %dma_wait3A_200 = arith.constant 0 : i32
        %dma_wait3A_201 = tpu.memref_slice %arg9[%dma_wait3A_198, %dma_wait3A_199, %dma_wait3A_200] : memref<2x128x128xf32, #tpu.memory_space<vmem>> -> memref<1x128x128xf32, #tpu.memory_space<vmem>>
        %dma_wait3A_202 = tpu.memref_squeeze %dma_wait3A_201 : memref<1x128x128xf32, #tpu.memory_space<vmem>> -> memref<128x128xf32, #tpu.memory_space<vmem>>
        %dma_wait3A_203 = arith.constant 0 : i32
        %dma_wait3A_204 = tpu.memref_slice %arg8[%rem3A_82, %mul3A_101, %dma_wait3A_203] : memref<2x16x128xi32, #tpu.memory_space<vmem>> -> memref<1x1x128xi32, #tpu.memory_space<vmem>>
        %dma_wait3A_205 = tpu.memref_squeeze %dma_wait3A_204 : memref<1x1x128xi32, #tpu.memory_space<vmem>> -> memref<128xi32, #tpu.memory_space<vmem>>
        %dma_wait3A_206 = arith.constant 0 : i32
        %dma_wait3A_207 = arith.constant 0 : i32
        %dma_wait3A_208 = tpu.memref_slice %arg10[%dma_wait3A_206, %dma_wait3A_207] : memref<10240x128xf32, #tpu.memory_space<vmem_shared>> -> memref<10240x128xf32, #tpu.memory_space<vmem_shared>>
        tpu.wait_indirect_dma semaphore(%arg15 : memref<!tpu.dma_semaphore, #tpu.memory_space<semaphore_mem>>) src(%dma_wait3A_202 : memref<128x128xf32, #tpu.memory_space<vmem>>) dst(%dma_wait3A_208 : memref<10240x128xf32, #tpu.memory_space<vmem_shared>>)
        %lt3A_209 = arith.constant 7 : i32
        %lt3A_210 = arith.cmpi slt, %add3A_99, %lt3A_209 : i32
        %convert_element_type3A_211 = arith.extui %lt3A_210 : i1 to i32
        %cond3A_212 = arith.constant 0 : i32
        %cond3A_213 = arith.cmpi ne, %convert_element_type3A_211, %cond3A_212 : i32
        scf.if %cond3A_213 {
          %add3A_214 = arith.constant 2 : i32
          %add3A_215 = arith.addi %mul3A_101, %add3A_214 : i32
          %dma_start3A_216 = arith.constant 0 : i32
          %dma_start3A_217 = arith.constant 0 : i32
          %dma_start3A_218 = arith.constant 0 : i32
          %dma_start3A_219 = tpu.memref_slice %arg9[%dma_start3A_216, %dma_start3A_217, %dma_start3A_218] : memref<2x128x128xf32, #tpu.memory_space<vmem>> -> memref<1x64x128xf32, #tpu.memory_space<vmem>>
          %dma_start3A_220 = tpu.memref_squeeze %dma_start3A_219 : memref<1x64x128xf32, #tpu.memory_space<vmem>> -> memref<64x128xf32, #tpu.memory_space<vmem>>
          %dma_start3A_221 = arith.constant 0 : i32
          %dma_start3A_222 = tpu.memref_slice %arg7[%rem3A_82, %add3A_215, %dma_start3A_221] : memref<2x16x128xi32, #tpu.memory_space<vmem>> -> memref<1x1x64xi32, #tpu.memory_space<vmem>>
          %dma_start3A_223 = tpu.memref_squeeze %dma_start3A_222 : memref<1x1x64xi32, #tpu.memory_space<vmem>> -> memref<64xi32, #tpu.memory_space<vmem>>
          %dma_start3A_224 = arith.constant 0 : i32
          %dma_start3A_225 = arith.constant 0 : i32
          %dma_start3A_226 = tpu.memref_slice %arg2[%dma_start3A_224, %dma_start3A_225] : memref<10240x128xf32, #tpu.memory_space<hbm>> -> memref<10240x128xf32, #tpu.memory_space<hbm>>
          tpu.enqueue_indirect_dma source(%dma_start3A_226 : memref<10240x128xf32, #tpu.memory_space<hbm>>) target(%dma_start3A_220 : memref<64x128xf32, #tpu.memory_space<vmem>>) offsets(%dma_start3A_223 : memref<64xi32, #tpu.memory_space<vmem>>) semaphore(%arg11 : memref<!tpu.dma_semaphore, #tpu.memory_space<semaphore_mem>>)
          %dma_start3A_227 = arith.constant 0 : i32
          %dma_start3A_228 = arith.constant 64 : i32
          %dma_start3A_229 = arith.constant 0 : i32
          %dma_start3A_230 = tpu.memref_slice %arg9[%dma_start3A_227, %dma_start3A_228, %dma_start3A_229] : memref<2x128x128xf32, #tpu.memory_space<vmem>> -> memref<1x64x128xf32, #tpu.memory_space<vmem>>
          %dma_start3A_231 = tpu.memref_squeeze %dma_start3A_230 : memref<1x64x128xf32, #tpu.memory_space<vmem>> -> memref<64x128xf32, #tpu.memory_space<vmem>>
          %dma_start3A_232 = arith.constant 64 : i32
          %dma_start3A_233 = tpu.memref_slice %arg7[%rem3A_82, %add3A_215, %dma_start3A_232] : memref<2x16x128xi32, #tpu.memory_space<vmem>> -> memref<1x1x64xi32, #tpu.memory_space<vmem>>
          %dma_start3A_234 = tpu.memref_squeeze %dma_start3A_233 : memref<1x1x64xi32, #tpu.memory_space<vmem>> -> memref<64xi32, #tpu.memory_space<vmem>>
          %dma_start3A_235 = arith.constant 0 : i32
          %dma_start3A_236 = arith.constant 0 : i32
          %dma_start3A_237 = tpu.memref_slice %arg2[%dma_start3A_235, %dma_start3A_236] : memref<10240x128xf32, #tpu.memory_space<hbm>> -> memref<10240x128xf32, #tpu.memory_space<hbm>>
          tpu.enqueue_indirect_dma source(%dma_start3A_237 : memref<10240x128xf32, #tpu.memory_space<hbm>>) target(%dma_start3A_231 : memref<64x128xf32, #tpu.memory_space<vmem>>) offsets(%dma_start3A_234 : memref<64xi32, #tpu.memory_space<vmem>>) semaphore(%arg13 : memref<!tpu.dma_semaphore, #tpu.memory_space<semaphore_mem>>)
        } else {
        }
      }
      %scan3A_88 = arith.constant 8 : i32
      %lt3A = arith.constant 9 : i32
      %lt3A_89 = arith.cmpi slt, %add3A_81, %lt3A : i32
      %convert_element_type3A = arith.extui %lt3A_89 : i1 to i32
      %cond3A = arith.constant 0 : i32
      %cond3A_90 = arith.cmpi ne, %convert_element_type3A, %cond3A : i32
      scf.if %cond3A_90 {
        %dma_wait3A_95 = arith.constant 0 : i32
        %dma_wait3A_96 = arith.constant 0 : i32
        %dma_wait3A_97 = tpu.memref_slice %arg7[%sub3A_83, %dma_wait3A_95, %dma_wait3A_96] : memref<2x16x128xi32, #tpu.memory_space<vmem>> -> memref<1x16x128xi32, #tpu.memory_space<vmem>>
        %dma_wait3A_98 = tpu.memref_squeeze %dma_wait3A_97 : memref<1x16x128xi32, #tpu.memory_space<vmem>> -> memref<16x128xi32, #tpu.memory_space<vmem>>
        %dma_wait3A_99 = arith.constant 0 : i32
        %dma_wait3A_100 = tpu.memref_slice %arg3[%mul3A_2, %dma_wait3A_99] : memref<5120x128xi32, #tpu.memory_space<hbm>> -> memref<16x128xi32, #tpu.memory_space<hbm>>
        %dma_wait3A_101 = arith.constant 0 : i32
        %dma_wait3A_102 = arith.constant 0 : i32
        %dma_wait3A_103 = tpu.memref_slice %arg7[%sub3A_83, %dma_wait3A_101, %dma_wait3A_102] : memref<2x16x128xi32, #tpu.memory_space<vmem>> -> memref<1x16x128xi32, #tpu.memory_space<vmem>>
        %dma_wait3A_104 = tpu.memref_squeeze %dma_wait3A_103 : memref<1x16x128xi32, #tpu.memory_space<vmem>> -> memref<16x128xi32, #tpu.memory_space<vmem>>
        %dma_wait3A_105 = arith.constant 0 : i32
        %dma_wait3A_106 = tpu.memref_slice %arg3[%mul3A_2, %dma_wait3A_105] : memref<5120x128xi32, #tpu.memory_space<hbm>> -> memref<16x128xi32, #tpu.memory_space<hbm>>
        tpu.wait_dma2 semaphore(%arg17 : memref<!tpu.dma_semaphore, #tpu.memory_space<semaphore_mem>>) src(%dma_wait3A_106 : memref<16x128xi32, #tpu.memory_space<hbm>>) dst(%dma_wait3A_104 : memref<16x128xi32, #tpu.memory_space<vmem>>)
        %dma_wait3A_107 = arith.constant 0 : i32
        %dma_wait3A_108 = arith.constant 0 : i32
        %dma_wait3A_109 = tpu.memref_slice %arg8[%sub3A_83, %dma_wait3A_107, %dma_wait3A_108] : memref<2x16x128xi32, #tpu.memory_space<vmem>> -> memref<1x16x128xi32, #tpu.memory_space<vmem>>
        %dma_wait3A_110 = tpu.memref_squeeze %dma_wait3A_109 : memref<1x16x128xi32, #tpu.memory_space<vmem>> -> memref<16x128xi32, #tpu.memory_space<vmem>>
        %dma_wait3A_111 = arith.constant 0 : i32
        %dma_wait3A_112 = tpu.memref_slice %arg4[%mul3A_2, %dma_wait3A_111] : memref<5120x128xi32, #tpu.memory_space<hbm>> -> memref<16x128xi32, #tpu.memory_space<hbm>>
        %dma_wait3A_113 = arith.constant 0 : i32
        %dma_wait3A_114 = arith.constant 0 : i32
        %dma_wait3A_115 = tpu.memref_slice %arg8[%sub3A_83, %dma_wait3A_113, %dma_wait3A_114] : memref<2x16x128xi32, #tpu.memory_space<vmem>> -> memref<1x16x128xi32, #tpu.memory_space<vmem>>
        %dma_wait3A_116 = tpu.memref_squeeze %dma_wait3A_115 : memref<1x16x128xi32, #tpu.memory_space<vmem>> -> memref<16x128xi32, #tpu.memory_space<vmem>>
        %dma_wait3A_117 = arith.constant 0 : i32
        %dma_wait3A_118 = tpu.memref_slice %arg4[%mul3A_2, %dma_wait3A_117] : memref<5120x128xi32, #tpu.memory_space<hbm>> -> memref<16x128xi32, #tpu.memory_space<hbm>>
        tpu.wait_dma2 semaphore(%arg17 : memref<!tpu.dma_semaphore, #tpu.memory_space<semaphore_mem>>) src(%dma_wait3A_118 : memref<16x128xi32, #tpu.memory_space<hbm>>) dst(%dma_wait3A_116 : memref<16x128xi32, #tpu.memory_space<vmem>>)
        %dma_start3A_119 = arith.constant 0 : i32
        %dma_start3A_120 = arith.constant 0 : i32
        %dma_start3A_121 = arith.constant 0 : i32
        %dma_start3A_122 = arith.constant 0 : i32
        %dma_start3A_123 = tpu.memref_slice %arg9[%dma_start3A_120, %dma_start3A_121, %dma_start3A_122] : memref<2x128x128xf32, #tpu.memory_space<vmem>> -> memref<1x64x128xf32, #tpu.memory_space<vmem>>
        %dma_start3A_124 = tpu.memref_squeeze %dma_start3A_123 : memref<1x64x128xf32, #tpu.memory_space<vmem>> -> memref<64x128xf32, #tpu.memory_space<vmem>>
        %dma_start3A_125 = arith.constant 0 : i32
        %dma_start3A_126 = tpu.memref_slice %arg7[%sub3A_83, %dma_start3A_119, %dma_start3A_125] : memref<2x16x128xi32, #tpu.memory_space<vmem>> -> memref<1x1x64xi32, #tpu.memory_space<vmem>>
        %dma_start3A_127 = tpu.memref_squeeze %dma_start3A_126 : memref<1x1x64xi32, #tpu.memory_space<vmem>> -> memref<64xi32, #tpu.memory_space<vmem>>
        %dma_start3A_128 = arith.constant 0 : i32
        %dma_start3A_129 = arith.constant 0 : i32
        %dma_start3A_130 = tpu.memref_slice %arg2[%dma_start3A_128, %dma_start3A_129] : memref<10240x128xf32, #tpu.memory_space<hbm>> -> memref<10240x128xf32, #tpu.memory_space<hbm>>
        tpu.enqueue_indirect_dma source(%dma_start3A_130 : memref<10240x128xf32, #tpu.memory_space<hbm>>) target(%dma_start3A_124 : memref<64x128xf32, #tpu.memory_space<vmem>>) offsets(%dma_start3A_127 : memref<64xi32, #tpu.memory_space<vmem>>) semaphore(%arg11 : memref<!tpu.dma_semaphore, #tpu.memory_space<semaphore_mem>>)
        %dma_start3A_131 = arith.constant 0 : i32
        %dma_start3A_132 = arith.constant 0 : i32
        %dma_start3A_133 = arith.constant 64 : i32
        %dma_start3A_134 = arith.constant 0 : i32
        %dma_start3A_135 = tpu.memref_slice %arg9[%dma_start3A_132, %dma_start3A_133, %dma_start3A_134] : memref<2x128x128xf32, #tpu.memory_space<vmem>> -> memref<1x64x128xf32, #tpu.memory_space<vmem>>
        %dma_start3A_136 = tpu.memref_squeeze %dma_start3A_135 : memref<1x64x128xf32, #tpu.memory_space<vmem>> -> memref<64x128xf32, #tpu.memory_space<vmem>>
        %dma_start3A_137 = arith.constant 64 : i32
        %dma_start3A_138 = tpu.memref_slice %arg7[%sub3A_83, %dma_start3A_131, %dma_start3A_137] : memref<2x16x128xi32, #tpu.memory_space<vmem>> -> memref<1x1x64xi32, #tpu.memory_space<vmem>>
        %dma_start3A_139 = tpu.memref_squeeze %dma_start3A_138 : memref<1x1x64xi32, #tpu.memory_space<vmem>> -> memref<64xi32, #tpu.memory_space<vmem>>
        %dma_start3A_140 = arith.constant 0 : i32
        %dma_start3A_141 = arith.constant 0 : i32
        %dma_start3A_142 = tpu.memref_slice %arg2[%dma_start3A_140, %dma_start3A_141] : memref<10240x128xf32, #tpu.memory_space<hbm>> -> memref<10240x128xf32, #tpu.memory_space<hbm>>
        tpu.enqueue_indirect_dma source(%dma_start3A_142 : memref<10240x128xf32, #tpu.memory_space<hbm>>) target(%dma_start3A_136 : memref<64x128xf32, #tpu.memory_space<vmem>>) offsets(%dma_start3A_139 : memref<64xi32, #tpu.memory_space<vmem>>) semaphore(%arg13 : memref<!tpu.dma_semaphore, #tpu.memory_space<semaphore_mem>>)
        %dma_wait3A_143 = arith.constant 1 : i32
        %dma_wait3A_144 = arith.constant 15 : i32
        %dma_wait3A_145 = arith.constant 0 : i32
        %dma_wait3A_146 = arith.constant 0 : i32
        %dma_wait3A_147 = tpu.memref_slice %arg9[%dma_wait3A_143, %dma_wait3A_145, %dma_wait3A_146] : memref<2x128x128xf32, #tpu.memory_space<vmem>> -> memref<1x128x128xf32, #tpu.memory_space<vmem>>
        %dma_wait3A_148 = tpu.memref_squeeze %dma_wait3A_147 : memref<1x128x128xf32, #tpu.memory_space<vmem>> -> memref<128x128xf32, #tpu.memory_space<vmem>>
        %dma_wait3A_149 = arith.constant 0 : i32
        %dma_wait3A_150 = tpu.memref_slice %arg8[%rem3A_82, %dma_wait3A_144, %dma_wait3A_149] : memref<2x16x128xi32, #tpu.memory_space<vmem>> -> memref<1x1x128xi32, #tpu.memory_space<vmem>>
        %dma_wait3A_151 = tpu.memref_squeeze %dma_wait3A_150 : memref<1x1x128xi32, #tpu.memory_space<vmem>> -> memref<128xi32, #tpu.memory_space<vmem>>
        %dma_wait3A_152 = arith.constant 0 : i32
        %dma_wait3A_153 = arith.constant 0 : i32
        %dma_wait3A_154 = tpu.memref_slice %arg10[%dma_wait3A_152, %dma_wait3A_153] : memref<10240x128xf32, #tpu.memory_space<vmem_shared>> -> memref<10240x128xf32, #tpu.memory_space<vmem_shared>>
        tpu.wait_indirect_dma semaphore(%arg16 : memref<!tpu.dma_semaphore, #tpu.memory_space<semaphore_mem>>) src(%dma_wait3A_148 : memref<128x128xf32, #tpu.memory_space<vmem>>) dst(%dma_wait3A_154 : memref<10240x128xf32, #tpu.memory_space<vmem_shared>>)
        %lt3A_155 = arith.constant 8 : i32
        %lt3A_156 = arith.cmpi slt, %add3A_81, %lt3A_155 : i32
        %convert_element_type3A_157 = arith.extui %lt3A_156 : i1 to i32
        %cond3A_158 = arith.constant 0 : i32
        %cond3A_159 = arith.cmpi ne, %convert_element_type3A_157, %cond3A_158 : i32
        scf.if %cond3A_159 {
          %add3A_160 = arith.constant 2 : i32
          %add3A_161 = arith.addi %add3A_81, %add3A_160 : i32
          %mul3A_162 = arith.constant 16 : i32
          %mul3A_163 = arith.muli %add3A_161, %mul3A_162 : i32
          %add3A_164 = arith.addi %mul3A_2, %mul3A_163 : i32
          %dma_start3A_165 = arith.constant 0 : i32
          %dma_start3A_166 = arith.constant 0 : i32
          %dma_start3A_167 = tpu.memref_slice %arg7[%rem3A_82, %dma_start3A_165, %dma_start3A_166] : memref<2x16x128xi32, #tpu.memory_space<vmem>> -> memref<1x16x128xi32, #tpu.memory_space<vmem>>
          %dma_start3A_168 = tpu.memref_squeeze %dma_start3A_167 : memref<1x16x128xi32, #tpu.memory_space<vmem>> -> memref<16x128xi32, #tpu.memory_space<vmem>>
          %dma_start3A_169 = arith.constant 0 : i32
          %dma_start3A_170 = tpu.memref_slice %arg3[%add3A_164, %dma_start3A_169] : memref<5120x128xi32, #tpu.memory_space<hbm>> -> memref<16x128xi32, #tpu.memory_space<hbm>>
          %dma_start3A_171 = arith.constant 0 : i32
          %dma_start3A_172 = arith.constant 0 : i32
          %dma_start3A_173 = tpu.memref_slice %arg7[%rem3A_82, %dma_start3A_171, %dma_start3A_172] : memref<2x16x128xi32, #tpu.memory_space<vmem>> -> memref<1x16x128xi32, #tpu.memory_space<vmem>>
          %dma_start3A_174 = tpu.memref_squeeze %dma_start3A_173 : memref<1x16x128xi32, #tpu.memory_space<vmem>> -> memref<16x128xi32, #tpu.memory_space<vmem>>
          %dma_start3A_175 = arith.constant 0 : i32
          %dma_start3A_176 = tpu.memref_slice %arg3[%add3A_164, %dma_start3A_175] : memref<5120x128xi32, #tpu.memory_space<hbm>> -> memref<16x128xi32, #tpu.memory_space<hbm>>
          tpu.enqueue_dma source(%dma_start3A_176 : memref<16x128xi32, #tpu.memory_space<hbm>>) target(%dma_start3A_174 : memref<16x128xi32, #tpu.memory_space<vmem>>) target_semaphore(%arg17 : memref<!tpu.dma_semaphore, #tpu.memory_space<semaphore_mem>>)
          %dma_start3A_177 = arith.constant 0 : i32
          %dma_start3A_178 = arith.constant 0 : i32
          %dma_start3A_179 = tpu.memref_slice %arg8[%rem3A_82, %dma_start3A_177, %dma_start3A_178] : memref<2x16x128xi32, #tpu.memory_space<vmem>> -> memref<1x16x128xi32, #tpu.memory_space<vmem>>
          %dma_start3A_180 = tpu.memref_squeeze %dma_start3A_179 : memref<1x16x128xi32, #tpu.memory_space<vmem>> -> memref<16x128xi32, #tpu.memory_space<vmem>>
          %dma_start3A_181 = arith.constant 0 : i32
          %dma_start3A_182 = tpu.memref_slice %arg4[%add3A_164, %dma_start3A_181] : memref<5120x128xi32, #tpu.memory_space<hbm>> -> memref<16x128xi32, #tpu.memory_space<hbm>>
          %dma_start3A_183 = arith.constant 0 : i32
          %dma_start3A_184 = arith.constant 0 : i32
          %dma_start3A_185 = tpu.memref_slice %arg8[%rem3A_82, %dma_start3A_183, %dma_start3A_184] : memref<2x16x128xi32, #tpu.memory_space<vmem>> -> memref<1x16x128xi32, #tpu.memory_space<vmem>>
          %dma_start3A_186 = tpu.memref_squeeze %dma_start3A_185 : memref<1x16x128xi32, #tpu.memory_space<vmem>> -> memref<16x128xi32, #tpu.memory_space<vmem>>
          %dma_start3A_187 = arith.constant 0 : i32
          %dma_start3A_188 = tpu.memref_slice %arg4[%add3A_164, %dma_start3A_187] : memref<5120x128xi32, #tpu.memory_space<hbm>> -> memref<16x128xi32, #tpu.memory_space<hbm>>
          tpu.enqueue_dma source(%dma_start3A_188 : memref<16x128xi32, #tpu.memory_space<hbm>>) target(%dma_start3A_186 : memref<16x128xi32, #tpu.memory_space<vmem>>) target_semaphore(%arg17 : memref<!tpu.dma_semaphore, #tpu.memory_space<semaphore_mem>>)
        } else {
        }
      } else {
      }
      %eq3A = arith.constant 9 : i32
      %eq3A_91 = arith.cmpi eq, %add3A_81, %eq3A : i32
      %convert_element_type3A_92 = arith.extui %eq3A_91 : i1 to i32
      %cond3A_93 = arith.constant 0 : i32
      %cond3A_94 = arith.cmpi ne, %convert_element_type3A_92, %cond3A_93 : i32
      scf.if %cond3A_94 {
        %dma_wait3A_95 = arith.constant 1 : i32
        %dma_wait3A_96 = arith.constant 15 : i32
        %dma_wait3A_97 = arith.constant 0 : i32
        %dma_wait3A_98 = arith.constant 0 : i32
        %dma_wait3A_99 = tpu.memref_slice %arg9[%dma_wait3A_95, %dma_wait3A_97, %dma_wait3A_98] : memref<2x128x128xf32, #tpu.memory_space<vmem>> -> memref<1x128x128xf32, #tpu.memory_space<vmem>>
        %dma_wait3A_100 = tpu.memref_squeeze %dma_wait3A_99 : memref<1x128x128xf32, #tpu.memory_space<vmem>> -> memref<128x128xf32, #tpu.memory_space<vmem>>
        %dma_wait3A_101 = arith.constant 0 : i32
        %dma_wait3A_102 = tpu.memref_slice %arg8[%rem3A_82, %dma_wait3A_96, %dma_wait3A_101] : memref<2x16x128xi32, #tpu.memory_space<vmem>> -> memref<1x1x128xi32, #tpu.memory_space<vmem>>
        %dma_wait3A_103 = tpu.memref_squeeze %dma_wait3A_102 : memref<1x1x128xi32, #tpu.memory_space<vmem>> -> memref<128xi32, #tpu.memory_space<vmem>>
        %dma_wait3A_104 = arith.constant 0 : i32
        %dma_wait3A_105 = arith.constant 0 : i32
        %dma_wait3A_106 = tpu.memref_slice %arg10[%dma_wait3A_104, %dma_wait3A_105] : memref<10240x128xf32, #tpu.memory_space<vmem_shared>> -> memref<10240x128xf32, #tpu.memory_space<vmem_shared>>
        tpu.wait_indirect_dma semaphore(%arg16 : memref<!tpu.dma_semaphore, #tpu.memory_space<semaphore_mem>>) src(%dma_wait3A_100 : memref<128x128xf32, #tpu.memory_space<vmem>>) dst(%dma_wait3A_106 : memref<10240x128xf32, #tpu.memory_space<vmem_shared>>)
      } else {
      }
    }
    %scan3A_71 = arith.constant 10 : i32
    %barrier3A_72 = arith.constant 0 : index
    tpu.barrier barrier_id(%barrier3A_72)
    %mul3A_73 = arith.constant 640 : i32
    %mul3A_74 = arith.muli %arg1, %mul3A_73 : i32
    %mul3A_75 = arith.constant 640 : i32
    %mul3A_76 = arith.muli %arg1, %mul3A_75 : i32
    "tpu.region"() ({
      %run_scoped3A_77 = tpu.sem_alloc : memref<!tpu.dma_semaphore, #tpu.memory_space<semaphore_mem>>
      %dma_start3A_78 = arith.constant 0 : i32
      %dma_start3A_79 = tpu.memref_slice %arg6[%arg0, %mul3A_76, %dma_start3A_78] : memref<2x10240x128xf32, #tpu.memory_space<hbm>> -> memref<1x640x128xf32, #tpu.memory_space<hbm>>
      %dma_start3A_80 = tpu.memref_squeeze %dma_start3A_79 : memref<1x640x128xf32, #tpu.memory_space<hbm>> -> memref<640x128xf32, #tpu.memory_space<hbm>>
      %dma_start3A_81 = arith.constant 0 : i32
      %dma_start3A_82 = tpu.memref_slice %arg10[%mul3A_74, %dma_start3A_81] : memref<10240x128xf32, #tpu.memory_space<vmem_shared>> -> memref<640x128xf32, #tpu.memory_space<vmem_shared>>
      tpu.enqueue_dma source(%dma_start3A_82 : memref<640x128xf32, #tpu.memory_space<vmem_shared>>) target(%dma_start3A_80 : memref<640x128xf32, #tpu.memory_space<hbm>>) target_semaphore(%run_scoped3A_77 : memref<!tpu.dma_semaphore, #tpu.memory_space<semaphore_mem>>)
      %dma_wait3A_83 = arith.constant 0 : i32
      %dma_wait3A_84 = tpu.memref_slice %arg6[%arg0, %mul3A_76, %dma_wait3A_83] : memref<2x10240x128xf32, #tpu.memory_space<hbm>> -> memref<1x640x128xf32, #tpu.memory_space<hbm>>
      %dma_wait3A_85 = tpu.memref_squeeze %dma_wait3A_84 : memref<1x640x128xf32, #tpu.memory_space<hbm>> -> memref<640x128xf32, #tpu.memory_space<hbm>>
      %dma_wait3A_86 = arith.constant 0 : i32
      %dma_wait3A_87 = tpu.memref_slice %arg10[%mul3A_74, %dma_wait3A_86] : memref<10240x128xf32, #tpu.memory_space<vmem_shared>> -> memref<640x128xf32, #tpu.memory_space<vmem_shared>>
      tpu.wait_dma2 semaphore(%run_scoped3A_77 : memref<!tpu.dma_semaphore, #tpu.memory_space<semaphore_mem>>) src(%dma_wait3A_87 : memref<640x128xf32, #tpu.memory_space<vmem_shared>>) dst(%dma_wait3A_85 : memref<640x128xf32, #tpu.memory_space<hbm>>)
      tpu.yield
    }) : () -> ()
    return
  }
}

module attributes {stable_mosaic.version = 14 : i64} {
  func.func @body(%arg0: memref<10240x2xf32, #tpu.memory_space<vmem>>, %arg1: memref<10240x128xf32, #tpu.memory_space<vmem>>, %arg2: memref<128x128xf32, #tpu.memory_space<vmem>>, %arg3: memref<10240x1xf32, #tpu.memory_space<vmem>>, %arg4: memref<10240x128xf32, #tpu.memory_space<vmem>>) attributes {dimension_semantics = [], scalar_prefetch = 0 : i64, scratch_operands = 0 : i64, tpu.core_type = #tpu.core_type<tc>} {
    %get3A = arith.constant 0 : index
    %get3A_0 = arith.constant 0 : index
    %get3A_1 = vector.load %arg0[%get3A, %get3A_0] : memref<10240x2xf32, #tpu.memory_space<vmem>>, vector<10240x1xf32>
    %get3A_2 = arith.constant 0 : index
    %get3A_3 = arith.constant 1 : index
    %get3A_4 = vector.load %arg0[%get3A_2, %get3A_3] : memref<10240x2xf32, #tpu.memory_space<vmem>>, vector<10240x1xf32>
    %add3A = arith.addf %get3A_1, %get3A_4 : vector<10240x1xf32>
    %add3A_5 = arith.constant 1.000000e+00 : f32
    %add3A_6 = vector.broadcast %add3A_5 : f32 to vector<10240x1xf32>
    %add3A_7 = arith.addf %add3A, %add3A_6 : vector<10240x1xf32>
    %iota3A = tpu.iota {dimensions = array<i32: 0>} : vector<10240x1xi32>
    %lt3A = arith.constant 10000 : i32
    %lt3A_8 = vector.broadcast %lt3A : i32 to vector<10240x1xi32>
    %lt3A_9 = arith.cmpi slt, %iota3A, %lt3A_8 : vector<10240x1xi32>
    %rsqrt3A = math.rsqrt %add3A_7 : vector<10240x1xf32>
    %jit3A = arith.constant 0.000000e+00 : f32
    %broadcast_in_dim3A = vector.broadcast %jit3A : f32 to vector<10240x1xf32>
    %select_n3A = arith.select %lt3A_9, %rsqrt3A, %broadcast_in_dim3A : vector<10240x1xi1>, vector<10240x1xf32>
    %swap3A = arith.constant 0 : index
    %swap3A_10 = arith.constant 0 : index
    %swap3A_11 = vector.load %arg3[%swap3A, %swap3A_10] : memref<10240x1xf32, #tpu.memory_space<vmem>>, vector<10240x1xf32>
    tpu.vector_store %arg3[%swap3A, %swap3A_10], %select_n3A {strides = array<i32>} : memref<10240x1xf32, #tpu.memory_space<vmem>>, vector<10240x1xf32>,
    %get3A_12 = arith.constant 0 : index
    %get3A_13 = arith.constant 0 : index
    %get3A_14 = vector.load %arg1[%get3A_12, %get3A_13] : memref<10240x128xf32, #tpu.memory_space<vmem>>, vector<10240x128xf32>
    %get3A_15 = arith.constant 0 : index
    %get3A_16 = arith.constant 0 : index
    %get3A_17 = vector.load %arg2[%get3A_15, %get3A_16] : memref<128x128xf32, #tpu.memory_space<vmem>>, vector<128x128xf32>
    %dot_general3A = arith.constant dense<0.000000e+00> : vector<10240x128xf32>
    %dot_general3A_18 = tpu.matmul %get3A_14, %get3A_17, %dot_general3A {dimension_numbers = #tpu.dot_dimension_numbers<[1], [0], [0], [1], [0, 0, 1, 1], [], []>, transpose_lhs_hint = false} : vector<10240x128xf32>, vector<128x128xf32>, vector<10240x128xf32> -> vector<10240x128xf32>
    %mul3A = vector.broadcast %select_n3A : vector<10240x1xf32> to vector<10240x128xf32>
    %mul3A_19 = arith.mulf %mul3A, %dot_general3A_18 : vector<10240x128xf32>
    %swap3A_20 = arith.constant 0 : index
    %swap3A_21 = arith.constant 0 : index
    %swap3A_22 = vector.load %arg4[%swap3A_20, %swap3A_21] : memref<10240x128xf32, #tpu.memory_space<vmem>>, vector<10240x128xf32>
    tpu.vector_store %arg4[%swap3A_20, %swap3A_21], %mul3A_19 {strides = array<i32>} : memref<10240x128xf32, #tpu.memory_space<vmem>>, vector<10240x128xf32>,
    return
  }
}

module attributes {stable_mosaic.version = 14 : i64} {
  func.func @body(%arg0: memref<2x10240x128xf32, #tpu.memory_space<vmem>>, %arg1: memref<10240x128xf32, #tpu.memory_space<vmem>>, %arg2: memref<10240x1xf32, #tpu.memory_space<vmem>>, %arg3: memref<1x128xf32, #tpu.memory_space<vmem>>, %arg4: memref<1x128xf32, #tpu.memory_space<vmem>>, %arg5: memref<1x128xf32, #tpu.memory_space<vmem>>, %arg6: memref<128x128xf32, #tpu.memory_space<vmem>>, %arg7: memref<10240x128xf32, #tpu.memory_space<vmem>>, %arg8: memref<10240x128xf32, #tpu.memory_space<vmem>>) attributes {dimension_semantics = [], scalar_prefetch = 0 : i64, scratch_operands = 0 : i64, tpu.core_type = #tpu.core_type<tc>} {
    %get3A = arith.constant 0 : index
    %get3A_0 = arith.constant 0 : index
    %get3A_1 = vector.load %arg2[%get3A, %get3A_0] : memref<10240x1xf32, #tpu.memory_space<vmem>>, vector<10240x1xf32>
    %get3A_2 = arith.constant 0 : index
    %get3A_3 = arith.constant 0 : index
    %get3A_4 = arith.constant 0 : index
    %get3A_5 = vector.load %arg0[%get3A_2, %get3A_3, %get3A_4] : memref<2x10240x128xf32, #tpu.memory_space<vmem>>, vector<1x10240x128xf32>
    %get3A_6 = vector.shape_cast %get3A_5 : vector<1x10240x128xf32> to vector<10240x128xf32>
    %get3A_7 = arith.constant 1 : index
    %get3A_8 = arith.constant 0 : index
    %get3A_9 = arith.constant 0 : index
    %get3A_10 = vector.load %arg0[%get3A_7, %get3A_8, %get3A_9] : memref<2x10240x128xf32, #tpu.memory_space<vmem>>, vector<1x10240x128xf32>
    %get3A_11 = vector.shape_cast %get3A_10 : vector<1x10240x128xf32> to vector<10240x128xf32>
    %add3A = arith.addf %get3A_6, %get3A_11 : vector<10240x128xf32>
    %get3A_12 = arith.constant 0 : index
    %get3A_13 = arith.constant 0 : index
    %get3A_14 = vector.load %arg1[%get3A_12, %get3A_13] : memref<10240x128xf32, #tpu.memory_space<vmem>>, vector<10240x128xf32>
    %add3A_15 = arith.addf %add3A, %get3A_14 : vector<10240x128xf32>
    %mul3A = vector.broadcast %get3A_1 : vector<10240x1xf32> to vector<10240x128xf32>
    %mul3A_16 = arith.mulf %mul3A, %add3A_15 : vector<10240x128xf32>
    %get3A_17 = arith.constant 0 : index
    %get3A_18 = arith.constant 0 : index
    %get3A_19 = vector.load %arg3[%get3A_17, %get3A_18] : memref<1x128xf32, #tpu.memory_space<vmem>>, vector<1x128xf32>
    %add3A_20 = vector.broadcast %get3A_19 : vector<1x128xf32> to vector<10240x128xf32>
    %add3A_21 = arith.addf %mul3A_16, %add3A_20 : vector<10240x128xf32>
    %iota3A = tpu.iota {dimensions = array<i32: 0>} : vector<10240x1xi32>
    %lt3A = arith.constant 10000 : i32
    %lt3A_22 = vector.broadcast %lt3A : i32 to vector<10240x1xi32>
    %lt3A_23 = arith.cmpi slt, %iota3A, %lt3A_22 : vector<10240x1xi32>
    %jit3A = arith.constant 0.000000e+00 : f32
    %broadcast_in_dim3A = vector.shape_cast %lt3A_23 : vector<10240x1xi1> to vector<10240x1xi1>
    %broadcast_in_dim3A_24 = vector.broadcast %broadcast_in_dim3A : vector<10240x1xi1> to vector<10240x128xi1>
    %broadcast_in_dim3A_25 = vector.broadcast %jit3A : f32 to vector<10240x128xf32>
    %select_n3A = arith.select %broadcast_in_dim3A_24, %add3A_21, %broadcast_in_dim3A_25 : vector<10240x128xi1>, vector<10240x128xf32>
    %reduce_sum3A = arith.constant dense<0.000000e+00> : vector<128xf32>
    %reduce_sum3A_26 = vector.multi_reduction <add>, %select_n3A, %reduce_sum3A [0] : vector<10240x128xf32> to vector<128xf32>
    %broadcast_in_dim3A_27 = vector.shape_cast %reduce_sum3A_26 : vector<128xf32> to vector<1x128xf32>
    %mul3A_28 = arith.constant 9.99999974E-5 : f32
    %mul3A_29 = vector.broadcast %mul3A_28 : f32 to vector<1x128xf32>
    %mul3A_30 = arith.mulf %broadcast_in_dim3A_27, %mul3A_29 : vector<1x128xf32>
    %mul3A_31 = arith.mulf %select_n3A, %select_n3A : vector<10240x128xf32>
    %reduce_sum3A_32 = arith.constant dense<0.000000e+00> : vector<128xf32>
    %reduce_sum3A_33 = vector.multi_reduction <add>, %mul3A_31, %reduce_sum3A_32 [0] : vector<10240x128xf32> to vector<128xf32>
    %broadcast_in_dim3A_34 = vector.shape_cast %reduce_sum3A_33 : vector<128xf32> to vector<1x128xf32>
    %mul3A_35 = arith.constant 9.99999974E-5 : f32
    %mul3A_36 = vector.broadcast %mul3A_35 : f32 to vector<1x128xf32>
    %mul3A_37 = arith.mulf %broadcast_in_dim3A_34, %mul3A_36 : vector<1x128xf32>
    %mul3A_38 = arith.mulf %mul3A_30, %mul3A_30 : vector<1x128xf32>
    %sub3A = arith.subf %mul3A_37, %mul3A_38 : vector<1x128xf32>
    %sub3A_39 = vector.broadcast %mul3A_30 : vector<1x128xf32> to vector<10240x128xf32>
    %sub3A_40 = arith.subf %add3A_21, %sub3A_39 : vector<10240x128xf32>
    %add3A_41 = arith.constant 9.99999974E-6 : f32
    %add3A_42 = vector.broadcast %add3A_41 : f32 to vector<1x128xf32>
    %add3A_43 = arith.addf %sub3A, %add3A_42 : vector<1x128xf32>
    %rsqrt3A = math.rsqrt %add3A_43 : vector<1x128xf32>
    %mul3A_44 = vector.broadcast %rsqrt3A : vector<1x128xf32> to vector<10240x128xf32>
    %mul3A_45 = arith.mulf %sub3A_40, %mul3A_44 : vector<10240x128xf32>
    %get3A_46 = arith.constant 0 : index
    %get3A_47 = arith.constant 0 : index
    %get3A_48 = vector.load %arg4[%get3A_46, %get3A_47] : memref<1x128xf32, #tpu.memory_space<vmem>>, vector<1x128xf32>
    %mul3A_49 = vector.broadcast %get3A_48 : vector<1x128xf32> to vector<10240x128xf32>
    %mul3A_50 = arith.mulf %mul3A_45, %mul3A_49 : vector<10240x128xf32>
    %get3A_51 = arith.constant 0 : index
    %get3A_52 = arith.constant 0 : index
    %get3A_53 = vector.load %arg5[%get3A_51, %get3A_52] : memref<1x128xf32, #tpu.memory_space<vmem>>, vector<1x128xf32>
    %add3A_54 = vector.broadcast %get3A_53 : vector<1x128xf32> to vector<10240x128xf32>
    %add3A_55 = arith.addf %mul3A_50, %add3A_54 : vector<10240x128xf32>
    %max3A = arith.constant 0.000000e+00 : f32
    %max3A_56 = vector.broadcast %max3A : f32 to vector<10240x128xf32>
    %max3A_57 = arith.maximumf %add3A_55, %max3A_56 : vector<10240x128xf32>
    %jit3A_58 = arith.constant 0.000000e+00 : f32
    %broadcast_in_dim3A_59 = vector.shape_cast %lt3A_23 : vector<10240x1xi1> to vector<10240x1xi1>
    %broadcast_in_dim3A_60 = vector.broadcast %broadcast_in_dim3A_59 : vector<10240x1xi1> to vector<10240x128xi1>
    %broadcast_in_dim3A_61 = vector.broadcast %jit3A_58 : f32 to vector<10240x128xf32>
    %select_n3A_62 = arith.select %broadcast_in_dim3A_60, %max3A_57, %broadcast_in_dim3A_61 : vector<10240x128xi1>, vector<10240x128xf32>
    %swap3A = arith.constant 0 : index
    %swap3A_63 = arith.constant 0 : index
    %swap3A_64 = vector.load %arg7[%swap3A, %swap3A_63] : memref<10240x128xf32, #tpu.memory_space<vmem>>, vector<10240x128xf32>
    tpu.vector_store %arg7[%swap3A, %swap3A_63], %select_n3A_62 {strides = array<i32>} : memref<10240x128xf32, #tpu.memory_space<vmem>>, vector<10240x128xf32>,
    %get3A_65 = arith.constant 0 : index
    %get3A_66 = arith.constant 0 : index
    %get3A_67 = vector.load %arg6[%get3A_65, %get3A_66] : memref<128x128xf32, #tpu.memory_space<vmem>>, vector<128x128xf32>
    %dot_general3A = arith.constant dense<0.000000e+00> : vector<10240x128xf32>
    %dot_general3A_68 = tpu.matmul %select_n3A_62, %get3A_67, %dot_general3A {dimension_numbers = #tpu.dot_dimension_numbers<[1], [0], [0], [1], [0, 0, 1, 1], [], []>, transpose_lhs_hint = false} : vector<10240x128xf32>, vector<128x128xf32>, vector<10240x128xf32> -> vector<10240x128xf32>
    %mul3A_69 = vector.broadcast %get3A_1 : vector<10240x1xf32> to vector<10240x128xf32>
    %mul3A_70 = arith.mulf %mul3A_69, %dot_general3A_68 : vector<10240x128xf32>
    %swap3A_71 = arith.constant 0 : index
    %swap3A_72 = arith.constant 0 : index
    %swap3A_73 = vector.load %arg8[%swap3A_71, %swap3A_72] : memref<10240x128xf32, #tpu.memory_space<vmem>>, vector<10240x128xf32>
    tpu.vector_store %arg8[%swap3A_71, %swap3A_72], %mul3A_70 {strides = array<i32>} : memref<10240x128xf32, #tpu.memory_space<vmem>>, vector<10240x128xf32>,
    return
  }
}

module attributes {stable_mosaic.version = 14 : i64} {
  func.func @body(%arg0: memref<2x10240x128xf32, #tpu.memory_space<vmem>>, %arg1: memref<10240x128xf32, #tpu.memory_space<vmem>>, %arg2: memref<10240x1xf32, #tpu.memory_space<vmem>>, %arg3: memref<1x128xf32, #tpu.memory_space<vmem>>, %arg4: memref<1x128xf32, #tpu.memory_space<vmem>>, %arg5: memref<1x128xf32, #tpu.memory_space<vmem>>, %arg6: memref<10240x128xf32, #tpu.memory_space<vmem>>, %arg7: memref<10240x128xf32, #tpu.memory_space<vmem>>, %arg8: memref<128x64xf32, #tpu.memory_space<vmem>>, %arg9: memref<1x64xf32, #tpu.memory_space<vmem>>, %arg10: memref<64x1xf32, #tpu.memory_space<vmem>>, %arg11: memref<1x1xf32, #tpu.memory_space<vmem>>, %arg12: memref<10240x1xf32, #tpu.memory_space<vmem>>) attributes {dimension_semantics = [], scalar_prefetch = 0 : i64, scratch_operands = 0 : i64, tpu.core_type = #tpu.core_type<tc>} {
    %get3A = arith.constant 0 : index
    %get3A_0 = arith.constant 0 : index
    %get3A_1 = vector.load %arg2[%get3A, %get3A_0] : memref<10240x1xf32, #tpu.memory_space<vmem>>, vector<10240x1xf32>
    %get3A_2 = arith.constant 0 : index
    %get3A_3 = arith.constant 0 : index
    %get3A_4 = arith.constant 0 : index
    %get3A_5 = vector.load %arg0[%get3A_2, %get3A_3, %get3A_4] : memref<2x10240x128xf32, #tpu.memory_space<vmem>>, vector<1x10240x128xf32>
    %get3A_6 = vector.shape_cast %get3A_5 : vector<1x10240x128xf32> to vector<10240x128xf32>
    %get3A_7 = arith.constant 1 : index
    %get3A_8 = arith.constant 0 : index
    %get3A_9 = arith.constant 0 : index
    %get3A_10 = vector.load %arg0[%get3A_7, %get3A_8, %get3A_9] : memref<2x10240x128xf32, #tpu.memory_space<vmem>>, vector<1x10240x128xf32>
    %get3A_11 = vector.shape_cast %get3A_10 : vector<1x10240x128xf32> to vector<10240x128xf32>
    %add3A = arith.addf %get3A_6, %get3A_11 : vector<10240x128xf32>
    %get3A_12 = arith.constant 0 : index
    %get3A_13 = arith.constant 0 : index
    %get3A_14 = vector.load %arg1[%get3A_12, %get3A_13] : memref<10240x128xf32, #tpu.memory_space<vmem>>, vector<10240x128xf32>
    %add3A_15 = arith.addf %add3A, %get3A_14 : vector<10240x128xf32>
    %mul3A = vector.broadcast %get3A_1 : vector<10240x1xf32> to vector<10240x128xf32>
    %mul3A_16 = arith.mulf %mul3A, %add3A_15 : vector<10240x128xf32>
    %get3A_17 = arith.constant 0 : index
    %get3A_18 = arith.constant 0 : index
    %get3A_19 = vector.load %arg3[%get3A_17, %get3A_18] : memref<1x128xf32, #tpu.memory_space<vmem>>, vector<1x128xf32>
    %add3A_20 = vector.broadcast %get3A_19 : vector<1x128xf32> to vector<10240x128xf32>
    %add3A_21 = arith.addf %mul3A_16, %add3A_20 : vector<10240x128xf32>
    %iota3A = tpu.iota {dimensions = array<i32: 0>} : vector<10240x1xi32>
    %lt3A = arith.constant 10000 : i32
    %lt3A_22 = vector.broadcast %lt3A : i32 to vector<10240x1xi32>
    %lt3A_23 = arith.cmpi slt, %iota3A, %lt3A_22 : vector<10240x1xi32>
    %jit3A = arith.constant 0.000000e+00 : f32
    %broadcast_in_dim3A = vector.shape_cast %lt3A_23 : vector<10240x1xi1> to vector<10240x1xi1>
    %broadcast_in_dim3A_24 = vector.broadcast %broadcast_in_dim3A : vector<10240x1xi1> to vector<10240x128xi1>
    %broadcast_in_dim3A_25 = vector.broadcast %jit3A : f32 to vector<10240x128xf32>
    %select_n3A = arith.select %broadcast_in_dim3A_24, %add3A_21, %broadcast_in_dim3A_25 : vector<10240x128xi1>, vector<10240x128xf32>
    %reduce_sum3A = arith.constant dense<0.000000e+00> : vector<128xf32>
    %reduce_sum3A_26 = vector.multi_reduction <add>, %select_n3A, %reduce_sum3A [0] : vector<10240x128xf32> to vector<128xf32>
    %broadcast_in_dim3A_27 = vector.shape_cast %reduce_sum3A_26 : vector<128xf32> to vector<1x128xf32>
    %mul3A_28 = arith.constant 9.99999974E-5 : f32
    %mul3A_29 = vector.broadcast %mul3A_28 : f32 to vector<1x128xf32>
    %mul3A_30 = arith.mulf %broadcast_in_dim3A_27, %mul3A_29 : vector<1x128xf32>
    %mul3A_31 = arith.mulf %select_n3A, %select_n3A : vector<10240x128xf32>
    %reduce_sum3A_32 = arith.constant dense<0.000000e+00> : vector<128xf32>
    %reduce_sum3A_33 = vector.multi_reduction <add>, %mul3A_31, %reduce_sum3A_32 [0] : vector<10240x128xf32> to vector<128xf32>
    %broadcast_in_dim3A_34 = vector.shape_cast %reduce_sum3A_33 : vector<128xf32> to vector<1x128xf32>
    %mul3A_35 = arith.constant 9.99999974E-5 : f32
    %mul3A_36 = vector.broadcast %mul3A_35 : f32 to vector<1x128xf32>
    %mul3A_37 = arith.mulf %broadcast_in_dim3A_34, %mul3A_36 : vector<1x128xf32>
    %mul3A_38 = arith.mulf %mul3A_30, %mul3A_30 : vector<1x128xf32>
    %sub3A = arith.subf %mul3A_37, %mul3A_38 : vector<1x128xf32>
    %sub3A_39 = vector.broadcast %mul3A_30 : vector<1x128xf32> to vector<10240x128xf32>
    %sub3A_40 = arith.subf %add3A_21, %sub3A_39 : vector<10240x128xf32>
    %add3A_41 = arith.constant 9.99999974E-6 : f32
    %add3A_42 = vector.broadcast %add3A_41 : f32 to vector<1x128xf32>
    %add3A_43 = arith.addf %sub3A, %add3A_42 : vector<1x128xf32>
    %rsqrt3A = math.rsqrt %add3A_43 : vector<1x128xf32>
    %mul3A_44 = vector.broadcast %rsqrt3A : vector<1x128xf32> to vector<10240x128xf32>
    %mul3A_45 = arith.mulf %sub3A_40, %mul3A_44 : vector<10240x128xf32>
    %get3A_46 = arith.constant 0 : index
    %get3A_47 = arith.constant 0 : index
    %get3A_48 = vector.load %arg4[%get3A_46, %get3A_47] : memref<1x128xf32, #tpu.memory_space<vmem>>, vector<1x128xf32>
    %mul3A_49 = vector.broadcast %get3A_48 : vector<1x128xf32> to vector<10240x128xf32>
    %mul3A_50 = arith.mulf %mul3A_45, %mul3A_49 : vector<10240x128xf32>
    %get3A_51 = arith.constant 0 : index
    %get3A_52 = arith.constant 0 : index
    %get3A_53 = vector.load %arg5[%get3A_51, %get3A_52] : memref<1x128xf32, #tpu.memory_space<vmem>>, vector<1x128xf32>
    %add3A_54 = vector.broadcast %get3A_53 : vector<1x128xf32> to vector<10240x128xf32>
    %add3A_55 = arith.addf %mul3A_50, %add3A_54 : vector<10240x128xf32>
    %max3A = arith.constant 0.000000e+00 : f32
    %max3A_56 = vector.broadcast %max3A : f32 to vector<10240x128xf32>
    %max3A_57 = arith.maximumf %add3A_55, %max3A_56 : vector<10240x128xf32>
    %jit3A_58 = arith.constant 0.000000e+00 : f32
    %broadcast_in_dim3A_59 = vector.shape_cast %lt3A_23 : vector<10240x1xi1> to vector<10240x1xi1>
    %broadcast_in_dim3A_60 = vector.broadcast %broadcast_in_dim3A_59 : vector<10240x1xi1> to vector<10240x128xi1>
    %broadcast_in_dim3A_61 = vector.broadcast %jit3A_58 : f32 to vector<10240x128xf32>
    %select_n3A_62 = arith.select %broadcast_in_dim3A_60, %max3A_57, %broadcast_in_dim3A_61 : vector<10240x128xi1>, vector<10240x128xf32>
    %get3A_63 = arith.constant 0 : index
    %get3A_64 = arith.constant 0 : index
    %get3A_65 = vector.load %arg6[%get3A_63, %get3A_64] : memref<10240x128xf32, #tpu.memory_space<vmem>>, vector<10240x128xf32>
    %get3A_66 = arith.constant 0 : index
    %get3A_67 = arith.constant 0 : index
    %get3A_68 = vector.load %arg7[%get3A_66, %get3A_67] : memref<10240x128xf32, #tpu.memory_space<vmem>>, vector<10240x128xf32>
    %add3A_69 = arith.addf %get3A_65, %get3A_68 : vector<10240x128xf32>
    %add3A_70 = arith.addf %add3A_69, %select_n3A_62 : vector<10240x128xf32>
    %get3A_71 = arith.constant 0 : index
    %get3A_72 = arith.constant 0 : index
    %get3A_73 = vector.load %arg8[%get3A_71, %get3A_72] : memref<128x64xf32, #tpu.memory_space<vmem>>, vector<128x64xf32>
    %dot_general3A = arith.constant dense<0.000000e+00> : vector<10240x64xf32>
    %dot_general3A_74 = tpu.matmul %add3A_70, %get3A_73, %dot_general3A {dimension_numbers = #tpu.dot_dimension_numbers<[1], [0], [0], [1], [0, 0, 1, 1], [], []>, transpose_lhs_hint = false} : vector<10240x128xf32>, vector<128x64xf32>, vector<10240x64xf32> -> vector<10240x64xf32>
    %get3A_75 = arith.constant 0 : index
    %get3A_76 = arith.constant 0 : index
    %get3A_77 = vector.load %arg9[%get3A_75, %get3A_76] : memref<1x64xf32, #tpu.memory_space<vmem>>, vector<1x64xf32>
    %add3A_78 = vector.broadcast %get3A_77 : vector<1x64xf32> to vector<10240x64xf32>
    %add3A_79 = arith.addf %dot_general3A_74, %add3A_78 : vector<10240x64xf32>
    %max3A_80 = arith.constant 0.000000e+00 : f32
    %max3A_81 = vector.broadcast %max3A_80 : f32 to vector<10240x64xf32>
    %max3A_82 = arith.maximumf %add3A_79, %max3A_81 : vector<10240x64xf32>
    %get3A_83 = arith.constant 0 : index
    %get3A_84 = arith.constant 0 : index
    %get3A_85 = vector.load %arg10[%get3A_83, %get3A_84] : memref<64x1xf32, #tpu.memory_space<vmem>>, vector<64x1xf32>
    %dot_general3A_86 = arith.constant dense<0.000000e+00> : vector<10240x1xf32>
    %dot_general3A_87 = tpu.matmul %max3A_82, %get3A_85, %dot_general3A_86 {dimension_numbers = #tpu.dot_dimension_numbers<[1], [0], [0], [1], [0, 0, 1, 1], [], []>, transpose_lhs_hint = false} : vector<10240x64xf32>, vector<64x1xf32>, vector<10240x1xf32> -> vector<10240x1xf32>
    %get3A_88 = arith.constant 0 : index
    %get3A_89 = arith.constant 0 : index
    %get3A_90 = vector.load %arg11[%get3A_88, %get3A_89] : memref<1x1xf32, #tpu.memory_space<vmem>>, vector<1x1xf32>
    %add3A_91 = vector.broadcast %get3A_90 : vector<1x1xf32> to vector<10240x1xf32>
    %add3A_92 = arith.addf %dot_general3A_87, %add3A_91 : vector<10240x1xf32>
    %swap3A = arith.constant 0 : index
    %swap3A_93 = arith.constant 0 : index
    %swap3A_94 = vector.load %arg12[%swap3A, %swap3A_93] : memref<10240x1xf32, #tpu.memory_space<vmem>>, vector<10240x1xf32>
    tpu.vector_store %arg12[%swap3A, %swap3A_93], %add3A_92 {strides = array<i32>} : memref<10240x1xf32, #tpu.memory_space<vmem>>, vector<10240x1xf32>,
    return
  }
}

</mosaic_0001>

<sc_bundles>
// kernel: kernel.10.cloned.1.call-start
scs
__scs_entry_jumppad:
0x0: {  	(pc) =	sbr.rel $0x88, $3  }
0x1: {  	(tag) =	ssettag $0x0;
	lr =	simm.s32 $0x1  }
0x2: {  	[smem:$0x3F8F] =	sst lr;
	_ =	strace $0xD0000000  }
0x3: {  	_ = 	snop  }
0x4: {  	_ = 	snop  }
0x5: {  	_ = 	snop  }
0x6: {  	_ = 	snop  }
0x7: {  	_ = 	snop  }
__scs_overlays_trampoline_lowered:
0x8: {  	[smem:$0x3F9E] =	sst s0  }
0x9: {  	[smem:$0x3F9F] =	sst s1  }
0xa: {  	[smem:$0x3FA0] =	sst s2  }
0xb: {  	[smem:$0x3FA1] =	sst s3  }
0xc: {  	[smem:$0x3FA2] =	sst s4  }
0xd: {  	[smem:$0x3FA3] =	sst s5  }
0xe: {  	[smem:$0x3FA4] =	sst s6  }
0xf: {  	[smem:$0x3FA5] =	sst s7  }
0x10: {  	[smem:$0x3FA6] =	sst s8  }
0x11: {  	[smem:$0x3FA7] =	sst s9;
	s0 =	simm.s32 @!p0 $0x0  }
0x12: {  	s1 =	sld [smem:$0x3F8D];
	s0 =	simm.s32 @p0 $0x1  }
0x13: {  	[smem:$0x3FA8] =	sst s0;
	s0 =	simm.s32 @!p1 $0x0  }
0x14: {  	s2 =	sld [smem:$0x3F8C];
	s0 =	simm.s32 @p1 $0x1  }
0x15: {  	[smem:$0x3FA9] =	sst s0;
	s0 =	simm.s32 @!p2 $0x0  }
0x16: {  	s3 =	sld [smem:$0x3FDB];
	s0 =	simm.s32 @p2 $0x1  }
0x17: {  	s4 =	simm.s32 $0x1BF5;
	[smem:$0x3FAB] =	sst s0  }
0x18: {  	s0 =	sld [smem:$0x3F8E];
	_ =	swait.ge [sflag:s4], $0x0  }
0x19: {  	s7 =	sld [smem:$0x3F8F]  }
0x1a: {  	s8 =	sadd.s32 $0xFFFFE003, lr  }
0x1b: {  	s9 =	sadd.s32 $0xFFFFFEF7, lr;
	s5 =	simm.s32 $0xFFFFFFFF;
	p2 =	slt.u32 s8, $0xFFFFF086  }
0x1c: {  	p1 =	slt.u32 s9, $0xF7A;
	s5 =	simm.s32 @!p2 $0x0  }
0x1d: {  	s5 =	simm.s32 @p1 $0x1;
	p0 =	seq.s32 s7, s2  }
0x1e: {  	s7 =	smul.u32 @!p0 $0xF7A, s2;
	p2 =	seq.s32 @!p0 s5, $0x0  }
0x1f: {  	s9 =	smul.u32 $0xF7A, s1;
	s8 =	simm.s32 @!p0 $0x1BF5;
	p2 =	por !p2, p0  }
0x20: {  	[sflag:s8] =	ssyncset.s32 @!p0 $0xFFFFF086;
	s6 =	sadd.s32 @!p0 s3, s7;
	s7 =	simm.s32 @!p0 $0x108  }
0x21: {  	s3 =	sadd.s32 s3, s9;
	s6 =	sadd.s32 @!p0 $0x88, s6;
	s7 =	simm.s32 @p2 $0x1082  }
0x22: {  	[simem:s7], [sflag:s8] =	dma.local @!p0 [hbm:s6], $0xF7A  }
0x23: {  	s9 =	sor.u32 $0xD0000000, s2;
	s6 =	simm.s32 $0x108;
	_ =	swait.ge @!p0 [sflag:s8], $0x0  }
0x24: {  	s3 =	sadd.s32 $0x88, s3;
	s6 =	simm.s32 @!p1 $0x1082;
	[sflag:s4] =	ssyncset.s32 $0xFFFFF086  }
0x25: {  	[simem:s6], [sflag:s4] =	dma.local [hbm:s3], $0xF7A  }
0x26: {  	[smem:$0x3F8F] =	sst s1;
	(tag) =	ssettag s2;
	_ =	strace s9  }
0x27: {  	s1 =	sld [smem:$0x3F9F]  }
0x28: {  	s2 =	sld [smem:$0x3FA0]  }
0x29: {  	s4 =	sld [smem:$0x3FA2]  }
0x2a: {  	p0 =	seq.s32 s5, $0x0;
	s5 =	sld [smem:$0x3FA3]  }
0x2b: {  	s6 =	sld [smem:$0x3FA4]  }
0x2c: {  	s7 =	sld [smem:$0x3FA5]  }
0x2d: {  	s3 =	simm.s32 $0x108;
	s8 =	sld [smem:$0x3FA6]  }
0x2e: {  	s3 =	simm.s32 @!p0 $0x1082;
	s9 =	sld [smem:$0x3FA7]  }
0x2f: {  	lr =	sadd.s32 s0, s3;
	s0 =	sld [smem:$0x3F9E]  }
0x30: {  	s3 =	sld [smem:$0x3FA1]  }
0x31: {  	[smem:$0x3FAA] =	sst s10  }
0x32: {  	s10 =	sld [smem:$0x3FA8];
	_ =	sdelay $0x3  }
0x33: {  	p0 =	seq.s32 s10, $0x1;
	s10 =	sld [smem:$0x3FAA];
	_ =	sdelay $0x3  }
0x34: {  	[smem:$0x3FAA] =	sst s10  }
0x35: {  	s10 =	sld [smem:$0x3FA9];
	_ =	sdelay $0x3  }
0x36: {  	p1 =	seq.s32 s10, $0x1;
	s10 =	sld [smem:$0x3FAA];
	_ =	sdelay $0x3  }
0x37: {  	[smem:$0x3FAA] =	sst s10  }
0x38: {  	s10 =	sld [smem:$0x3FAB]  }
0x39: {  	_ = 	snop;
	(pc) =	sbr.ind lr, $3  }
0x3a: {  	_ = 	snop  }
0x3b: {  	_ = 	snop  }
0x3c: {  	p2 =	seq.s32 s10, $0x1;
	s10 =	sld [smem:$0x3FAA]  }
0x3d: {  	_ =	shalt  }
0x3e: {  	_ =	shalt  }
0x3f: {  	_ =	shalt  }
0x40: {  	_ =	shalt  }
0x41: {  	_ =	shalt  }
0x42: {  	_ =	shalt  }
0x43: {  	_ =	shalt  }
0x44: {  	_ =	shalt  }
0x45: {  	_ =	shalt  }
0x46: {  	_ =	shalt  }
0x47: {  	_ =	shalt  }
0x48: {  	_ =	shalt  }
0x49: {  	_ =	shalt  }
0x4a: {  	_ =	shalt  }
0x4b: {  	_ =	shalt  }
0x4c: {  	_ =	shalt  }
0x4d: {  	_ =	shalt  }
0x4e: {  	_ =	shalt  }
0x4f: {  	_ =	shalt  }
0x50: {  	_ =	shalt  }
0x51: {  	_ =	shalt  }
0x52: {  	_ =	shalt  }
0x53: {  	_ =	shalt  }
0x54: {  	_ =	shalt  }
0x55: {  	_ =	shalt  }
0x56: {  	_ =	shalt  }
0x57: {  	_ =	shalt  }
0x58: {  	_ =	shalt  }
0x59: {  	_ =	shalt  }
0x5a: {  	_ =	shalt  }
0x5b: {  	_ =	shalt  }
0x5c: {  	_ =	shalt  }
0x5d: {  	_ =	shalt  }
0x5e: {  	_ =	shalt  }
0x5f: {  	_ =	shalt  }
0x60: {  	_ =	shalt  }
0x61: {  	_ =	shalt  }
0x62: {  	_ =	shalt  }
0x63: {  	_ =	shalt  }
0x64: {  	_ =	shalt  }
0x65: {  	_ =	shalt  }
0x66: {  	_ =	shalt  }
0x67: {  	_ =	shalt  }
0x68: {  	_ =	shalt  }
0x69: {  	_ =	shalt  }
0x6a: {  	_ =	shalt  }
0x6b: {  	_ =	shalt  }
0x6c: {  	_ =	shalt  }
0x6d: {  	_ =	shalt  }
0x6e: {  	_ =	shalt  }
0x6f: {  	_ =	shalt  }
0x70: {  	_ =	shalt  }
0x71: {  	_ =	shalt  }
0x72: {  	_ =	shalt  }
0x73: {  	_ =	shalt  }
0x74: {  	_ =	shalt  }
0x75: {  	_ =	shalt  }
0x76: {  	_ =	shalt  }
0x77: {  	_ =	shalt  }
0x78: {  	_ =	shalt  }
0x79: {  	_ =	shalt  }
0x7a: {  	_ =	shalt  }
0x7b: {  	_ =	shalt  }
0x7c: {  	_ =	shalt  }
0x7d: {  	_ =	shalt  }
0x7e: {  	_ =	shalt  }
0x7f: {  	_ =	shalt  }
0x80: {  	_ =	shalt  }
0x81: {  	_ =	shalt  }
0x82: {  	_ =	shalt  }
0x83: {  	_ =	shalt  }
0x84: {  	_ =	shalt  }
0x85: {  	_ =	shalt  }
0x86: {  	_ =	shalt  }
0x87: {  	_ =	shalt  }
.Lfunc_end0:
.L_simem_size_0:
called_computation_lowered:
.L_overlay_start_0:
0x88: {  	s2 =	sld [smem:$0x3FD9]  }
0x89: {  	s3 =	sld [smem:$0x3FFE];
	_ =	sdelay $0x1  }
0x8a: {  	s1 =	srdreg.scid  }
0x8b: {  	s0 =	sand.u32 $0x1, s1  }
0x8c: {  	s17 =	sshll.u32 s0, $0xA;
	s2 =	sadd.s32 s3, s2  }
0x8d: {  	s2 =	sadd.s32 s2, s17  }
0x8e: {  	[smem:$0x3FB6] =	sst s2  }
0x8f: {  	_ = 	snop  }
0x90: {  	s2 =	sld [smem:$0x3FD0];
	(tm) =	ssettm $0x1  }
0x91: {  	s18 =	sld [smem:$0x3FFB];
	_ =	sdelay $0x3  }
0x92: {  	_ =	strace s18  }
0x93: {  	s3 =	sld [smem:$0x3FFC];
	_ =	sdelay $0x3  }
0x94: {  	_ =	strace s3  }
0x95: {  	s3 =	sld [smem:$0x3FFD];
	_ =	sdelay $0x3  }
0x96: {  	_ =	strace s3  }
0x97: {  	_ =	strace $0x8FFFFFFF  }
0x98: {  	s19 =	sld [smem:$0x3FDB];
	_ =	sdelay $0x1  }
0x99: {  	s4 =	simm.s32 $_scs_section_size  }
0x9a: {  	s5 =	simm.s32 $_size__tile_overlayer_lowered;
	s6 =	simm.s32 $_tile_overlayer_lowered  }
0x9b: {  	s22 =	simm.s32 $0x1BFF;
	s21 =	sshll.u32 s6, $0x1;
	s3 =	sadd.s32 s4, s19  }
0x9c: {  	s7 =	simm.s32 $0x0;
	s20 =	sshll.u32 s5, $0x1;
	s5 =	sadd.s32 s21, s3  }
0x9d: {  	[timem:s7], [sflag:s22] =	dma.local [hbm:s5], s20  }
0x9e: {  	_ =	swait.ge [sflag:s22], s20  }
0x9f: {  	s4 =	ssub.s32 $0x0, s20;
	[sflag:s22] =	ssyncset.done $0x0  }
0xa0: {  	[sflag:s22] =	ssyncadd.s32 s4;
	_ =	sdelay $0x1  }
0xa1: {  	s23 =	simm.s32 $0x1B8B  }
0xa2: {  	_ =	swait.ge [sflag:s23], $0x1  }
0xa3: {  	[sflag:s23] =	ssyncset.done $0x0  }
0xa4: {  	s25 =	simm.s32 $0x1B8E;
	s24 =	sld [smem:$0x3FFE];
	[sflag:s23] =	ssyncadd.s32 $0xFFFFFFFF  }
0xa5: {  	s26 =	simm.s32 $execute0_lowered;
	[smem:$0x3FD2] =	sst s25  }
0xa6: {  	s5 =	sshll.u32 s26, $0x1;
	_ =	strace $0x80000046;
	[dreg:$0x1] =	wrdreg $0xFFFFFFFF  }
0xa7: {  	s28 =	simm.s32 $_size_execute0_lowered;
	s3 =	sadd.s32 s3, s5;
	[dreg:$0x0] =	wrdreg $0x0  }
0xa8: {  	s5 =	sshll.u32 s28, $0x1;
	[dreg:$0x2] =	wrdreg s3  }
0xa9: {  	[dreg:$0x3] =	wrdreg s5  }
0xaa: {  	[dreg:$0x4] =	wrdreg $0xC0  }
0xab: {  	_ =	task [dreg:s7], $0x5FFFF  }
0xac: {  	[dreg:$0x1] =	wrdreg $0xFFFFFFFF  }
0xad: {  	[dreg:$0x0] =	wrdreg $0x60  }
0xae: {  	[dreg:$0x2] =	wrdreg s24  }
0xaf: {  	[dreg:$0x3] =	wrdreg s2  }
0xb0: {  	[dreg:$0x4] =	wrdreg $0x50800  }
0xb1: {  	[dreg:$0x5] =	wrdreg $0x9  }
0xb2: {  	_ =	task.clear_ibuf [dreg:s7], $0x6FFFF;
	_ =	strace $0x90000046  }
0xb3: {  	s29 =	simm.s32 $0x9;
	_ =	strace $0x80000048  }
0xb4: {  	_ =	swait.ge [sflag:s29], $0x1  }
0xb5: {  	[sflag:s29] =	ssyncadd.s32 $0xFFFFFFFF  }
0xb6: {  	_ =	strace $0x90000048  }
0xb7: {  	_ =	sfence  }
0xb8: {  	s30 =	sld [smem:$0x0];
	_ =	sdelay $0x2  }
0xb9: {  	s31 =	sshll.u32 s1, $0xD;
	s1 =	sshrl.u32 s1, $0x2  }
0xba: {  	s3 =	sand.u32 $0x4000, s31;
	s1 =	sadd.s32 s1, s30  }
0xbb: {  	s0 =	sor.u32 s3, s0;
	s1 =	sshll.u32 s1, $0x11  }
0xbc: {  	s0 =	sor.u32 s1, s0  }
0xbd: {  	s0 =	sadd.s32 $0x8F2B, s0  }
0xbe: {  	[sflag:s0] =	ssyncadd.remote.s32 $0x1  }
0xbf: {  	_ =	sfence.sel $0xFFFF  }
0xc0: {  	[dreg:$0x0] =	wrdreg $0xFFFFFFFF;
	(pc) =	sbr.abs _section_cstart, $3  }
0xc1: {  	[dreg:$0x1] =	wrdreg $0xFFFFFFFF  }
0xc2: {  	_ =	task.clear_ibuf [dreg:s7], $0x2FFFF;
	_ =	strace $0x9FFFFFFF  }
0xc3: {  	(tm) =	ssettm $0x7FFFFFFF  }
tec
execute0_lowered:
.L_overlay_start_1:
0x0: {  	(tag) =	ssettag $0x1  }
0x1: {  	s5 =	rddreg [dreg:$0x0]  }
0x2: {  	s1 =	srdreg.scid;
	s6 =	rddreg [dreg:$0x1]  }
0x3: {  	s0 =	stileid.u32;
	s2 =	rddreg [dreg:$0x2];
	s3 =	simm.s32 $0x0  }
0x4: {  	s12 =	simm.s32 $0x5000;
	s13 =	simm.s32 $0x80;
	s14 =	simm.s32 $0x20  }
0x5: {  	s15 =	simm.s32 $0x10;
	s16 =	simm.s32 $0x0;
	s4 =	sand.u32 $0x1, s1  }
0x6: {  	s26 =	sshll.u32 s0, $0x1;
	s1 =	rddreg [dreg:$0x3];
	s8 =	smul.u32 $0x500, s0  }
0x7: {  	[smem:$0x7FF] =	sst s3;
	s11 =	smul.u32 $0x280, s0;
	s31 =	sshll.u32 s0, $0x6  }
0x8: {  	s7 =	sor.u32 s4, s26;
	_ =	strace $0x80000047;
	s9 =	sshll.u32 s4, $0x7  }
0x9: {  	s28 =	ssub.s32 $0x2, s4;
	s4 =	sadd.s32 $0x2CA00, s5;
	s7 =	smul.u32 $0xA00, s7  }
0xa: {  	s8 =	sor.u32 s9, s8;
	s10 =	sshrl.u32 s28, $0x1;
	s29 =	sadd.s32 s11, s2  }
0xb: {  	s30 =	sshrl.u32 s11, $0x3;
	s11 =	simm.s32 $0x1;
	s8 =	sshrl.u32 s8, $0x3  }
0xc: {  	s9 =	ssub.s32 s28, s10;
	s10 =	sshrl.u32 s29, $0x3;
	s7 =	sadd.s32 s7, s5  }
0xd: {  	s8 =	sadd.s32 s8, s5;
	s5 =	sadd.s32 s6, s30;
	s6 =	sor.u32 $0x1C01, s31  }
0xe: {  	s9 =	smax.u32 s9, $0x1;
	s7 =	sadd.s32 $0x18A00, s7;
	s8 =	sadd.s32 $0x2CC00, s8  }
.LBB2_1:
0xf: {  	[spmem:s10], [sflag:s6] =	dma.local [hbm:s5], $0x50  }
0x10: {  	_ =	swait.ge [sflag:s11], $0x50  }
0x11: {  	[sflag:s11] =	ssyncset.done $0x0  }
0x12: {  	[sflag:s11] =	ssyncadd.s32 $0xFFFFFFB0  }
0x13: {  	[tilespmem:s3], [sflag:$0x1] =	stream.linear.gather [hbm4b:s7+s3], $0x5000, $0x38;
	[tilespmem:$0x5300] =	vst v63  }
0x14: {  	_ =	swait.ge [sflag:s11], $0x5000  }
0x15: {  	[sflag:s11] =	ssyncset.done $0x0  }
0x16: {  	[sflag:s11] =	ssyncadd.s32 $0xFFFFB000  }
0x17: {  	[tilespmem:s12], [sflag:$0x1] =	stream.linear.gather [hbm4b:s4+s3], $0x80, $0x38;
	[tilespmem:$0x5300] =	vst v63  }
0x18: {  	_ =	swait.ge [sflag:s11], $0x80  }
0x19: {  	[sflag:s11] =	ssyncset.done $0x0  }
0x1a: {  	[sflag:s11] =	ssyncadd.s32 $0xFFFFFF80  }
0x1b: {  	s17 =	simm.s32 $0x0;
	[bflag:$0x0] =	sbarrier.arrive $0xFFFF  }
0x1c: {  	[spmem:s2] =	stream.indirect.scatter.add.f32 [tilespmem:s12], [sflag:$0x1], $0x1, s17, s13, $0xb8;
	[tilespmem:$0x5300] =	vst v63  }
0x1d: {  	_ =	swait.ge [sflag:s11], $0x80  }
0x1e: {  	s17 =	simm.s32 $0x200;
	[sflag:s11] =	ssyncset.done $0x0  }
.LBB2_2:
0x1f: {  	s18 =	sshra.s32 s17, $0x2;
	[sflag:s11] =	ssyncadd.s32 $0xFFFFFF80;
	p0 =	sne.s32 s17, $0x13E00  }
0x20: {  	[spmem:s2] =	stream.indirect.scatter.add.f32 [tilespmem:s12], [sflag:$0x1], $0x1, s18, s13, $0xb8;
	[tilespmem:$0x5300] =	vst v63  }
.Ltmp0:
0x21: {  	_ = 	snop;
	(pc) =	sbr.rel @p0 .LBB2_2-.Ltmp0, $4  }
0x22: {  	_ = 	snop  }
0x23: {  	s17 =	sadd.s32 $0x200, s17  }
0x24: {  	_ =	swait.ge [sflag:s11], $0x80  }
0x25: {  	[sflag:s11] =	ssyncset.done $0x0  }
0x26: {  	s16 =	sadd.s32 $0x1, s16  }
0x27: {  	[sflag:s11] =	ssyncadd.s32 $0xFFFFFF80;
	p0 =	sne.s32 s16, s9  }
.Ltmp1:
0x28: {  	[bflag:$0x0] =	sbarrier.arrive $0xFFFF;
	(pc) =	sbr.rel @p0 .LBB2_1-.Ltmp1, $4  }
0x29: {  	[hbm:s8@s14], [sflag:s6] =	dma.strided [spmem:s10@s15], $0x50, s11, $0x10   }
0x2a: {  	_ =	swait.ge [sflag:s11], $0x50  }
0x2b: {  	[sflag:s11] =	ssyncset.done $0x0  }
0x2c: {  	[sflag:s11] =	ssyncadd.s32 $0xFFFFFFB0  }
0x2d: {  	_ =	sfence.sel $0x180000  }
0x2e: {  	[bflag:$0x0] =	sbarrier.arrive $0xFFFF  }
0x2f: {  	p0 =	sne.s32 s0, $0x0;
	_ =	strace $0x90000047  }
0x30: {  	s0 =	sadd.s32 @!p0 $0x100000, s1;
	[bflag:$0x2] =	sbarrier.arrive $0xFFFF  }
0x31: {  	[sflag:s0] =	ssyncadd.tile.s32 @!p0 $0x1;
	_ =	shalt  }
.Lfunc_end2:
_tile_overlayer_lowered:
.L_overlay_start_2:
0x32: {  	(tag) =	ssettag $0x2  }
0x33: {  	s0 =	rddreg [dreg:$0x0];
	s2 =	stileid.u32  }
0x34: {  	s1 =	rddreg [dreg:$0x1];
	p0 =	sne.s32 s2, $0x0  }
0x35: {  	s3 =	rddreg [dreg:$0x2];
	[bflag:$0x3] =	sbarrier.arrive $0xFFFF;
	s2 =	simm.s32 @!p0 $0x1C01  }
0x36: {  	[timem:s3], [sflag:s2] =	dma.local @!p0 [hbm:s0], s1  }
0x37: {  	s0 =	simm.s32 @!p0 $0x1  }
0x38: {  	_ =	swait.ge @!p0 [sflag:s0], s1  }
0x39: {  	s1 =	ssub.s32 @!p0 $0x0, s1;
	[sflag:s0] =	ssyncset.done @!p0 $0x0  }
0x3a: {  	[sflag:s0] =	ssyncadd.s32 @!p0 s1  }
0x3b: {  	[bflag:$0x3] =	sbarrier.arrive $0xFFFF  }
0x3c: {  	_ =	shalt  }

// kernel: kernel.13.cloned.1.call-start
scs
__scs_entry_jumppad:
0x0: {  	(pc) =	sbr.rel $0x88, $3  }
0x1: {  	(tag) =	ssettag $0x0;
	lr =	simm.s32 $0x1  }
0x2: {  	[smem:$0x3F8F] =	sst lr;
	_ =	strace $0xD0000000  }
0x3: {  	_ = 	snop  }
0x4: {  	_ = 	snop  }
0x5: {  	_ = 	snop  }
0x6: {  	_ = 	snop  }
0x7: {  	_ = 	snop  }
__scs_overlays_trampoline_lowered:
0x8: {  	[smem:$0x3F9E] =	sst s0  }
0x9: {  	[smem:$0x3F9F] =	sst s1  }
0xa: {  	[smem:$0x3FA0] =	sst s2  }
0xb: {  	[smem:$0x3FA1] =	sst s3  }
0xc: {  	[smem:$0x3FA2] =	sst s4  }
0xd: {  	[smem:$0x3FA3] =	sst s5  }
0xe: {  	[smem:$0x3FA4] =	sst s6  }
0xf: {  	[smem:$0x3FA5] =	sst s7  }
0x10: {  	[smem:$0x3FA6] =	sst s8  }
0x11: {  	[smem:$0x3FA7] =	sst s9;
	s0 =	simm.s32 @!p0 $0x0  }
0x12: {  	s1 =	sld [smem:$0x3F8D];
	s0 =	simm.s32 @p0 $0x1  }
0x13: {  	[smem:$0x3FA8] =	sst s0;
	s0 =	simm.s32 @!p1 $0x0  }
0x14: {  	s2 =	sld [smem:$0x3F8C];
	s0 =	simm.s32 @p1 $0x1  }
0x15: {  	[smem:$0x3FA9] =	sst s0;
	s0 =	simm.s32 @!p2 $0x0  }
0x16: {  	s3 =	sld [smem:$0x3FDB];
	s0 =	simm.s32 @p2 $0x1  }
0x17: {  	s4 =	simm.s32 $0x1BF5;
	[smem:$0x3FAB] =	sst s0  }
0x18: {  	s0 =	sld [smem:$0x3F8E];
	_ =	swait.ge [sflag:s4], $0x0  }
0x19: {  	s7 =	sld [smem:$0x3F8F]  }
0x1a: {  	s8 =	sadd.s32 $0xFFFFE003, lr  }
0x1b: {  	s9 =	sadd.s32 $0xFFFFFEF7, lr;
	s5 =	simm.s32 $0xFFFFFFFF;
	p2 =	slt.u32 s8, $0xFFFFF086  }
0x1c: {  	p1 =	slt.u32 s9, $0xF7A;
	s5 =	simm.s32 @!p2 $0x0  }
0x1d: {  	s5 =	simm.s32 @p1 $0x1;
	p0 =	seq.s32 s7, s2  }
0x1e: {  	s7 =	smul.u32 @!p0 $0xF7A, s2;
	p2 =	seq.s32 @!p0 s5, $0x0  }
0x1f: {  	s9 =	smul.u32 $0xF7A, s1;
	s8 =	simm.s32 @!p0 $0x1BF5;
	p2 =	por !p2, p0  }
0x20: {  	[sflag:s8] =	ssyncset.s32 @!p0 $0xFFFFF086;
	s6 =	sadd.s32 @!p0 s3, s7;
	s7 =	simm.s32 @!p0 $0x108  }
0x21: {  	s3 =	sadd.s32 s3, s9;
	s6 =	sadd.s32 @!p0 $0x88, s6;
	s7 =	simm.s32 @p2 $0x1082  }
0x22: {  	[simem:s7], [sflag:s8] =	dma.local @!p0 [hbm:s6], $0xF7A  }
0x23: {  	s9 =	sor.u32 $0xD0000000, s2;
	s6 =	simm.s32 $0x108;
	_ =	swait.ge @!p0 [sflag:s8], $0x0  }
0x24: {  	s3 =	sadd.s32 $0x88, s3;
	s6 =	simm.s32 @!p1 $0x1082;
	[sflag:s4] =	ssyncset.s32 $0xFFFFF086  }
0x25: {  	[simem:s6], [sflag:s4] =	dma.local [hbm:s3], $0xF7A  }
0x26: {  	[smem:$0x3F8F] =	sst s1;
	(tag) =	ssettag s2;
	_ =	strace s9  }
0x27: {  	s1 =	sld [smem:$0x3F9F]  }
0x28: {  	s2 =	sld [smem:$0x3FA0]  }
0x29: {  	s4 =	sld [smem:$0x3FA2]  }
0x2a: {  	p0 =	seq.s32 s5, $0x0;
	s5 =	sld [smem:$0x3FA3]  }
0x2b: {  	s6 =	sld [smem:$0x3FA4]  }
0x2c: {  	s7 =	sld [smem:$0x3FA5]  }
0x2d: {  	s3 =	simm.s32 $0x108;
	s8 =	sld [smem:$0x3FA6]  }
0x2e: {  	s3 =	simm.s32 @!p0 $0x1082;
	s9 =	sld [smem:$0x3FA7]  }
0x2f: {  	lr =	sadd.s32 s0, s3;
	s0 =	sld [smem:$0x3F9E]  }
0x30: {  	s3 =	sld [smem:$0x3FA1]  }
0x31: {  	[smem:$0x3FAA] =	sst s10  }
0x32: {  	s10 =	sld [smem:$0x3FA8];
	_ =	sdelay $0x3  }
0x33: {  	p0 =	seq.s32 s10, $0x1;
	s10 =	sld [smem:$0x3FAA];
	_ =	sdelay $0x3  }
0x34: {  	[smem:$0x3FAA] =	sst s10  }
0x35: {  	s10 =	sld [smem:$0x3FA9];
	_ =	sdelay $0x3  }
0x36: {  	p1 =	seq.s32 s10, $0x1;
	s10 =	sld [smem:$0x3FAA];
	_ =	sdelay $0x3  }
0x37: {  	[smem:$0x3FAA] =	sst s10  }
0x38: {  	s10 =	sld [smem:$0x3FAB]  }
0x39: {  	_ = 	snop;
	(pc) =	sbr.ind lr, $3  }
0x3a: {  	_ = 	snop  }
0x3b: {  	_ = 	snop  }
0x3c: {  	p2 =	seq.s32 s10, $0x1;
	s10 =	sld [smem:$0x3FAA]  }
0x3d: {  	_ =	shalt  }
0x3e: {  	_ =	shalt  }
0x3f: {  	_ =	shalt  }
0x40: {  	_ =	shalt  }
0x41: {  	_ =	shalt  }
0x42: {  	_ =	shalt  }
0x43: {  	_ =	shalt  }
0x44: {  	_ =	shalt  }
0x45: {  	_ =	shalt  }
0x46: {  	_ =	shalt  }
0x47: {  	_ =	shalt  }
0x48: {  	_ =	shalt  }
0x49: {  	_ =	shalt  }
0x4a: {  	_ =	shalt  }
0x4b: {  	_ =	shalt  }
0x4c: {  	_ =	shalt  }
0x4d: {  	_ =	shalt  }
0x4e: {  	_ =	shalt  }
0x4f: {  	_ =	shalt  }
0x50: {  	_ =	shalt  }
0x51: {  	_ =	shalt  }
0x52: {  	_ =	shalt  }
0x53: {  	_ =	shalt  }
0x54: {  	_ =	shalt  }
0x55: {  	_ =	shalt  }
0x56: {  	_ =	shalt  }
0x57: {  	_ =	shalt  }
0x58: {  	_ =	shalt  }
0x59: {  	_ =	shalt  }
0x5a: {  	_ =	shalt  }
0x5b: {  	_ =	shalt  }
0x5c: {  	_ =	shalt  }
0x5d: {  	_ =	shalt  }
0x5e: {  	_ =	shalt  }
0x5f: {  	_ =	shalt  }
0x60: {  	_ =	shalt  }
0x61: {  	_ =	shalt  }
0x62: {  	_ =	shalt  }
0x63: {  	_ =	shalt  }
0x64: {  	_ =	shalt  }
0x65: {  	_ =	shalt  }
0x66: {  	_ =	shalt  }
0x67: {  	_ =	shalt  }
0x68: {  	_ =	shalt  }
0x69: {  	_ =	shalt  }
0x6a: {  	_ =	shalt  }
0x6b: {  	_ =	shalt  }
0x6c: {  	_ =	shalt  }
0x6d: {  	_ =	shalt  }
0x6e: {  	_ =	shalt  }
0x6f: {  	_ =	shalt  }
0x70: {  	_ =	shalt  }
0x71: {  	_ =	shalt  }
0x72: {  	_ =	shalt  }
0x73: {  	_ =	shalt  }
0x74: {  	_ =	shalt  }
0x75: {  	_ =	shalt  }
0x76: {  	_ =	shalt  }
0x77: {  	_ =	shalt  }
0x78: {  	_ =	shalt  }
0x79: {  	_ =	shalt  }
0x7a: {  	_ =	shalt  }
0x7b: {  	_ =	shalt  }
0x7c: {  	_ =	shalt  }
0x7d: {  	_ =	shalt  }
0x7e: {  	_ =	shalt  }
0x7f: {  	_ =	shalt  }
0x80: {  	_ =	shalt  }
0x81: {  	_ =	shalt  }
0x82: {  	_ =	shalt  }
0x83: {  	_ =	shalt  }
0x84: {  	_ =	shalt  }
0x85: {  	_ =	shalt  }
0x86: {  	_ =	shalt  }
0x87: {  	_ =	shalt  }
.Lfunc_end0:
.L_simem_size_0:
called_computation.1_lowered:
.L_overlay_start_0:
0x88: {  	s2 =	sld [smem:$0x3FD9]  }
0x89: {  	s3 =	sld [smem:$0x3FFE];
	_ =	sdelay $0x1  }
0x8a: {  	s1 =	srdreg.scid  }
0x8b: {  	s0 =	sand.u32 $0x1, s1  }
0x8c: {  	s16 =	sshll.u32 s0, $0xA;
	s2 =	sadd.s32 s3, s2  }
0x8d: {  	s2 =	sadd.s32 s2, s16  }
0x8e: {  	[smem:$0x3FB6] =	sst s2  }
0x8f: {  	_ = 	snop  }
0x90: {  	(tm) =	ssettm $0x1  }
0x91: {  	s17 =	sld [smem:$0x3FFB];
	_ =	sdelay $0x3  }
0x92: {  	_ =	strace s17  }
0x93: {  	s2 =	sld [smem:$0x3FFC];
	_ =	sdelay $0x3  }
0x94: {  	_ =	strace s2  }
0x95: {  	s2 =	sld [smem:$0x3FFD];
	_ =	sdelay $0x3  }
0x96: {  	_ =	strace s2  }
0x97: {  	_ =	strace $0x8FFFFFFF  }
0x98: {  	s18 =	sld [smem:$0x3FDB];
	_ =	sdelay $0x1  }
0x99: {  	s19 =	simm.s32 $_scs_section_size  }
0x9a: {  	s4 =	simm.s32 $_size__tile_overlayer_lowered;
	s5 =	simm.s32 $_tile_overlayer_lowered  }
0x9b: {  	s22 =	simm.s32 $0x1BFF;
	s21 =	sshll.u32 s5, $0x1;
	s2 =	sadd.s32 s19, s18  }
0x9c: {  	s6 =	simm.s32 $0x0;
	s20 =	sshll.u32 s4, $0x1;
	s4 =	sadd.s32 s21, s2  }
0x9d: {  	[timem:s6], [sflag:s22] =	dma.local [hbm:s4], s20  }
0x9e: {  	_ =	swait.ge [sflag:s22], s20  }
0x9f: {  	s3 =	ssub.s32 $0x0, s20;
	[sflag:s22] =	ssyncset.done $0x0  }
0xa0: {  	[sflag:s22] =	ssyncadd.s32 s3;
	_ =	sdelay $0x1  }
0xa1: {  	s23 =	simm.s32 $0x1B8B  }
0xa2: {  	_ =	swait.ge [sflag:s23], $0x1  }
0xa3: {  	[sflag:s23] =	ssyncset.done $0x0  }
0xa4: {  	s25 =	simm.s32 $0x1B8E;
	s24 =	sld [smem:$0x3FFE];
	[sflag:s23] =	ssyncadd.s32 $0xFFFFFFFF  }
0xa5: {  	s26 =	simm.s32 $execute0_lowered;
	[smem:$0x3FD2] =	sst s25  }
0xa6: {  	s4 =	sshll.u32 s26, $0x1;
	_ =	strace $0x80000049;
	[dreg:$0x1] =	wrdreg $0xFFFFFFFF  }
0xa7: {  	s28 =	simm.s32 $_size_execute0_lowered;
	s2 =	sadd.s32 s2, s4;
	[dreg:$0x0] =	wrdreg $0x0  }
0xa8: {  	s4 =	sshll.u32 s28, $0x1;
	[dreg:$0x2] =	wrdreg s2  }
0xa9: {  	[dreg:$0x3] =	wrdreg s4  }
0xaa: {  	[dreg:$0x4] =	wrdreg $0xC0  }
0xab: {  	_ =	task [dreg:s6], $0x5FFFF  }
0xac: {  	[dreg:$0x1] =	wrdreg $0xFFFFFFFF  }
0xad: {  	[dreg:$0x0] =	wrdreg $0x60  }
0xae: {  	[dreg:$0x2] =	wrdreg s24  }
0xaf: {  	[dreg:$0x3] =	wrdreg $0xA0000  }
0xb0: {  	[dreg:$0x4] =	wrdreg $0x9  }
0xb1: {  	_ =	task.clear_ibuf [dreg:s6], $0x5FFFF;
	_ =	strace $0x90000049  }
0xb2: {  	s29 =	simm.s32 $0x9;
	_ =	strace $0x8000004B  }
0xb3: {  	_ =	swait.ge [sflag:s29], $0x1  }
0xb4: {  	[sflag:s29] =	ssyncadd.s32 $0xFFFFFFFF  }
0xb5: {  	_ =	strace $0x9000004B  }
0xb6: {  	_ =	sfence  }
0xb7: {  	s30 =	sld [smem:$0x0];
	_ =	sdelay $0x2  }
0xb8: {  	s31 =	sshll.u32 s1, $0xD;
	s1 =	sshrl.u32 s1, $0x2  }
0xb9: {  	s3 =	sand.u32 $0x4000, s31;
	s1 =	sadd.s32 s1, s30  }
0xba: {  	s0 =	sor.u32 s3, s0;
	s1 =	sshll.u32 s1, $0x11  }
0xbb: {  	s0 =	sor.u32 s1, s0  }
0xbc: {  	s0 =	sadd.s32 $0x8F2B, s0  }
0xbd: {  	[sflag:s0] =	ssyncadd.remote.s32 $0x1  }
0xbe: {  	_ =	sfence.sel $0xFFFF  }
0xbf: {  	[dreg:$0x0] =	wrdreg $0xFFFFFFFF;
	(pc) =	sbr.abs _section_cstart, $3  }
0xc0: {  	[dreg:$0x1] =	wrdreg $0xFFFFFFFF  }
0xc1: {  	_ =	task.clear_ibuf [dreg:s6], $0x2FFFF;
	_ =	strace $0x9FFFFFFF  }
0xc2: {  	(tm) =	ssettm $0x7FFFFFFF  }
0xc3: {  	_ =	shalt  }
tec
execute0_lowered:
.L_overlay_start_1:
0x0: {  	(tag) =	ssettag $0x1  }
0x1: {  	s0 =	rddreg [dreg:$0x0]  }
0x2: {  	s2 =	rddreg [dreg:$0x1];
	s3 =	simm.s32 $0x0;
	s11 =	stileid.u32  }
0x3: {  	s1 =	srdreg.scid;
	s28 =	simm.s32 $0x3;
	s29 =	simm.s32 $0x80  }
0x4: {  	s30 =	simm.s32 $0x6000;
	s31 =	simm.s32 $0x8000;
	[smem:$0x7FF] =	sst s3  }
0x5: {  	s7 =	smul.u32 $0x14000, s11;
	s1 =	sand.u32 $0x1, s1;
	s4 =	sadd.s32 $0x2CA00, s0  }
0x6: {  	s5 =	sadd.s32 $0x4A00, s0;
	s6 =	sadd.s32 $0x18A00, s0;
	s16 =	sshll.u32 s11, $0x1  }
0x7: {  	s10 =	smul.u32 $0x50000, s11;
	s20 =	sshll.u32 s11, $0x6;
	_ =	strace $0x8000004A  }
0x8: {  	s8 =	smul.u32 $0x140000, s1;
	s17 =	ssub.s32 $0x2, s1;
	s1 =	sor.u32 s1, s16  }
0x9: {  	[dreg:$0x3] =	wrdreg s20;
	s21 =	sor.u32 $0x1C08, s20;
	s20 =	simm.s32 $0x6  }
0xa: {  	s9 =	sshrl.u32 s7, $0x3;
	s18 =	sshrl.u32 s17, $0x1;
	s10 =	sshrl.u32 s10, $0x2  }
0xb: {  	s1 =	smul.u32 $0xA00, s1;
	[dreg:$0x5] =	wrdreg s21;
	s21 =	simm.s32 $0x7  }
0xc: {  	s9 =	sadd.s32 s9, s0;
	s7 =	sadd.s32 s7, s8;
	s19 =	sadd.s32 s10, s2  }
0xd: {  	s8 =	simm.s32 $0x0;
	s7 =	sshrl.u32 s7, $0x3;
	s9 =	sadd.s32 $0x54A00, s9  }
0xe: {  	s22 =	sor.u32 $0x100, s1;
	s23 =	sadd.s32 s5, s1;
	s24 =	sadd.s32 s6, s1  }
0xf: {  	s16 =	sadd.s32 $0x200, s1;
	s1 =	simm.s32 $0x4;
	[dreg:$0x4] =	wrdreg s9  }
0x10: {  	s0 =	sadd.s32 s7, s0;
	s7 =	ssub.s32 s17, s18;
	[dreg:$0x6] =	wrdreg s23  }
0x11: {  	[dreg:$0x7] =	wrdreg s24;
	s25 =	sadd.s32 s5, s22;
	s9 =	sadd.s32 s6, s22  }
.Ltmp0:
0x12: {  	s17 =	sshrl.u32 s19, $0x3;
	s18 =	simm.s32 $0x9;
	(pc) =	sbr.rel .LBB2_1-.Ltmp0, $4  }
0x13: {  	s22 =	simm.s32 $0x40;
	s23 =	simm.s32 $0x2000;
	[dreg:$0x8] =	wrdreg s25  }
0x14: {  	s24 =	simm.s32 $0x4000;
	[dreg:$0x9] =	wrdreg s9;
	s0 =	sadd.s32 $0x7CA00, s0  }
0x15: {  	s19 =	simm.s32 $0x5;
	s26 =	smax.u32 s7, $0x1;
	[dreg:$0xa] =	wrdreg s0  }
0x16: {  	[dreg:$0xb] =	wrdreg s26;
	s26 =	simm.s32 $0x1;
	s0 =	simm.s32 $0x2  }
.LBB2_9:
0x17: {  	_ =	swait.ge [sflag:s20], $0x4000  }
0x18: {  	[sflag:s20] =	ssyncset.done $0x0  }
0x19: {  	[sflag:s20] =	ssyncadd.s32 $0xFFFFC000  }
.LBB2_7:
0x1a: {  	[bflag:$0x0] =	sbarrier.arrive $0xFFFF  }
0x1b: {  	s7 =	rddreg [dreg:$0x3]  }
0x1c: {  	s9 =	rddreg [dreg:$0xa];
	s7 =	sor.u32 $0x1C09, s7  }
0x1d: {  	[hbm:s9], [sflag:s7] =	dma.local [spmem:s17], $0x2800  }
0x1e: {  	_ =	swait.ge [sflag:s18], $0x2800  }
0x1f: {  	s8 =	sadd.s32 $0x1, s8;
	s25 =	rddreg [dreg:$0xb]  }
0x20: {  	p0 =	sne.s32 s8, s25  }
.Ltmp1:
0x21: {  	_ = 	snop;
	(pc) =	sbr.rel @!p0 .LBB2_8-.Ltmp1, $3  }
0x22: {  	_ =	sdelay $0x1  }
0x23: {  	[sflag:s18] =	ssyncset.done $0x0  }
0x24: {  	[sflag:s18] =	ssyncadd.s32 $0xFFFFD800  }
.LBB2_1:
0x25: {  	s7 =	rddreg [dreg:$0x4]  }
0x26: {  	s9 =	rddreg [dreg:$0x5]  }
0x27: {  	[spmem:s17], [sflag:s9] =	dma.local [hbm:s7], $0x2800  }
0x28: {  	s7 =	rddreg [dreg:$0x6]  }
0x29: {  	[tilespmem:s3], [sflag:$0x9] =	stream.linear.gather [hbm4b:s7+s3], $0x800, $0x38;
	[tilespmem:$0x1E000] =	vst v63  }
0x2a: {  	_ =	swait.ge [sflag:s18], $0x800  }
0x2b: {  	[sflag:s18] =	ssyncset.done $0x0  }
0x2c: {  	s11 =	simm.s32 $0x1000;
	s10 =	rddreg [dreg:$0x7];
	[sflag:s18] =	ssyncadd.s32 $0xFFFFF800  }
0x2d: {  	[tilespmem:s11], [sflag:$0x9] =	stream.linear.gather [hbm4b:s10+s3], $0x800, $0x38;
	[tilespmem:$0x1E000] =	vst v63  }
0x2e: {  	_ =	swait.ge [sflag:s18], $0x800  }
0x2f: {  	[sflag:s18] =	ssyncset.done $0x0  }
0x30: {  	s13 =	simm.s32 $0x800;
	s12 =	rddreg [dreg:$0x8];
	[sflag:s18] =	ssyncadd.s32 $0xFFFFF800  }
0x31: {  	[tilespmem:s13], [sflag:$0x7] =	stream.linear.gather [hbm4b:s12+s3], $0x800, $0x38;
	[tilespmem:$0x1E000] =	vst v63  }
0x32: {  	s15 =	simm.s32 $0x1800;
	s14 =	rddreg [dreg:$0x9]  }
0x33: {  	[tilespmem:s15], [sflag:$0x7] =	stream.linear.gather [hbm4b:s14+s3], $0x800, $0x38;
	[tilespmem:$0x1E000] =	vst v63  }
0x34: {  	_ = 	snop  }
0x35: {  	[tilespmem:s23], [sflag:$0x1] =	stream.indirect.gather [hbm4b:s4+s22], $0x80, s3, s22, $0xb8;
	[tilespmem:$0x1E000] =	vst v63  }
0x36: {  	s25 =	simm.s32 $0x8  }
0x37: {  	[tilespmem:s24], [sflag:$0x3] =	stream.indirect.gather [hbm4b:s4+s22], $0x80, s22, s22, $0xb8;
	[tilespmem:$0x1E000] =	vst v63  }
0x38: {  	_ =	swait.ge [sflag:s25], $0x2800  }
0x39: {  	[sflag:s25] =	ssyncset.done $0x0  }
0x3a: {  	[sflag:s25] =	ssyncadd.s32 $0xFFFFD800  }
0x3b: {  	p0 =	por $0x0, $0x0;
	s9 =	simm.s32 $0x0;
	[bflag:$0x0] =	sbarrier.arrive $0xFFFF  }
.LBB2_2:
0x3c: {  	_ =	swait.ge [sflag:s26], $0x2000  }
0x3d: {  	[sflag:s26] =	ssyncset.done $0x0  }
0x3e: {  	[sflag:s26] =	ssyncadd.s32 $0xFFFFE000  }
0x3f: {  	s7 =	sshll.u32 s9, $0xB;
	_ =	swait.ge [sflag:s28], $0x2000  }
0x40: {  	s11 =	sand.u32 $0x800, s7;
	[sflag:s28] =	ssyncset.done $0x0  }
0x41: {  	s10 =	sor.u32 $0x1000, s11;
	[sflag:s28] =	ssyncadd.s32 $0xFFFFE000  }
0x42: {  	[spmem:s2] =	stream.indirect.scatter.add.f32 [tilespmem:s23], [sflag:$0x5], $0x80, s10, s29, $0xb8;
	[tilespmem:$0x1E000] =	vst v63  }
0x43: {  	s7 =	sor.u32 $0x80, s11  }
0x44: {  	[tilespmem:s30], [sflag:$0x2] =	stream.indirect.gather [hbm4b:s4+s22], $0x80, s7, s22, $0xb8;
	[tilespmem:$0x1E000] =	vst v63  }
0x45: {  	s14 =	sor.u32 $0xC0, s11  }
0x46: {  	[tilespmem:s31], [sflag:$0x4] =	stream.indirect.gather [hbm4b:s4+s22], $0x80, s14, s22, $0xb8;
	[tilespmem:$0x1E000] =	vst v63  }
0x47: {  	_ =	swait.ge [sflag:s0], $0x2000  }
0x48: {  	[sflag:s0] =	ssyncset.done $0x0  }
0x49: {  	[sflag:s0] =	ssyncadd.s32 $0xFFFFE000  }
0x4a: {  	_ =	swait.ge [sflag:s1], $0x2000  }
0x4b: {  	[sflag:s1] =	ssyncset.done $0x0  }
0x4c: {  	s15 =	sor.u32 $0x1080, s11;
	[sflag:s1] =	ssyncadd.s32 $0xFFFFE000  }
0x4d: {  	[spmem:s2] =	stream.indirect.scatter.add.f32 [tilespmem:s30], [sflag:$0x6], $0x80, s15, s29, $0xb8;
	[tilespmem:$0x1E000] =	vst v63  }
0x4e: {  	s7 =	simm.s32 $0x1;
	_ =	swait.ge [sflag:s19], $0x4000  }
0x4f: {  	s7 =	simm.s32 @!p0 $0x0;
	[sflag:s19] =	ssyncset.done $0x0  }
0x50: {  	s12 =	sor.u32 $0x100, s11;
	s7 =	sshll.u32 s7, $0xB;
	[sflag:s19] =	ssyncadd.s32 $0xFFFFC000  }
0x51: {  	[tilespmem:s23], [sflag:$0x1] =	stream.indirect.gather [hbm4b:s4+s22], $0x80, s12, s22, $0xb8;
	[tilespmem:$0x1E000] =	vst v63  }
0x52: {  	s13 =	simm.s32 $0x0;
	s25 =	sor.u32 $0x140, s11;
	s12 =	sor.u32 $0x1000, s7  }
0x53: {  	[tilespmem:s24], [sflag:$0x3] =	stream.indirect.gather [hbm4b:s4+s22], $0x80, s25, s22, $0xb8;
	[tilespmem:$0x1E000] =	vst v63  }
.LBB2_3:
0x54: {  	_ =	swait.ge [sflag:s26], $0x2000  }
0x55: {  	[sflag:s26] =	ssyncset.done $0x0  }
0x56: {  	[sflag:s26] =	ssyncadd.s32 $0xFFFFE000  }
0x57: {  	s14 =	sshra.s32 s13, $0x2;
	_ =	swait.ge [sflag:s28], $0x2000  }
0x58: {  	s15 =	sadd.s32 s14, s12;
	[sflag:s28] =	ssyncset.done $0x0  }
0x59: {  	s25 =	sadd.s32 $0x100, s15;
	[sflag:s28] =	ssyncadd.s32 $0xFFFFE000  }
0x5a: {  	[spmem:s2] =	stream.indirect.scatter.add.f32 [tilespmem:s23], [sflag:$0x5], $0x80, s25, s29, $0xb8;
	[tilespmem:$0x1E000] =	vst v63  }
0x5b: {  	_ =	swait.ge [sflag:s20], $0x4000  }
0x5c: {  	s14 =	sadd.s32 s14, s7;
	[sflag:s20] =	ssyncset.done $0x0  }
0x5d: {  	s25 =	sadd.s32 $0x180, s14;
	[sflag:s20] =	ssyncadd.s32 $0xFFFFC000  }
0x5e: {  	[tilespmem:s30], [sflag:$0x2] =	stream.indirect.gather [hbm4b:s4+s22], $0x80, s25, s22, $0xb8;
	[tilespmem:$0x1E000] =	vst v63  }
0x5f: {  	s25 =	sadd.s32 $0x1C0, s14  }
0x60: {  	[tilespmem:s31], [sflag:$0x4] =	stream.indirect.gather [hbm4b:s4+s22], $0x80, s25, s22, $0xb8;
	[tilespmem:$0x1E000] =	vst v63  }
0x61: {  	_ =	swait.ge [sflag:s0], $0x2000  }
0x62: {  	[sflag:s0] =	ssyncset.done $0x0  }
0x63: {  	[sflag:s0] =	ssyncadd.s32 $0xFFFFE000  }
0x64: {  	_ =	swait.ge [sflag:s1], $0x2000  }
0x65: {  	p1 =	seq.s32 s13, $0x1800;
	[sflag:s1] =	ssyncset.done $0x0  }
.Ltmp2:
0x66: {  	s15 =	sadd.s32 $0x180, s15;
	[sflag:s1] =	ssyncadd.s32 $0xFFFFE000;
	(pc) =	sbr.rel @p1 .LBB2_5-.Ltmp2, $4  }
0x67: {  	[spmem:s2] =	stream.indirect.scatter.add.f32 [tilespmem:s30], [sflag:$0x6], $0x80, s15, s29, $0xb8;
	[tilespmem:$0x1E000] =	vst v63  }
0x68: {  	_ =	swait.ge [sflag:s19], $0x4000  }
0x69: {  	[sflag:s19] =	ssyncset.done $0x0  }
0x6a: {  	[sflag:s19] =	ssyncadd.s32 $0xFFFFC000  }
.Ltmp3:
0x6b: {  	(pc) =	sbr.rel .LBB2_3-.Ltmp3, $4  }
0x6c: {  	s15 =	sadd.s32 $0x200, s14  }
0x6d: {  	[tilespmem:s23], [sflag:$0x1] =	stream.indirect.gather [hbm4b:s4+s22], $0x80, s15, s22, $0xb8;
	[tilespmem:$0x1E000] =	vst v63  }
0x6e: {  	s25 =	sadd.s32 $0x240, s14;
	s13 =	sadd.s32 $0x400, s13  }
0x6f: {  	[tilespmem:s24], [sflag:$0x3] =	stream.indirect.gather [hbm4b:s4+s22], $0x80, s25, s22, $0xb8;
	[tilespmem:$0x1E000] =	vst v63  }
.LBB2_5:
0x70: {  	p1 =	seq.s32 s9, $0x9  }
.Ltmp4:
0x71: {  	_ = 	snop;
	(pc) =	sbr.rel @p1 .LBB2_9-.Ltmp4, $1  }
0x72: {  	_ =	sdelay $0x3  }
0x73: {  	_ =	swait.ge [sflag:s21], $0x800  }
0x74: {  	[sflag:s21] =	ssyncset.done $0x0  }
0x75: {  	[sflag:s21] =	ssyncadd.s32 $0xFFFFF800  }
0x76: {  	_ =	swait.ge [sflag:s21], $0x800  }
0x77: {  	[sflag:s21] =	ssyncset.done $0x0  }
0x78: {  	s7 =	ssub.s32 $0x800, s11;
	[sflag:s21] =	ssyncadd.s32 $0xFFFFF800  }
0x79: {  	[tilespmem:s23], [sflag:$0x1] =	stream.indirect.gather [hbm4b:s4+s22], $0x80, s7, s22, $0xb8;
	[tilespmem:$0x1E000] =	vst v63  }
0x7a: {  	s25 =	ssub.s32 $0x840, s11;
	p1 =	sgt.u32 s9, $0x7  }
0x7b: {  	[tilespmem:s24], [sflag:$0x3] =	stream.indirect.gather [hbm4b:s4+s22], $0x80, s25, s22, $0xb8;
	[tilespmem:$0x1E000] =	vst v63  }
0x7c: {  	s7 =	sshll.u32 @!p1 s9, $0x8;
	_ =	swait.ge [sflag:s20], $0x4000  }
0x7d: {  	s7 =	sadd.s32 @!p1 s16, s7;
	[sflag:s20] =	ssyncset.done $0x0  }
0x7e: {  	s13 =	simm.s32 @!p1 $0x0;
	s12 =	sadd.s32 @!p1 s5, s7;
	[sflag:s20] =	ssyncadd.s32 $0xFFFFC000  }
0x7f: {  	[tilespmem:s11], [sflag:$0x7] =	stream.linear.gather @!p1 [hbm4b:s12+s13], $0x800, $0x38;
	[tilespmem:$0x1E000] =	vst v63  }
0x80: {  	s9 =	sadd.s32 $0x1, s9;
	s7 =	sadd.s32 @!p1 s6, s7  }
0x81: {  	[tilespmem:s10], [sflag:$0x7] =	stream.linear.gather @!p1 [hbm4b:s7+s13], $0x800, $0x38;
	[tilespmem:$0x1E000] =	vst v63  }
0x82: {  	p1 =	sne.s32 s9, $0xA  }
.Ltmp5:
0x83: {  	_ = 	snop;
	(pc) =	sbr.rel @p1 .LBB2_2-.Ltmp5, $4  }
.Ltmp6:
0x84: {  	_ = 	snop;
	(pc) =	sbr.rel @!p1 .LBB2_7-.Ltmp6, $4  }
0x85: {  	_ = 	snop  }
0x86: {  	_ = 	snop  }
0x87: {  	p0 =	por !p0, !p0  }
0x88: {  	_ = 	snop  }
.LBB2_8:
0x89: {  	_ =	sfence.sel $0x180000  }
0x8a: {  	[bflag:$0x0] =	sbarrier.arrive $0xFFFF  }
0x8b: {  	_ =	strace $0x9000004A  }
0x8c: {  	s0 =	stileid.u32;
	[bflag:$0x2] =	sbarrier.arrive $0xFFFF  }
0x8d: {  	p0 =	sne.s32 s0, $0x0;
	s0 =	rddreg [dreg:$0x2]  }
0x8e: {  	s0 =	sadd.s32 @!p0 $0x100000, s0  }
0x8f: {  	[sflag:s0] =	ssyncadd.tile.s32 @!p0 $0x1;
	_ =	shalt  }
.Lfunc_end2:
_tile_overlayer_lowered:
.L_overlay_start_2:
0x90: {  	(tag) =	ssettag $0x2  }
0x91: {  	s0 =	rddreg [dreg:$0x0];
	s2 =	stileid.u32  }
0x92: {  	s1 =	rddreg [dreg:$0x1];
	p0 =	sne.s32 s2, $0x0  }
0x93: {  	s3 =	rddreg [dreg:$0x2];
	[bflag:$0x3] =	sbarrier.arrive $0xFFFF;
	s2 =	simm.s32 @!p0 $0x1C09  }
0x94: {  	[timem:s3], [sflag:s2] =	dma.local @!p0 [hbm:s0], s1  }
0x95: {  	s0 =	simm.s32 @!p0 $0x9  }
0x96: {  	_ =	swait.ge @!p0 [sflag:s0], s1  }
0x97: {  	s1 =	ssub.s32 @!p0 $0x0, s1;
	[sflag:s0] =	ssyncset.done @!p0 $0x0  }
0x98: {  	[sflag:s0] =	ssyncadd.s32 @!p0 s1  }
0x99: {  	[bflag:$0x3] =	sbarrier.arrive $0xFFFF  }
0x9a: {  	_ =	shalt  }

// kernel: kernel.16.cloned.1.call-start
scs
__scs_entry_jumppad:
0x0: {  	(pc) =	sbr.rel $0x88, $3  }
0x1: {  	(tag) =	ssettag $0x0;
	lr =	simm.s32 $0x1  }
0x2: {  	[smem:$0x3F8F] =	sst lr;
	_ =	strace $0xD0000000  }
0x3: {  	_ = 	snop  }
0x4: {  	_ = 	snop  }
0x5: {  	_ = 	snop  }
0x6: {  	_ = 	snop  }
0x7: {  	_ = 	snop  }
__scs_overlays_trampoline_lowered:
0x8: {  	[smem:$0x3F9E] =	sst s0  }
0x9: {  	[smem:$0x3F9F] =	sst s1  }
0xa: {  	[smem:$0x3FA0] =	sst s2  }
0xb: {  	[smem:$0x3FA1] =	sst s3  }
0xc: {  	[smem:$0x3FA2] =	sst s4  }
0xd: {  	[smem:$0x3FA3] =	sst s5  }
0xe: {  	[smem:$0x3FA4] =	sst s6  }
0xf: {  	[smem:$0x3FA5] =	sst s7  }
0x10: {  	[smem:$0x3FA6] =	sst s8  }
0x11: {  	[smem:$0x3FA7] =	sst s9;
	s0 =	simm.s32 @!p0 $0x0  }
0x12: {  	s1 =	sld [smem:$0x3F8D];
	s0 =	simm.s32 @p0 $0x1  }
0x13: {  	[smem:$0x3FA8] =	sst s0;
	s0 =	simm.s32 @!p1 $0x0  }
0x14: {  	s2 =	sld [smem:$0x3F8C];
	s0 =	simm.s32 @p1 $0x1  }
0x15: {  	[smem:$0x3FA9] =	sst s0;
	s0 =	simm.s32 @!p2 $0x0  }
0x16: {  	s3 =	sld [smem:$0x3FDB];
	s0 =	simm.s32 @p2 $0x1  }
0x17: {  	s4 =	simm.s32 $0x1BF5;
	[smem:$0x3FAB] =	sst s0  }
0x18: {  	s0 =	sld [smem:$0x3F8E];
	_ =	swait.ge [sflag:s4], $0x0  }
0x19: {  	s7 =	sld [smem:$0x3F8F]  }
0x1a: {  	s8 =	sadd.s32 $0xFFFFE003, lr  }
0x1b: {  	s9 =	sadd.s32 $0xFFFFFEF7, lr;
	s5 =	simm.s32 $0xFFFFFFFF;
	p2 =	slt.u32 s8, $0xFFFFF086  }
0x1c: {  	p1 =	slt.u32 s9, $0xF7A;
	s5 =	simm.s32 @!p2 $0x0  }
0x1d: {  	s5 =	simm.s32 @p1 $0x1;
	p0 =	seq.s32 s7, s2  }
0x1e: {  	s7 =	smul.u32 @!p0 $0xF7A, s2;
	p2 =	seq.s32 @!p0 s5, $0x0  }
0x1f: {  	s9 =	smul.u32 $0xF7A, s1;
	s8 =	simm.s32 @!p0 $0x1BF5;
	p2 =	por !p2, p0  }
0x20: {  	[sflag:s8] =	ssyncset.s32 @!p0 $0xFFFFF086;
	s6 =	sadd.s32 @!p0 s3, s7;
	s7 =	simm.s32 @!p0 $0x108  }
0x21: {  	s3 =	sadd.s32 s3, s9;
	s6 =	sadd.s32 @!p0 $0x88, s6;
	s7 =	simm.s32 @p2 $0x1082  }
0x22: {  	[simem:s7], [sflag:s8] =	dma.local @!p0 [hbm:s6], $0xF7A  }
0x23: {  	s9 =	sor.u32 $0xD0000000, s2;
	s6 =	simm.s32 $0x108;
	_ =	swait.ge @!p0 [sflag:s8], $0x0  }
0x24: {  	s3 =	sadd.s32 $0x88, s3;
	s6 =	simm.s32 @!p1 $0x1082;
	[sflag:s4] =	ssyncset.s32 $0xFFFFF086  }
0x25: {  	[simem:s6], [sflag:s4] =	dma.local [hbm:s3], $0xF7A  }
0x26: {  	[smem:$0x3F8F] =	sst s1;
	(tag) =	ssettag s2;
	_ =	strace s9  }
0x27: {  	s1 =	sld [smem:$0x3F9F]  }
0x28: {  	s2 =	sld [smem:$0x3FA0]  }
0x29: {  	s4 =	sld [smem:$0x3FA2]  }
0x2a: {  	p0 =	seq.s32 s5, $0x0;
	s5 =	sld [smem:$0x3FA3]  }
0x2b: {  	s6 =	sld [smem:$0x3FA4]  }
0x2c: {  	s7 =	sld [smem:$0x3FA5]  }
0x2d: {  	s3 =	simm.s32 $0x108;
	s8 =	sld [smem:$0x3FA6]  }
0x2e: {  	s3 =	simm.s32 @!p0 $0x1082;
	s9 =	sld [smem:$0x3FA7]  }
0x2f: {  	lr =	sadd.s32 s0, s3;
	s0 =	sld [smem:$0x3F9E]  }
0x30: {  	s3 =	sld [smem:$0x3FA1]  }
0x31: {  	[smem:$0x3FAA] =	sst s10  }
0x32: {  	s10 =	sld [smem:$0x3FA8];
	_ =	sdelay $0x3  }
0x33: {  	p0 =	seq.s32 s10, $0x1;
	s10 =	sld [smem:$0x3FAA];
	_ =	sdelay $0x3  }
0x34: {  	[smem:$0x3FAA] =	sst s10  }
0x35: {  	s10 =	sld [smem:$0x3FA9];
	_ =	sdelay $0x3  }
0x36: {  	p1 =	seq.s32 s10, $0x1;
	s10 =	sld [smem:$0x3FAA];
	_ =	sdelay $0x3  }
0x37: {  	[smem:$0x3FAA] =	sst s10  }
0x38: {  	s10 =	sld [smem:$0x3FAB]  }
0x39: {  	_ = 	snop;
	(pc) =	sbr.ind lr, $3  }
0x3a: {  	_ = 	snop  }
0x3b: {  	_ = 	snop  }
0x3c: {  	p2 =	seq.s32 s10, $0x1;
	s10 =	sld [smem:$0x3FAA]  }
0x3d: {  	_ =	shalt  }
0x3e: {  	_ =	shalt  }
0x3f: {  	_ =	shalt  }
0x40: {  	_ =	shalt  }
0x41: {  	_ =	shalt  }
0x42: {  	_ =	shalt  }
0x43: {  	_ =	shalt  }
0x44: {  	_ =	shalt  }
0x45: {  	_ =	shalt  }
0x46: {  	_ =	shalt  }
0x47: {  	_ =	shalt  }
0x48: {  	_ =	shalt  }
0x49: {  	_ =	shalt  }
0x4a: {  	_ =	shalt  }
0x4b: {  	_ =	shalt  }
0x4c: {  	_ =	shalt  }
0x4d: {  	_ =	shalt  }
0x4e: {  	_ =	shalt  }
0x4f: {  	_ =	shalt  }
0x50: {  	_ =	shalt  }
0x51: {  	_ =	shalt  }
0x52: {  	_ =	shalt  }
0x53: {  	_ =	shalt  }
0x54: {  	_ =	shalt  }
0x55: {  	_ =	shalt  }
0x56: {  	_ =	shalt  }
0x57: {  	_ =	shalt  }
0x58: {  	_ =	shalt  }
0x59: {  	_ =	shalt  }
0x5a: {  	_ =	shalt  }
0x5b: {  	_ =	shalt  }
0x5c: {  	_ =	shalt  }
0x5d: {  	_ =	shalt  }
0x5e: {  	_ =	shalt  }
0x5f: {  	_ =	shalt  }
0x60: {  	_ =	shalt  }
0x61: {  	_ =	shalt  }
0x62: {  	_ =	shalt  }
0x63: {  	_ =	shalt  }
0x64: {  	_ =	shalt  }
0x65: {  	_ =	shalt  }
0x66: {  	_ =	shalt  }
0x67: {  	_ =	shalt  }
0x68: {  	_ =	shalt  }
0x69: {  	_ =	shalt  }
0x6a: {  	_ =	shalt  }
0x6b: {  	_ =	shalt  }
0x6c: {  	_ =	shalt  }
0x6d: {  	_ =	shalt  }
0x6e: {  	_ =	shalt  }
0x6f: {  	_ =	shalt  }
0x70: {  	_ =	shalt  }
0x71: {  	_ =	shalt  }
0x72: {  	_ =	shalt  }
0x73: {  	_ =	shalt  }
0x74: {  	_ =	shalt  }
0x75: {  	_ =	shalt  }
0x76: {  	_ =	shalt  }
0x77: {  	_ =	shalt  }
0x78: {  	_ =	shalt  }
0x79: {  	_ =	shalt  }
0x7a: {  	_ =	shalt  }
0x7b: {  	_ =	shalt  }
0x7c: {  	_ =	shalt  }
0x7d: {  	_ =	shalt  }
0x7e: {  	_ =	shalt  }
0x7f: {  	_ =	shalt  }
0x80: {  	_ =	shalt  }
0x81: {  	_ =	shalt  }
0x82: {  	_ =	shalt  }
0x83: {  	_ =	shalt  }
0x84: {  	_ =	shalt  }
0x85: {  	_ =	shalt  }
0x86: {  	_ =	shalt  }
0x87: {  	_ =	shalt  }
.Lfunc_end0:
.L_simem_size_0:
called_computation.2_lowered:
.L_overlay_start_0:
0x88: {  	s2 =	sld [smem:$0x3FD9]  }
0x89: {  	s3 =	sld [smem:$0x3FFE];
	_ =	sdelay $0x1  }
0x8a: {  	s1 =	srdreg.scid  }
0x8b: {  	s0 =	sand.u32 $0x1, s1  }
0x8c: {  	s16 =	sshll.u32 s0, $0xA;
	s2 =	sadd.s32 s3, s2  }
0x8d: {  	s2 =	sadd.s32 s2, s16  }
0x8e: {  	[smem:$0x3FB6] =	sst s2  }
0x8f: {  	_ = 	snop  }
0x90: {  	(tm) =	ssettm $0x1  }
0x91: {  	s17 =	sld [smem:$0x3FFB];
	_ =	sdelay $0x3  }
0x92: {  	_ =	strace s17  }
0x93: {  	s2 =	sld [smem:$0x3FFC];
	_ =	sdelay $0x3  }
0x94: {  	_ =	strace s2  }
0x95: {  	s2 =	sld [smem:$0x3FFD];
	_ =	sdelay $0x3  }
0x96: {  	_ =	strace s2  }
0x97: {  	_ =	strace $0x8FFFFFFF  }
0x98: {  	s18 =	sld [smem:$0x3FDB];
	_ =	sdelay $0x1  }
0x99: {  	s19 =	simm.s32 $_scs_section_size  }
0x9a: {  	s4 =	simm.s32 $_size__tile_overlayer_lowered;
	s5 =	simm.s32 $_tile_overlayer_lowered  }
0x9b: {  	s22 =	simm.s32 $0x1BFF;
	s21 =	sshll.u32 s5, $0x1;
	s2 =	sadd.s32 s19, s18  }
0x9c: {  	s6 =	simm.s32 $0x0;
	s20 =	sshll.u32 s4, $0x1;
	s4 =	sadd.s32 s21, s2  }
0x9d: {  	[timem:s6], [sflag:s22] =	dma.local [hbm:s4], s20  }
0x9e: {  	_ =	swait.ge [sflag:s22], s20  }
0x9f: {  	s3 =	ssub.s32 $0x0, s20;
	[sflag:s22] =	ssyncset.done $0x0  }
0xa0: {  	[sflag:s22] =	ssyncadd.s32 s3;
	_ =	sdelay $0x1  }
0xa1: {  	s23 =	simm.s32 $0x1B8B  }
0xa2: {  	_ =	swait.ge [sflag:s23], $0x1  }
0xa3: {  	[sflag:s23] =	ssyncset.done $0x0  }
0xa4: {  	s25 =	simm.s32 $0x1B8E;
	s24 =	sld [smem:$0x3FFE];
	[sflag:s23] =	ssyncadd.s32 $0xFFFFFFFF  }
0xa5: {  	s26 =	simm.s32 $execute0_lowered;
	[smem:$0x3FD2] =	sst s25  }
0xa6: {  	s4 =	sshll.u32 s26, $0x1;
	_ =	strace $0x8000004C;
	[dreg:$0x1] =	wrdreg $0xFFFFFFFF  }
0xa7: {  	s28 =	simm.s32 $_size_execute0_lowered;
	s2 =	sadd.s32 s2, s4;
	[dreg:$0x0] =	wrdreg $0x0  }
0xa8: {  	s4 =	sshll.u32 s28, $0x1;
	[dreg:$0x2] =	wrdreg s2  }
0xa9: {  	[dreg:$0x3] =	wrdreg s4  }
0xaa: {  	[dreg:$0x4] =	wrdreg $0xC0  }
0xab: {  	_ =	task [dreg:s6], $0x5FFFF  }
0xac: {  	[dreg:$0x1] =	wrdreg $0xFFFFFFFF  }
0xad: {  	[dreg:$0x0] =	wrdreg $0x60  }
0xae: {  	[dreg:$0x2] =	wrdreg s24  }
0xaf: {  	[dreg:$0x3] =	wrdreg $0xA0000  }
0xb0: {  	[dreg:$0x4] =	wrdreg $0x9  }
0xb1: {  	_ =	task.clear_ibuf [dreg:s6], $0x5FFFF;
	_ =	strace $0x9000004C  }
0xb2: {  	s29 =	simm.s32 $0x9;
	_ =	strace $0x8000004E  }
0xb3: {  	_ =	swait.ge [sflag:s29], $0x1  }
0xb4: {  	[sflag:s29] =	ssyncadd.s32 $0xFFFFFFFF  }
0xb5: {  	_ =	strace $0x9000004E  }
0xb6: {  	_ =	sfence  }
0xb7: {  	s30 =	sld [smem:$0x0];
	_ =	sdelay $0x2  }
0xb8: {  	s31 =	sshll.u32 s1, $0xD;
	s1 =	sshrl.u32 s1, $0x2  }
0xb9: {  	s3 =	sand.u32 $0x4000, s31;
	s1 =	sadd.s32 s1, s30  }
0xba: {  	s0 =	sor.u32 s3, s0;
	s1 =	sshll.u32 s1, $0x11  }
0xbb: {  	s0 =	sor.u32 s1, s0  }
0xbc: {  	s0 =	sadd.s32 $0x8F2B, s0  }
0xbd: {  	[sflag:s0] =	ssyncadd.remote.s32 $0x1  }
0xbe: {  	_ =	sfence.sel $0xFFFF  }
0xbf: {  	[dreg:$0x0] =	wrdreg $0xFFFFFFFF;
	(pc) =	sbr.abs _section_cstart, $3  }
0xc0: {  	[dreg:$0x1] =	wrdreg $0xFFFFFFFF  }
0xc1: {  	_ =	task.clear_ibuf [dreg:s6], $0x2FFFF;
	_ =	strace $0x9FFFFFFF  }
0xc2: {  	(tm) =	ssettm $0x7FFFFFFF  }
0xc3: {  	_ =	shalt  }
tec
execute0_lowered:
.L_overlay_start_1:
0x0: {  	(tag) =	ssettag $0x1  }
0x1: {  	s0 =	rddreg [dreg:$0x0]  }
0x2: {  	s2 =	rddreg [dreg:$0x1];
	s3 =	simm.s32 $0x0;
	s11 =	stileid.u32  }
0x3: {  	s1 =	srdreg.scid;
	s28 =	simm.s32 $0x3;
	s29 =	simm.s32 $0x80  }
0x4: {  	s30 =	simm.s32 $0x6000;
	s31 =	simm.s32 $0x8000;
	[smem:$0x7FF] =	sst s3  }
0x5: {  	s7 =	smul.u32 $0x14000, s11;
	s1 =	sand.u32 $0x1, s1;
	s4 =	sadd.s32 $0x2CA00, s0  }
0x6: {  	s5 =	sadd.s32 $0x4A00, s0;
	s6 =	sadd.s32 $0x18A00, s0;
	s16 =	sshll.u32 s11, $0x1  }
0x7: {  	s10 =	smul.u32 $0x50000, s11;
	s20 =	sshll.u32 s11, $0x6;
	_ =	strace $0x8000004D  }
0x8: {  	s8 =	smul.u32 $0x140000, s1;
	s17 =	ssub.s32 $0x2, s1;
	s1 =	sor.u32 s1, s16  }
0x9: {  	[dreg:$0x3] =	wrdreg s20;
	s21 =	sor.u32 $0x1C08, s20;
	s20 =	simm.s32 $0x6  }
0xa: {  	s9 =	sshrl.u32 s7, $0x3;
	s18 =	sshrl.u32 s17, $0x1;
	s10 =	sshrl.u32 s10, $0x2  }
0xb: {  	s1 =	smul.u32 $0xA00, s1;
	[dreg:$0x5] =	wrdreg s21;
	s21 =	simm.s32 $0x7  }
0xc: {  	s9 =	sadd.s32 s9, s0;
	s7 =	sadd.s32 s7, s8;
	s19 =	sadd.s32 s10, s2  }
0xd: {  	s8 =	simm.s32 $0x0;
	s7 =	sshrl.u32 s7, $0x3;
	s9 =	sadd.s32 $0x54A00, s9  }
0xe: {  	s22 =	sor.u32 $0x100, s1;
	s23 =	sadd.s32 s5, s1;
	s24 =	sadd.s32 s6, s1  }
0xf: {  	s16 =	sadd.s32 $0x200, s1;
	s1 =	simm.s32 $0x4;
	[dreg:$0x4] =	wrdreg s9  }
0x10: {  	s0 =	sadd.s32 s7, s0;
	s7 =	ssub.s32 s17, s18;
	[dreg:$0x6] =	wrdreg s23  }
0x11: {  	[dreg:$0x7] =	wrdreg s24;
	s25 =	sadd.s32 s5, s22;
	s9 =	sadd.s32 s6, s22  }
.Ltmp0:
0x12: {  	s17 =	sshrl.u32 s19, $0x3;
	s18 =	simm.s32 $0x9;
	(pc) =	sbr.rel .LBB2_1-.Ltmp0, $4  }
0x13: {  	s22 =	simm.s32 $0x40;
	s23 =	simm.s32 $0x2000;
	[dreg:$0x8] =	wrdreg s25  }
0x14: {  	s24 =	simm.s32 $0x4000;
	[dreg:$0x9] =	wrdreg s9;
	s0 =	sadd.s32 $0x7CA00, s0  }
0x15: {  	s19 =	simm.s32 $0x5;
	s26 =	smax.u32 s7, $0x1;
	[dreg:$0xa] =	wrdreg s0  }
0x16: {  	[dreg:$0xb] =	wrdreg s26;
	s26 =	simm.s32 $0x1;
	s0 =	simm.s32 $0x2  }
.LBB2_9:
0x17: {  	_ =	swait.ge [sflag:s20], $0x4000  }
0x18: {  	[sflag:s20] =	ssyncset.done $0x0  }
0x19: {  	[sflag:s20] =	ssyncadd.s32 $0xFFFFC000  }
.LBB2_7:
0x1a: {  	[bflag:$0x0] =	sbarrier.arrive $0xFFFF  }
0x1b: {  	s7 =	rddreg [dreg:$0x3]  }
0x1c: {  	s9 =	rddreg [dreg:$0xa];
	s7 =	sor.u32 $0x1C09, s7  }
0x1d: {  	[hbm:s9], [sflag:s7] =	dma.local [spmem:s17], $0x2800  }
0x1e: {  	_ =	swait.ge [sflag:s18], $0x2800  }
0x1f: {  	s8 =	sadd.s32 $0x1, s8;
	s25 =	rddreg [dreg:$0xb]  }
0x20: {  	p0 =	sne.s32 s8, s25  }
.Ltmp1:
0x21: {  	_ = 	snop;
	(pc) =	sbr.rel @!p0 .LBB2_8-.Ltmp1, $3  }
0x22: {  	_ =	sdelay $0x1  }
0x23: {  	[sflag:s18] =	ssyncset.done $0x0  }
0x24: {  	[sflag:s18] =	ssyncadd.s32 $0xFFFFD800  }
.LBB2_1:
0x25: {  	s7 =	rddreg [dreg:$0x4]  }
0x26: {  	s9 =	rddreg [dreg:$0x5]  }
0x27: {  	[spmem:s17], [sflag:s9] =	dma.local [hbm:s7], $0x2800  }
0x28: {  	s7 =	rddreg [dreg:$0x6]  }
0x29: {  	[tilespmem:s3], [sflag:$0x9] =	stream.linear.gather [hbm4b:s7+s3], $0x800, $0x38;
	[tilespmem:$0x1E000] =	vst v63  }
0x2a: {  	_ =	swait.ge [sflag:s18], $0x800  }
0x2b: {  	[sflag:s18] =	ssyncset.done $0x0  }
0x2c: {  	s11 =	simm.s32 $0x1000;
	s10 =	rddreg [dreg:$0x7];
	[sflag:s18] =	ssyncadd.s32 $0xFFFFF800  }
0x2d: {  	[tilespmem:s11], [sflag:$0x9] =	stream.linear.gather [hbm4b:s10+s3], $0x800, $0x38;
	[tilespmem:$0x1E000] =	vst v63  }
0x2e: {  	_ =	swait.ge [sflag:s18], $0x800  }
0x2f: {  	[sflag:s18] =	ssyncset.done $0x0  }
0x30: {  	s13 =	simm.s32 $0x800;
	s12 =	rddreg [dreg:$0x8];
	[sflag:s18] =	ssyncadd.s32 $0xFFFFF800  }
0x31: {  	[tilespmem:s13], [sflag:$0x7] =	stream.linear.gather [hbm4b:s12+s3], $0x800, $0x38;
	[tilespmem:$0x1E000] =	vst v63  }
0x32: {  	s15 =	simm.s32 $0x1800;
	s14 =	rddreg [dreg:$0x9]  }
0x33: {  	[tilespmem:s15], [sflag:$0x7] =	stream.linear.gather [hbm4b:s14+s3], $0x800, $0x38;
	[tilespmem:$0x1E000] =	vst v63  }
0x34: {  	_ = 	snop  }
0x35: {  	[tilespmem:s23], [sflag:$0x1] =	stream.indirect.gather [hbm4b:s4+s22], $0x80, s3, s22, $0xb8;
	[tilespmem:$0x1E000] =	vst v63  }
0x36: {  	s25 =	simm.s32 $0x8  }
0x37: {  	[tilespmem:s24], [sflag:$0x3] =	stream.indirect.gather [hbm4b:s4+s22], $0x80, s22, s22, $0xb8;
	[tilespmem:$0x1E000] =	vst v63  }
0x38: {  	_ =	swait.ge [sflag:s25], $0x2800  }
0x39: {  	[sflag:s25] =	ssyncset.done $0x0  }
0x3a: {  	[sflag:s25] =	ssyncadd.s32 $0xFFFFD800  }
0x3b: {  	p0 =	por $0x0, $0x0;
	s9 =	simm.s32 $0x0;
	[bflag:$0x0] =	sbarrier.arrive $0xFFFF  }
.LBB2_2:
0x3c: {  	_ =	swait.ge [sflag:s26], $0x2000  }
0x3d: {  	[sflag:s26] =	ssyncset.done $0x0  }
0x3e: {  	[sflag:s26] =	ssyncadd.s32 $0xFFFFE000  }
0x3f: {  	s7 =	sshll.u32 s9, $0xB;
	_ =	swait.ge [sflag:s28], $0x2000  }
0x40: {  	s11 =	sand.u32 $0x800, s7;
	[sflag:s28] =	ssyncset.done $0x0  }
0x41: {  	s10 =	sor.u32 $0x1000, s11;
	[sflag:s28] =	ssyncadd.s32 $0xFFFFE000  }
0x42: {  	[spmem:s2] =	stream.indirect.scatter.add.f32 [tilespmem:s23], [sflag:$0x5], $0x80, s10, s29, $0xb8;
	[tilespmem:$0x1E000] =	vst v63  }
0x43: {  	s7 =	sor.u32 $0x80, s11  }
0x44: {  	[tilespmem:s30], [sflag:$0x2] =	stream.indirect.gather [hbm4b:s4+s22], $0x80, s7, s22, $0xb8;
	[tilespmem:$0x1E000] =	vst v63  }
0x45: {  	s14 =	sor.u32 $0xC0, s11  }
0x46: {  	[tilespmem:s31], [sflag:$0x4] =	stream.indirect.gather [hbm4b:s4+s22], $0x80, s14, s22, $0xb8;
	[tilespmem:$0x1E000] =	vst v63  }
0x47: {  	_ =	swait.ge [sflag:s0], $0x2000  }
0x48: {  	[sflag:s0] =	ssyncset.done $0x0  }
0x49: {  	[sflag:s0] =	ssyncadd.s32 $0xFFFFE000  }
0x4a: {  	_ =	swait.ge [sflag:s1], $0x2000  }
0x4b: {  	[sflag:s1] =	ssyncset.done $0x0  }
0x4c: {  	s15 =	sor.u32 $0x1080, s11;
	[sflag:s1] =	ssyncadd.s32 $0xFFFFE000  }
0x4d: {  	[spmem:s2] =	stream.indirect.scatter.add.f32 [tilespmem:s30], [sflag:$0x6], $0x80, s15, s29, $0xb8;
	[tilespmem:$0x1E000] =	vst v63  }
0x4e: {  	s7 =	simm.s32 $0x1;
	_ =	swait.ge [sflag:s19], $0x4000  }
0x4f: {  	s7 =	simm.s32 @!p0 $0x0;
	[sflag:s19] =	ssyncset.done $0x0  }
0x50: {  	s12 =	sor.u32 $0x100, s11;
	s7 =	sshll.u32 s7, $0xB;
	[sflag:s19] =	ssyncadd.s32 $0xFFFFC000  }
0x51: {  	[tilespmem:s23], [sflag:$0x1] =	stream.indirect.gather [hbm4b:s4+s22], $0x80, s12, s22, $0xb8;
	[tilespmem:$0x1E000] =	vst v63  }
0x52: {  	s13 =	simm.s32 $0x0;
	s25 =	sor.u32 $0x140, s11;
	s12 =	sor.u32 $0x1000, s7  }
0x53: {  	[tilespmem:s24], [sflag:$0x3] =	stream.indirect.gather [hbm4b:s4+s22], $0x80, s25, s22, $0xb8;
	[tilespmem:$0x1E000] =	vst v63  }
.LBB2_3:
0x54: {  	_ =	swait.ge [sflag:s26], $0x2000  }
0x55: {  	[sflag:s26] =	ssyncset.done $0x0  }
0x56: {  	[sflag:s26] =	ssyncadd.s32 $0xFFFFE000  }
0x57: {  	s14 =	sshra.s32 s13, $0x2;
	_ =	swait.ge [sflag:s28], $0x2000  }
0x58: {  	s15 =	sadd.s32 s14, s12;
	[sflag:s28] =	ssyncset.done $0x0  }
0x59: {  	s25 =	sadd.s32 $0x100, s15;
	[sflag:s28] =	ssyncadd.s32 $0xFFFFE000  }
0x5a: {  	[spmem:s2] =	stream.indirect.scatter.add.f32 [tilespmem:s23], [sflag:$0x5], $0x80, s25, s29, $0xb8;
	[tilespmem:$0x1E000] =	vst v63  }
0x5b: {  	_ =	swait.ge [sflag:s20], $0x4000  }
0x5c: {  	s14 =	sadd.s32 s14, s7;
	[sflag:s20] =	ssyncset.done $0x0  }
0x5d: {  	s25 =	sadd.s32 $0x180, s14;
	[sflag:s20] =	ssyncadd.s32 $0xFFFFC000  }
0x5e: {  	[tilespmem:s30], [sflag:$0x2] =	stream.indirect.gather [hbm4b:s4+s22], $0x80, s25, s22, $0xb8;
	[tilespmem:$0x1E000] =	vst v63  }
0x5f: {  	s25 =	sadd.s32 $0x1C0, s14  }
0x60: {  	[tilespmem:s31], [sflag:$0x4] =	stream.indirect.gather [hbm4b:s4+s22], $0x80, s25, s22, $0xb8;
	[tilespmem:$0x1E000] =	vst v63  }
0x61: {  	_ =	swait.ge [sflag:s0], $0x2000  }
0x62: {  	[sflag:s0] =	ssyncset.done $0x0  }
0x63: {  	[sflag:s0] =	ssyncadd.s32 $0xFFFFE000  }
0x64: {  	_ =	swait.ge [sflag:s1], $0x2000  }
0x65: {  	p1 =	seq.s32 s13, $0x1800;
	[sflag:s1] =	ssyncset.done $0x0  }
.Ltmp2:
0x66: {  	s15 =	sadd.s32 $0x180, s15;
	[sflag:s1] =	ssyncadd.s32 $0xFFFFE000;
	(pc) =	sbr.rel @p1 .LBB2_5-.Ltmp2, $4  }
0x67: {  	[spmem:s2] =	stream.indirect.scatter.add.f32 [tilespmem:s30], [sflag:$0x6], $0x80, s15, s29, $0xb8;
	[tilespmem:$0x1E000] =	vst v63  }
0x68: {  	_ =	swait.ge [sflag:s19], $0x4000  }
0x69: {  	[sflag:s19] =	ssyncset.done $0x0  }
0x6a: {  	[sflag:s19] =	ssyncadd.s32 $0xFFFFC000  }
.Ltmp3:
0x6b: {  	(pc) =	sbr.rel .LBB2_3-.Ltmp3, $4  }
0x6c: {  	s15 =	sadd.s32 $0x200, s14  }
0x6d: {  	[tilespmem:s23], [sflag:$0x1] =	stream.indirect.gather [hbm4b:s4+s22], $0x80, s15, s22, $0xb8;
	[tilespmem:$0x1E000] =	vst v63  }
0x6e: {  	s25 =	sadd.s32 $0x240, s14;
	s13 =	sadd.s32 $0x400, s13  }
0x6f: {  	[tilespmem:s24], [sflag:$0x3] =	stream.indirect.gather [hbm4b:s4+s22], $0x80, s25, s22, $0xb8;
	[tilespmem:$0x1E000] =	vst v63  }
.LBB2_5:
0x70: {  	p1 =	seq.s32 s9, $0x9  }
.Ltmp4:
0x71: {  	_ = 	snop;
	(pc) =	sbr.rel @p1 .LBB2_9-.Ltmp4, $1  }
0x72: {  	_ =	sdelay $0x3  }
0x73: {  	_ =	swait.ge [sflag:s21], $0x800  }
0x74: {  	[sflag:s21] =	ssyncset.done $0x0  }
0x75: {  	[sflag:s21] =	ssyncadd.s32 $0xFFFFF800  }
0x76: {  	_ =	swait.ge [sflag:s21], $0x800  }
0x77: {  	[sflag:s21] =	ssyncset.done $0x0  }
0x78: {  	s7 =	ssub.s32 $0x800, s11;
	[sflag:s21] =	ssyncadd.s32 $0xFFFFF800  }
0x79: {  	[tilespmem:s23], [sflag:$0x1] =	stream.indirect.gather [hbm4b:s4+s22], $0x80, s7, s22, $0xb8;
	[tilespmem:$0x1E000] =	vst v63  }
0x7a: {  	s25 =	ssub.s32 $0x840, s11;
	p1 =	sgt.u32 s9, $0x7  }
0x7b: {  	[tilespmem:s24], [sflag:$0x3] =	stream.indirect.gather [hbm4b:s4+s22], $0x80, s25, s22, $0xb8;
	[tilespmem:$0x1E000] =	vst v63  }
0x7c: {  	s7 =	sshll.u32 @!p1 s9, $0x8;
	_ =	swait.ge [sflag:s20], $0x4000  }
0x7d: {  	s7 =	sadd.s32 @!p1 s16, s7;
	[sflag:s20] =	ssyncset.done $0x0  }
0x7e: {  	s13 =	simm.s32 @!p1 $0x0;
	s12 =	sadd.s32 @!p1 s5, s7;
	[sflag:s20] =	ssyncadd.s32 $0xFFFFC000  }
0x7f: {  	[tilespmem:s11], [sflag:$0x7] =	stream.linear.gather @!p1 [hbm4b:s12+s13], $0x800, $0x38;
	[tilespmem:$0x1E000] =	vst v63  }
0x80: {  	s9 =	sadd.s32 $0x1, s9;
	s7 =	sadd.s32 @!p1 s6, s7  }
0x81: {  	[tilespmem:s10], [sflag:$0x7] =	stream.linear.gather @!p1 [hbm4b:s7+s13], $0x800, $0x38;
	[tilespmem:$0x1E000] =	vst v63  }
0x82: {  	p1 =	sne.s32 s9, $0xA  }
.Ltmp5:
0x83: {  	_ = 	snop;
	(pc) =	sbr.rel @p1 .LBB2_2-.Ltmp5, $4  }
.Ltmp6:
0x84: {  	_ = 	snop;
	(pc) =	sbr.rel @!p1 .LBB2_7-.Ltmp6, $4  }
0x85: {  	_ = 	snop  }
0x86: {  	_ = 	snop  }
0x87: {  	p0 =	por !p0, !p0  }
0x88: {  	_ = 	snop  }
.LBB2_8:
0x89: {  	_ =	sfence.sel $0x180000  }
0x8a: {  	[bflag:$0x0] =	sbarrier.arrive $0xFFFF  }
0x8b: {  	_ =	strace $0x9000004D  }
0x8c: {  	s0 =	stileid.u32;
	[bflag:$0x2] =	sbarrier.arrive $0xFFFF  }
0x8d: {  	p0 =	sne.s32 s0, $0x0;
	s0 =	rddreg [dreg:$0x2]  }
0x8e: {  	s0 =	sadd.s32 @!p0 $0x100000, s0  }
0x8f: {  	[sflag:s0] =	ssyncadd.tile.s32 @!p0 $0x1;
	_ =	shalt  }
.Lfunc_end2:
_tile_overlayer_lowered:
.L_overlay_start_2:
0x90: {  	(tag) =	ssettag $0x2  }
0x91: {  	s0 =	rddreg [dreg:$0x0];
	s2 =	stileid.u32  }
0x92: {  	s1 =	rddreg [dreg:$0x1];
	p0 =	sne.s32 s2, $0x0  }
0x93: {  	s3 =	rddreg [dreg:$0x2];
	[bflag:$0x3] =	sbarrier.arrive $0xFFFF;
	s2 =	simm.s32 @!p0 $0x1C09  }
0x94: {  	[timem:s3], [sflag:s2] =	dma.local @!p0 [hbm:s0], s1  }
0x95: {  	s0 =	simm.s32 @!p0 $0x9  }
0x96: {  	_ =	swait.ge @!p0 [sflag:s0], s1  }
0x97: {  	s1 =	ssub.s32 @!p0 $0x0, s1;
	[sflag:s0] =	ssyncset.done @!p0 $0x0  }
0x98: {  	[sflag:s0] =	ssyncadd.s32 @!p0 s1  }
0x99: {  	[bflag:$0x3] =	sbarrier.arrive $0xFFFF  }
0x9a: {  	_ =	shalt  }

// kernel: kernel.19.cloned.1.call-start
scs
__scs_entry_jumppad:
0x0: {  	(pc) =	sbr.rel $0x88, $3  }
0x1: {  	(tag) =	ssettag $0x0;
	lr =	simm.s32 $0x1  }
0x2: {  	[smem:$0x3F8F] =	sst lr;
	_ =	strace $0xD0000000  }
0x3: {  	_ = 	snop  }
0x4: {  	_ = 	snop  }
0x5: {  	_ = 	snop  }
0x6: {  	_ = 	snop  }
0x7: {  	_ = 	snop  }
__scs_overlays_trampoline_lowered:
0x8: {  	[smem:$0x3F9E] =	sst s0  }
0x9: {  	[smem:$0x3F9F] =	sst s1  }
0xa: {  	[smem:$0x3FA0] =	sst s2  }
0xb: {  	[smem:$0x3FA1] =	sst s3  }
0xc: {  	[smem:$0x3FA2] =	sst s4  }
0xd: {  	[smem:$0x3FA3] =	sst s5  }
0xe: {  	[smem:$0x3FA4] =	sst s6  }
0xf: {  	[smem:$0x3FA5] =	sst s7  }
0x10: {  	[smem:$0x3FA6] =	sst s8  }
0x11: {  	[smem:$0x3FA7] =	sst s9;
	s0 =	simm.s32 @!p0 $0x0  }
0x12: {  	s1 =	sld [smem:$0x3F8D];
	s0 =	simm.s32 @p0 $0x1  }
0x13: {  	[smem:$0x3FA8] =	sst s0;
	s0 =	simm.s32 @!p1 $0x0  }
0x14: {  	s2 =	sld [smem:$0x3F8C];
	s0 =	simm.s32 @p1 $0x1  }
0x15: {  	[smem:$0x3FA9] =	sst s0;
	s0 =	simm.s32 @!p2 $0x0  }
0x16: {  	s3 =	sld [smem:$0x3FDB];
	s0 =	simm.s32 @p2 $0x1  }
0x17: {  	s4 =	simm.s32 $0x1BF5;
	[smem:$0x3FAB] =	sst s0  }
0x18: {  	s0 =	sld [smem:$0x3F8E];
	_ =	swait.ge [sflag:s4], $0x0  }
0x19: {  	s7 =	sld [smem:$0x3F8F]  }
0x1a: {  	s8 =	sadd.s32 $0xFFFFE003, lr  }
0x1b: {  	s9 =	sadd.s32 $0xFFFFFEF7, lr;
	s5 =	simm.s32 $0xFFFFFFFF;
	p2 =	slt.u32 s8, $0xFFFFF086  }
0x1c: {  	p1 =	slt.u32 s9, $0xF7A;
	s5 =	simm.s32 @!p2 $0x0  }
0x1d: {  	s5 =	simm.s32 @p1 $0x1;
	p0 =	seq.s32 s7, s2  }
0x1e: {  	s7 =	smul.u32 @!p0 $0xF7A, s2;
	p2 =	seq.s32 @!p0 s5, $0x0  }
0x1f: {  	s9 =	smul.u32 $0xF7A, s1;
	s8 =	simm.s32 @!p0 $0x1BF5;
	p2 =	por !p2, p0  }
0x20: {  	[sflag:s8] =	ssyncset.s32 @!p0 $0xFFFFF086;
	s6 =	sadd.s32 @!p0 s3, s7;
	s7 =	simm.s32 @!p0 $0x108  }
0x21: {  	s3 =	sadd.s32 s3, s9;
	s6 =	sadd.s32 @!p0 $0x88, s6;
	s7 =	simm.s32 @p2 $0x1082  }
0x22: {  	[simem:s7], [sflag:s8] =	dma.local @!p0 [hbm:s6], $0xF7A  }
0x23: {  	s9 =	sor.u32 $0xD0000000, s2;
	s6 =	simm.s32 $0x108;
	_ =	swait.ge @!p0 [sflag:s8], $0x0  }
0x24: {  	s3 =	sadd.s32 $0x88, s3;
	s6 =	simm.s32 @!p1 $0x1082;
	[sflag:s4] =	ssyncset.s32 $0xFFFFF086  }
0x25: {  	[simem:s6], [sflag:s4] =	dma.local [hbm:s3], $0xF7A  }
0x26: {  	[smem:$0x3F8F] =	sst s1;
	(tag) =	ssettag s2;
	_ =	strace s9  }
0x27: {  	s1 =	sld [smem:$0x3F9F]  }
0x28: {  	s2 =	sld [smem:$0x3FA0]  }
0x29: {  	s4 =	sld [smem:$0x3FA2]  }
0x2a: {  	p0 =	seq.s32 s5, $0x0;
	s5 =	sld [smem:$0x3FA3]  }
0x2b: {  	s6 =	sld [smem:$0x3FA4]  }
0x2c: {  	s7 =	sld [smem:$0x3FA5]  }
0x2d: {  	s3 =	simm.s32 $0x108;
	s8 =	sld [smem:$0x3FA6]  }
0x2e: {  	s3 =	simm.s32 @!p0 $0x1082;
	s9 =	sld [smem:$0x3FA7]  }
0x2f: {  	lr =	sadd.s32 s0, s3;
	s0 =	sld [smem:$0x3F9E]  }
0x30: {  	s3 =	sld [smem:$0x3FA1]  }
0x31: {  	[smem:$0x3FAA] =	sst s10  }
0x32: {  	s10 =	sld [smem:$0x3FA8];
	_ =	sdelay $0x3  }
0x33: {  	p0 =	seq.s32 s10, $0x1;
	s10 =	sld [smem:$0x3FAA];
	_ =	sdelay $0x3  }
0x34: {  	[smem:$0x3FAA] =	sst s10  }
0x35: {  	s10 =	sld [smem:$0x3FA9];
	_ =	sdelay $0x3  }
0x36: {  	p1 =	seq.s32 s10, $0x1;
	s10 =	sld [smem:$0x3FAA];
	_ =	sdelay $0x3  }
0x37: {  	[smem:$0x3FAA] =	sst s10  }
0x38: {  	s10 =	sld [smem:$0x3FAB]  }
0x39: {  	_ = 	snop;
	(pc) =	sbr.ind lr, $3  }
0x3a: {  	_ = 	snop  }
0x3b: {  	_ = 	snop  }
0x3c: {  	p2 =	seq.s32 s10, $0x1;
	s10 =	sld [smem:$0x3FAA]  }
0x3d: {  	_ =	shalt  }
0x3e: {  	_ =	shalt  }
0x3f: {  	_ =	shalt  }
0x40: {  	_ =	shalt  }
0x41: {  	_ =	shalt  }
0x42: {  	_ =	shalt  }
0x43: {  	_ =	shalt  }
0x44: {  	_ =	shalt  }
0x45: {  	_ =	shalt  }
0x46: {  	_ =	shalt  }
0x47: {  	_ =	shalt  }
0x48: {  	_ =	shalt  }
0x49: {  	_ =	shalt  }
0x4a: {  	_ =	shalt  }
0x4b: {  	_ =	shalt  }
0x4c: {  	_ =	shalt  }
0x4d: {  	_ =	shalt  }
0x4e: {  	_ =	shalt  }
0x4f: {  	_ =	shalt  }
0x50: {  	_ =	shalt  }
0x51: {  	_ =	shalt  }
0x52: {  	_ =	shalt  }
0x53: {  	_ =	shalt  }
0x54: {  	_ =	shalt  }
0x55: {  	_ =	shalt  }
0x56: {  	_ =	shalt  }
0x57: {  	_ =	shalt  }
0x58: {  	_ =	shalt  }
0x59: {  	_ =	shalt  }
0x5a: {  	_ =	shalt  }
0x5b: {  	_ =	shalt  }
0x5c: {  	_ =	shalt  }
0x5d: {  	_ =	shalt  }
0x5e: {  	_ =	shalt  }
0x5f: {  	_ =	shalt  }
0x60: {  	_ =	shalt  }
0x61: {  	_ =	shalt  }
0x62: {  	_ =	shalt  }
0x63: {  	_ =	shalt  }
0x64: {  	_ =	shalt  }
0x65: {  	_ =	shalt  }
0x66: {  	_ =	shalt  }
0x67: {  	_ =	shalt  }
0x68: {  	_ =	shalt  }
0x69: {  	_ =	shalt  }
0x6a: {  	_ =	shalt  }
0x6b: {  	_ =	shalt  }
0x6c: {  	_ =	shalt  }
0x6d: {  	_ =	shalt  }
0x6e: {  	_ =	shalt  }
0x6f: {  	_ =	shalt  }
0x70: {  	_ =	shalt  }
0x71: {  	_ =	shalt  }
0x72: {  	_ =	shalt  }
0x73: {  	_ =	shalt  }
0x74: {  	_ =	shalt  }
0x75: {  	_ =	shalt  }
0x76: {  	_ =	shalt  }
0x77: {  	_ =	shalt  }
0x78: {  	_ =	shalt  }
0x79: {  	_ =	shalt  }
0x7a: {  	_ =	shalt  }
0x7b: {  	_ =	shalt  }
0x7c: {  	_ =	shalt  }
0x7d: {  	_ =	shalt  }
0x7e: {  	_ =	shalt  }
0x7f: {  	_ =	shalt  }
0x80: {  	_ =	shalt  }
0x81: {  	_ =	shalt  }
0x82: {  	_ =	shalt  }
0x83: {  	_ =	shalt  }
0x84: {  	_ =	shalt  }
0x85: {  	_ =	shalt  }
0x86: {  	_ =	shalt  }
0x87: {  	_ =	shalt  }
.Lfunc_end0:
.L_simem_size_0:
called_computation.3_lowered:
.L_overlay_start_0:
0x88: {  	s2 =	sld [smem:$0x3FD9]  }
0x89: {  	s3 =	sld [smem:$0x3FFE];
	_ =	sdelay $0x1  }
0x8a: {  	s1 =	srdreg.scid  }
0x8b: {  	s0 =	sand.u32 $0x1, s1  }
0x8c: {  	s16 =	sshll.u32 s0, $0xA;
	s2 =	sadd.s32 s3, s2  }
0x8d: {  	s2 =	sadd.s32 s2, s16  }
0x8e: {  	[smem:$0x3FB6] =	sst s2  }
0x8f: {  	_ = 	snop  }
0x90: {  	(tm) =	ssettm $0x1  }
0x91: {  	s17 =	sld [smem:$0x3FFB];
	_ =	sdelay $0x3  }
0x92: {  	_ =	strace s17  }
0x93: {  	s2 =	sld [smem:$0x3FFC];
	_ =	sdelay $0x3  }
0x94: {  	_ =	strace s2  }
0x95: {  	s2 =	sld [smem:$0x3FFD];
	_ =	sdelay $0x3  }
0x96: {  	_ =	strace s2  }
0x97: {  	_ =	strace $0x8FFFFFFF  }
0x98: {  	s18 =	sld [smem:$0x3FDB];
	_ =	sdelay $0x1  }
0x99: {  	s19 =	simm.s32 $_scs_section_size  }
0x9a: {  	s4 =	simm.s32 $_size__tile_overlayer_lowered;
	s5 =	simm.s32 $_tile_overlayer_lowered  }
0x9b: {  	s22 =	simm.s32 $0x1BFF;
	s21 =	sshll.u32 s5, $0x1;
	s2 =	sadd.s32 s19, s18  }
0x9c: {  	s6 =	simm.s32 $0x0;
	s20 =	sshll.u32 s4, $0x1;
	s4 =	sadd.s32 s21, s2  }
0x9d: {  	[timem:s6], [sflag:s22] =	dma.local [hbm:s4], s20  }
0x9e: {  	_ =	swait.ge [sflag:s22], s20  }
0x9f: {  	s3 =	ssub.s32 $0x0, s20;
	[sflag:s22] =	ssyncset.done $0x0  }
0xa0: {  	[sflag:s22] =	ssyncadd.s32 s3;
	_ =	sdelay $0x1  }
0xa1: {  	s23 =	simm.s32 $0x1B8B  }
0xa2: {  	_ =	swait.ge [sflag:s23], $0x1  }
0xa3: {  	[sflag:s23] =	ssyncset.done $0x0  }
0xa4: {  	s25 =	simm.s32 $0x1B8E;
	s24 =	sld [smem:$0x3FFE];
	[sflag:s23] =	ssyncadd.s32 $0xFFFFFFFF  }
0xa5: {  	s26 =	simm.s32 $execute0_lowered;
	[smem:$0x3FD2] =	sst s25  }
0xa6: {  	s4 =	sshll.u32 s26, $0x1;
	_ =	strace $0x8000004F;
	[dreg:$0x1] =	wrdreg $0xFFFFFFFF  }
0xa7: {  	s28 =	simm.s32 $_size_execute0_lowered;
	s2 =	sadd.s32 s2, s4;
	[dreg:$0x0] =	wrdreg $0x0  }
0xa8: {  	s4 =	sshll.u32 s28, $0x1;
	[dreg:$0x2] =	wrdreg s2  }
0xa9: {  	[dreg:$0x3] =	wrdreg s4  }
0xaa: {  	[dreg:$0x4] =	wrdreg $0xC0  }
0xab: {  	_ =	task [dreg:s6], $0x5FFFF  }
0xac: {  	[dreg:$0x1] =	wrdreg $0xFFFFFFFF  }
0xad: {  	[dreg:$0x0] =	wrdreg $0x60  }
0xae: {  	[dreg:$0x2] =	wrdreg s24  }
0xaf: {  	[dreg:$0x3] =	wrdreg $0xA0000  }
0xb0: {  	[dreg:$0x4] =	wrdreg $0x9  }
0xb1: {  	_ =	task.clear_ibuf [dreg:s6], $0x5FFFF;
	_ =	strace $0x9000004F  }
0xb2: {  	s29 =	simm.s32 $0x9;
	_ =	strace $0x80000051  }
0xb3: {  	_ =	swait.ge [sflag:s29], $0x1  }
0xb4: {  	[sflag:s29] =	ssyncadd.s32 $0xFFFFFFFF  }
0xb5: {  	_ =	strace $0x90000051  }
0xb6: {  	_ =	sfence  }
0xb7: {  	s30 =	sld [smem:$0x0];
	_ =	sdelay $0x2  }
0xb8: {  	s31 =	sshll.u32 s1, $0xD;
	s1 =	sshrl.u32 s1, $0x2  }
0xb9: {  	s3 =	sand.u32 $0x4000, s31;
	s1 =	sadd.s32 s1, s30  }
0xba: {  	s0 =	sor.u32 s3, s0;
	s1 =	sshll.u32 s1, $0x11  }
0xbb: {  	s0 =	sor.u32 s1, s0  }
0xbc: {  	s0 =	sadd.s32 $0x8F2B, s0  }
0xbd: {  	[sflag:s0] =	ssyncadd.remote.s32 $0x1  }
0xbe: {  	_ =	sfence.sel $0xFFFF  }
0xbf: {  	[dreg:$0x0] =	wrdreg $0xFFFFFFFF;
	(pc) =	sbr.abs _section_cstart, $3  }
0xc0: {  	[dreg:$0x1] =	wrdreg $0xFFFFFFFF  }
0xc1: {  	_ =	task.clear_ibuf [dreg:s6], $0x2FFFF;
	_ =	strace $0x9FFFFFFF  }
0xc2: {  	(tm) =	ssettm $0x7FFFFFFF  }
0xc3: {  	_ =	shalt  }
tec
execute0_lowered:
.L_overlay_start_1:
0x0: {  	(tag) =	ssettag $0x1  }
0x1: {  	s0 =	rddreg [dreg:$0x0]  }
0x2: {  	s2 =	rddreg [dreg:$0x1];
	s3 =	simm.s32 $0x0;
	s11 =	stileid.u32  }
0x3: {  	s1 =	srdreg.scid;
	s28 =	simm.s32 $0x3;
	s29 =	simm.s32 $0x80  }
0x4: {  	s30 =	simm.s32 $0x6000;
	s31 =	simm.s32 $0x8000;
	[smem:$0x7FF] =	sst s3  }
0x5: {  	s7 =	smul.u32 $0x14000, s11;
	s1 =	sand.u32 $0x1, s1;
	s4 =	sadd.s32 $0x2CA00, s0  }
0x6: {  	s5 =	sadd.s32 $0x4A00, s0;
	s6 =	sadd.s32 $0x18A00, s0;
	s16 =	sshll.u32 s11, $0x1  }
0x7: {  	s10 =	smul.u32 $0x50000, s11;
	s20 =	sshll.u32 s11, $0x6;
	_ =	strace $0x80000050  }
0x8: {  	s8 =	smul.u32 $0x140000, s1;
	s17 =	ssub.s32 $0x2, s1;
	s1 =	sor.u32 s1, s16  }
0x9: {  	[dreg:$0x3] =	wrdreg s20;
	s21 =	sor.u32 $0x1C08, s20;
	s20 =	simm.s32 $0x6  }
0xa: {  	s9 =	sshrl.u32 s7, $0x3;
	s18 =	sshrl.u32 s17, $0x1;
	s10 =	sshrl.u32 s10, $0x2  }
0xb: {  	s1 =	smul.u32 $0xA00, s1;
	[dreg:$0x5] =	wrdreg s21;
	s21 =	simm.s32 $0x7  }
0xc: {  	s9 =	sadd.s32 s9, s0;
	s7 =	sadd.s32 s7, s8;
	s19 =	sadd.s32 s10, s2  }
0xd: {  	s8 =	simm.s32 $0x0;
	s7 =	sshrl.u32 s7, $0x3;
	s9 =	sadd.s32 $0x54A00, s9  }
0xe: {  	s22 =	sor.u32 $0x100, s1;
	s23 =	sadd.s32 s5, s1;
	s24 =	sadd.s32 s6, s1  }
0xf: {  	s16 =	sadd.s32 $0x200, s1;
	s1 =	simm.s32 $0x4;
	[dreg:$0x4] =	wrdreg s9  }
0x10: {  	s0 =	sadd.s32 s7, s0;
	s7 =	ssub.s32 s17, s18;
	[dreg:$0x6] =	wrdreg s23  }
0x11: {  	[dreg:$0x7] =	wrdreg s24;
	s25 =	sadd.s32 s5, s22;
	s9 =	sadd.s32 s6, s22  }
.Ltmp0:
0x12: {  	s17 =	sshrl.u32 s19, $0x3;
	s18 =	simm.s32 $0x9;
	(pc) =	sbr.rel .LBB2_1-.Ltmp0, $4  }
0x13: {  	s22 =	simm.s32 $0x40;
	s23 =	simm.s32 $0x2000;
	[dreg:$0x8] =	wrdreg s25  }
0x14: {  	s24 =	simm.s32 $0x4000;
	[dreg:$0x9] =	wrdreg s9;
	s0 =	sadd.s32 $0xA4A00, s0  }
0x15: {  	s19 =	simm.s32 $0x5;
	s26 =	smax.u32 s7, $0x1;
	[dreg:$0xa] =	wrdreg s0  }
0x16: {  	[dreg:$0xb] =	wrdreg s26;
	s26 =	simm.s32 $0x1;
	s0 =	simm.s32 $0x2  }
.LBB2_9:
0x17: {  	_ =	swait.ge [sflag:s20], $0x4000  }
0x18: {  	[sflag:s20] =	ssyncset.done $0x0  }
0x19: {  	[sflag:s20] =	ssyncadd.s32 $0xFFFFC000  }
.LBB2_7:
0x1a: {  	[bflag:$0x0] =	sbarrier.arrive $0xFFFF  }
0x1b: {  	s7 =	rddreg [dreg:$0x3]  }
0x1c: {  	s9 =	rddreg [dreg:$0xa];
	s7 =	sor.u32 $0x1C09, s7  }
0x1d: {  	[hbm:s9], [sflag:s7] =	dma.local [spmem:s17], $0x2800  }
0x1e: {  	_ =	swait.ge [sflag:s18], $0x2800  }
0x1f: {  	s8 =	sadd.s32 $0x1, s8;
	s25 =	rddreg [dreg:$0xb]  }
0x20: {  	p0 =	sne.s32 s8, s25  }
.Ltmp1:
0x21: {  	_ = 	snop;
	(pc) =	sbr.rel @!p0 .LBB2_8-.Ltmp1, $3  }
0x22: {  	_ =	sdelay $0x1  }
0x23: {  	[sflag:s18] =	ssyncset.done $0x0  }
0x24: {  	[sflag:s18] =	ssyncadd.s32 $0xFFFFD800  }
.LBB2_1:
0x25: {  	s7 =	rddreg [dreg:$0x4]  }
0x26: {  	s9 =	rddreg [dreg:$0x5]  }
0x27: {  	[spmem:s17], [sflag:s9] =	dma.local [hbm:s7], $0x2800  }
0x28: {  	s7 =	rddreg [dreg:$0x6]  }
0x29: {  	[tilespmem:s3], [sflag:$0x9] =	stream.linear.gather [hbm4b:s7+s3], $0x800, $0x38;
	[tilespmem:$0x1E000] =	vst v63  }
0x2a: {  	_ =	swait.ge [sflag:s18], $0x800  }
0x2b: {  	[sflag:s18] =	ssyncset.done $0x0  }
0x2c: {  	s11 =	simm.s32 $0x1000;
	s10 =	rddreg [dreg:$0x7];
	[sflag:s18] =	ssyncadd.s32 $0xFFFFF800  }
0x2d: {  	[tilespmem:s11], [sflag:$0x9] =	stream.linear.gather [hbm4b:s10+s3], $0x800, $0x38;
	[tilespmem:$0x1E000] =	vst v63  }
0x2e: {  	_ =	swait.ge [sflag:s18], $0x800  }
0x2f: {  	[sflag:s18] =	ssyncset.done $0x0  }
0x30: {  	s13 =	simm.s32 $0x800;
	s12 =	rddreg [dreg:$0x8];
	[sflag:s18] =	ssyncadd.s32 $0xFFFFF800  }
0x31: {  	[tilespmem:s13], [sflag:$0x7] =	stream.linear.gather [hbm4b:s12+s3], $0x800, $0x38;
	[tilespmem:$0x1E000] =	vst v63  }
0x32: {  	s15 =	simm.s32 $0x1800;
	s14 =	rddreg [dreg:$0x9]  }
0x33: {  	[tilespmem:s15], [sflag:$0x7] =	stream.linear.gather [hbm4b:s14+s3], $0x800, $0x38;
	[tilespmem:$0x1E000] =	vst v63  }
0x34: {  	_ = 	snop  }
0x35: {  	[tilespmem:s23], [sflag:$0x1] =	stream.indirect.gather [hbm4b:s4+s22], $0x80, s3, s22, $0xb8;
	[tilespmem:$0x1E000] =	vst v63  }
0x36: {  	s25 =	simm.s32 $0x8  }
0x37: {  	[tilespmem:s24], [sflag:$0x3] =	stream.indirect.gather [hbm4b:s4+s22], $0x80, s22, s22, $0xb8;
	[tilespmem:$0x1E000] =	vst v63  }
0x38: {  	_ =	swait.ge [sflag:s25], $0x2800  }
0x39: {  	[sflag:s25] =	ssyncset.done $0x0  }
0x3a: {  	[sflag:s25] =	ssyncadd.s32 $0xFFFFD800  }
0x3b: {  	p0 =	por $0x0, $0x0;
	s9 =	simm.s32 $0x0;
	[bflag:$0x0] =	sbarrier.arrive $0xFFFF  }
.LBB2_2:
0x3c: {  	_ =	swait.ge [sflag:s26], $0x2000  }
0x3d: {  	[sflag:s26] =	ssyncset.done $0x0  }
0x3e: {  	[sflag:s26] =	ssyncadd.s32 $0xFFFFE000  }
0x3f: {  	s7 =	sshll.u32 s9, $0xB;
	_ =	swait.ge [sflag:s28], $0x2000  }
0x40: {  	s11 =	sand.u32 $0x800, s7;
	[sflag:s28] =	ssyncset.done $0x0  }
0x41: {  	s10 =	sor.u32 $0x1000, s11;
	[sflag:s28] =	ssyncadd.s32 $0xFFFFE000  }
0x42: {  	[spmem:s2] =	stream.indirect.scatter.add.f32 [tilespmem:s23], [sflag:$0x5], $0x80, s10, s29, $0xb8;
	[tilespmem:$0x1E000] =	vst v63  }
0x43: {  	s7 =	sor.u32 $0x80, s11  }
0x44: {  	[tilespmem:s30], [sflag:$0x2] =	stream.indirect.gather [hbm4b:s4+s22], $0x80, s7, s22, $0xb8;
	[tilespmem:$0x1E000] =	vst v63  }
0x45: {  	s14 =	sor.u32 $0xC0, s11  }
0x46: {  	[tilespmem:s31], [sflag:$0x4] =	stream.indirect.gather [hbm4b:s4+s22], $0x80, s14, s22, $0xb8;
	[tilespmem:$0x1E000] =	vst v63  }
0x47: {  	_ =	swait.ge [sflag:s0], $0x2000  }
0x48: {  	[sflag:s0] =	ssyncset.done $0x0  }
0x49: {  	[sflag:s0] =	ssyncadd.s32 $0xFFFFE000  }
0x4a: {  	_ =	swait.ge [sflag:s1], $0x2000  }
0x4b: {  	[sflag:s1] =	ssyncset.done $0x0  }
0x4c: {  	s15 =	sor.u32 $0x1080, s11;
	[sflag:s1] =	ssyncadd.s32 $0xFFFFE000  }
0x4d: {  	[spmem:s2] =	stream.indirect.scatter.add.f32 [tilespmem:s30], [sflag:$0x6], $0x80, s15, s29, $0xb8;
	[tilespmem:$0x1E000] =	vst v63  }
0x4e: {  	s7 =	simm.s32 $0x1;
	_ =	swait.ge [sflag:s19], $0x4000  }
0x4f: {  	s7 =	simm.s32 @!p0 $0x0;
	[sflag:s19] =	ssyncset.done $0x0  }
0x50: {  	s12 =	sor.u32 $0x100, s11;
	s7 =	sshll.u32 s7, $0xB;
	[sflag:s19] =	ssyncadd.s32 $0xFFFFC000  }
0x51: {  	[tilespmem:s23], [sflag:$0x1] =	stream.indirect.gather [hbm4b:s4+s22], $0x80, s12, s22, $0xb8;
	[tilespmem:$0x1E000] =	vst v63  }
0x52: {  	s13 =	simm.s32 $0x0;
	s25 =	sor.u32 $0x140, s11;
	s12 =	sor.u32 $0x1000, s7  }
0x53: {  	[tilespmem:s24], [sflag:$0x3] =	stream.indirect.gather [hbm4b:s4+s22], $0x80, s25, s22, $0xb8;
	[tilespmem:$0x1E000] =	vst v63  }
.LBB2_3:
0x54: {  	_ =	swait.ge [sflag:s26], $0x2000  }
0x55: {  	[sflag:s26] =	ssyncset.done $0x0  }
0x56: {  	[sflag:s26] =	ssyncadd.s32 $0xFFFFE000  }
0x57: {  	s14 =	sshra.s32 s13, $0x2;
	_ =	swait.ge [sflag:s28], $0x2000  }
0x58: {  	s15 =	sadd.s32 s14, s12;
	[sflag:s28] =	ssyncset.done $0x0  }
0x59: {  	s25 =	sadd.s32 $0x100, s15;
	[sflag:s28] =	ssyncadd.s32 $0xFFFFE000  }
0x5a: {  	[spmem:s2] =	stream.indirect.scatter.add.f32 [tilespmem:s23], [sflag:$0x5], $0x80, s25, s29, $0xb8;
	[tilespmem:$0x1E000] =	vst v63  }
0x5b: {  	_ =	swait.ge [sflag:s20], $0x4000  }
0x5c: {  	s14 =	sadd.s32 s14, s7;
	[sflag:s20] =	ssyncset.done $0x0  }
0x5d: {  	s25 =	sadd.s32 $0x180, s14;
	[sflag:s20] =	ssyncadd.s32 $0xFFFFC000  }
0x5e: {  	[tilespmem:s30], [sflag:$0x2] =	stream.indirect.gather [hbm4b:s4+s22], $0x80, s25, s22, $0xb8;
	[tilespmem:$0x1E000] =	vst v63  }
0x5f: {  	s25 =	sadd.s32 $0x1C0, s14  }
0x60: {  	[tilespmem:s31], [sflag:$0x4] =	stream.indirect.gather [hbm4b:s4+s22], $0x80, s25, s22, $0xb8;
	[tilespmem:$0x1E000] =	vst v63  }
0x61: {  	_ =	swait.ge [sflag:s0], $0x2000  }
0x62: {  	[sflag:s0] =	ssyncset.done $0x0  }
0x63: {  	[sflag:s0] =	ssyncadd.s32 $0xFFFFE000  }
0x64: {  	_ =	swait.ge [sflag:s1], $0x2000  }
0x65: {  	p1 =	seq.s32 s13, $0x1800;
	[sflag:s1] =	ssyncset.done $0x0  }
.Ltmp2:
0x66: {  	s15 =	sadd.s32 $0x180, s15;
	[sflag:s1] =	ssyncadd.s32 $0xFFFFE000;
	(pc) =	sbr.rel @p1 .LBB2_5-.Ltmp2, $4  }
0x67: {  	[spmem:s2] =	stream.indirect.scatter.add.f32 [tilespmem:s30], [sflag:$0x6], $0x80, s15, s29, $0xb8;
	[tilespmem:$0x1E000] =	vst v63  }
0x68: {  	_ =	swait.ge [sflag:s19], $0x4000  }
0x69: {  	[sflag:s19] =	ssyncset.done $0x0  }
0x6a: {  	[sflag:s19] =	ssyncadd.s32 $0xFFFFC000  }
.Ltmp3:
0x6b: {  	(pc) =	sbr.rel .LBB2_3-.Ltmp3, $4  }
0x6c: {  	s15 =	sadd.s32 $0x200, s14  }
0x6d: {  	[tilespmem:s23], [sflag:$0x1] =	stream.indirect.gather [hbm4b:s4+s22], $0x80, s15, s22, $0xb8;
	[tilespmem:$0x1E000] =	vst v63  }
0x6e: {  	s25 =	sadd.s32 $0x240, s14;
	s13 =	sadd.s32 $0x400, s13  }
0x6f: {  	[tilespmem:s24], [sflag:$0x3] =	stream.indirect.gather [hbm4b:s4+s22], $0x80, s25, s22, $0xb8;
	[tilespmem:$0x1E000] =	vst v63  }
.LBB2_5:
0x70: {  	p1 =	seq.s32 s9, $0x9  }
.Ltmp4:
0x71: {  	_ = 	snop;
	(pc) =	sbr.rel @p1 .LBB2_9-.Ltmp4, $1  }
0x72: {  	_ =	sdelay $0x3  }
0x73: {  	_ =	swait.ge [sflag:s21], $0x800  }
0x74: {  	[sflag:s21] =	ssyncset.done $0x0  }
0x75: {  	[sflag:s21] =	ssyncadd.s32 $0xFFFFF800  }
0x76: {  	_ =	swait.ge [sflag:s21], $0x800  }
0x77: {  	[sflag:s21] =	ssyncset.done $0x0  }
0x78: {  	s7 =	ssub.s32 $0x800, s11;
	[sflag:s21] =	ssyncadd.s32 $0xFFFFF800  }
0x79: {  	[tilespmem:s23], [sflag:$0x1] =	stream.indirect.gather [hbm4b:s4+s22], $0x80, s7, s22, $0xb8;
	[tilespmem:$0x1E000] =	vst v63  }
0x7a: {  	s25 =	ssub.s32 $0x840, s11;
	p1 =	sgt.u32 s9, $0x7  }
0x7b: {  	[tilespmem:s24], [sflag:$0x3] =	stream.indirect.gather [hbm4b:s4+s22], $0x80, s25, s22, $0xb8;
	[tilespmem:$0x1E000] =	vst v63  }
0x7c: {  	s7 =	sshll.u32 @!p1 s9, $0x8;
	_ =	swait.ge [sflag:s20], $0x4000  }
0x7d: {  	s7 =	sadd.s32 @!p1 s16, s7;
	[sflag:s20] =	ssyncset.done $0x0  }
0x7e: {  	s13 =	simm.s32 @!p1 $0x0;
	s12 =	sadd.s32 @!p1 s5, s7;
	[sflag:s20] =	ssyncadd.s32 $0xFFFFC000  }
0x7f: {  	[tilespmem:s11], [sflag:$0x7] =	stream.linear.gather @!p1 [hbm4b:s12+s13], $0x800, $0x38;
	[tilespmem:$0x1E000] =	vst v63  }
0x80: {  	s9 =	sadd.s32 $0x1, s9;
	s7 =	sadd.s32 @!p1 s6, s7  }
0x81: {  	[tilespmem:s10], [sflag:$0x7] =	stream.linear.gather @!p1 [hbm4b:s7+s13], $0x800, $0x38;
	[tilespmem:$0x1E000] =	vst v63  }
0x82: {  	p1 =	sne.s32 s9, $0xA  }
.Ltmp5:
0x83: {  	_ = 	snop;
	(pc) =	sbr.rel @p1 .LBB2_2-.Ltmp5, $4  }
.Ltmp6:
0x84: {  	_ = 	snop;
	(pc) =	sbr.rel @!p1 .LBB2_7-.Ltmp6, $4  }
0x85: {  	_ = 	snop  }
0x86: {  	_ = 	snop  }
0x87: {  	p0 =	por !p0, !p0  }
0x88: {  	_ = 	snop  }
.LBB2_8:
0x89: {  	_ =	sfence.sel $0x180000  }
0x8a: {  	[bflag:$0x0] =	sbarrier.arrive $0xFFFF  }
0x8b: {  	_ =	strace $0x90000050  }
0x8c: {  	s0 =	stileid.u32;
	[bflag:$0x2] =	sbarrier.arrive $0xFFFF  }
0x8d: {  	p0 =	sne.s32 s0, $0x0;
	s0 =	rddreg [dreg:$0x2]  }
0x8e: {  	s0 =	sadd.s32 @!p0 $0x100000, s0  }
0x8f: {  	[sflag:s0] =	ssyncadd.tile.s32 @!p0 $0x1;
	_ =	shalt  }
.Lfunc_end2:
_tile_overlayer_lowered:
.L_overlay_start_2:
0x90: {  	(tag) =	ssettag $0x2  }
0x91: {  	s0 =	rddreg [dreg:$0x0];
	s2 =	stileid.u32  }
0x92: {  	s1 =	rddreg [dreg:$0x1];
	p0 =	sne.s32 s2, $0x0  }
0x93: {  	s3 =	rddreg [dreg:$0x2];
	[bflag:$0x3] =	sbarrier.arrive $0xFFFF;
	s2 =	simm.s32 @!p0 $0x1C09  }
0x94: {  	[timem:s3], [sflag:s2] =	dma.local @!p0 [hbm:s0], s1  }
0x95: {  	s0 =	simm.s32 @!p0 $0x9  }
0x96: {  	_ =	swait.ge @!p0 [sflag:s0], s1  }
0x97: {  	s1 =	ssub.s32 @!p0 $0x0, s1;
	[sflag:s0] =	ssyncset.done @!p0 $0x0  }
0x98: {  	[sflag:s0] =	ssyncadd.s32 @!p0 s1  }
0x99: {  	[bflag:$0x3] =	sbarrier.arrive $0xFFFF  }
0x9a: {  	_ =	shalt  }

</sc_bundles>
